<compile_context>
chip_gen: v7x
topology: tpu7x:2x2x1
jax: 0.10.2.dev20260603
libtpu: 0.0.44.dev20260713+nightly
codegen_flags: <defaults>
</compile_context>

<pallas_src>
import functools

import jax
import jax.numpy as jnp
from jax import lax
from jax.experimental import pallas as pl
from jax.experimental.pallas import tpu as pltpu
from jax.experimental.pallas import tpu_sc as plsc

NC = 2
NS = 16
CH = 128
BN = 1024
NG = 64


def _sc_degree(n_pad, e_pad):
    cpt = e_pad // (NC * NS * CH)
    rpt = n_pad // NS
    rchunks = rpt // CH
    mesh = plsc.VectorSubcoreMesh(
        core_axis_name="c", subcore_axis_name="s", num_cores=NC)

    @functools.partial(
        pl.kernel, mesh=mesh,
        out_type=jax.ShapeDtypeStruct((NC, n_pad, 16), jnp.float32),
        scratch_types=[
            pltpu.VMEM((CH,), jnp.int32),
            pltpu.VMEM((CH,), jnp.int32),
            pltpu.VMEM((CH, 16), jnp.float32),
            pltpu.VMEM((CH, 16), jnp.float32),
            pltpu.VMEM_SHARED((n_pad, 16), jnp.float32),
            pltpu.SemaphoreType.DMA,
            pltpu.SemaphoreType.DMA,
        ],
    )
    def deg_kernel(dst_hbm, out_hbm, didx0, didx1, ones_v, rows, acc,
                   ssem0, ssem1):
        c = lax.axis_index("c")
        s = lax.axis_index("s")
        z16 = jnp.zeros((16,), jnp.float32)
        o16 = jnp.ones((16,), jnp.float32)

        def fill(i, carry):
            rows[i] = z16
            ones_v[i] = o16
            return carry
        lax.fori_loop(0, CH, fill, 0)
        iota16 = lax.iota(jnp.int32, 16)
        for j in range(8):
            didx0[pl.ds(j * 16, 16)] = s * rpt + j * 16 + iota16
            didx1[pl.ds(j * 16, 16)] = s * rpt + CH + j * 16 + iota16

        def zero_chunk(k, carry):
            pltpu.sync_copy(rows, acc.at[pl.ds(s * rpt + k * CH, CH)])
            return carry
        lax.fori_loop(0, rchunks, zero_chunk, 0)
        plsc.subcore_barrier()

        pltpu.async_copy(rows, acc.at[didx0], ssem0, add=True)
        pltpu.async_copy(rows, acc.at[didx1], ssem1, add=True)

        tile_base = (c * NS + s) * (cpt * CH)

        def pair_step(g, carry):
            base = tile_base + g * (2 * CH)
            pltpu.make_async_copy(ones_v, acc.at[didx0], ssem0).wait()
            pltpu.sync_copy(dst_hbm.at[pl.ds(base, CH)], didx0)
            pltpu.async_copy(ones_v, acc.at[didx0], ssem0, add=True)
            pltpu.make_async_copy(ones_v, acc.at[didx1], ssem1).wait()
            pltpu.sync_copy(dst_hbm.at[pl.ds(base + CH, CH)], didx1)
            pltpu.async_copy(ones_v, acc.at[didx1], ssem1, add=True)
            return carry
        lax.fori_loop(0, cpt // 2, pair_step, 0)
        pltpu.make_async_copy(ones_v, acc.at[didx0], ssem0).wait()
        pltpu.make_async_copy(ones_v, acc.at[didx1], ssem1).wait()

        plsc.subcore_barrier()

        def readout(k, carry):
            pltpu.sync_copy(acc.at[pl.ds(s * rpt + k * CH, CH)], rows)
            pltpu.sync_copy(rows, out_hbm.at[c, pl.ds(s * rpt + k * CH, CH)])
            return carry
        lax.fori_loop(0, rchunks, readout, 0)

    return deg_kernel


def _sc_aggregate(n_pad, e_pad):
    cpt = e_pad // (NC * NS * CH)
    rpt = n_pad // NS
    rchunks = rpt // CH
    mesh = plsc.VectorSubcoreMesh(
        core_axis_name="c", subcore_axis_name="s", num_cores=NC)

    @functools.partial(
        pl.kernel, mesh=mesh,
        out_type=jax.ShapeDtypeStruct((NC, n_pad, 128), jnp.float32),
        scratch_types=[
            pltpu.VMEM((CH,), jnp.int32),
            pltpu.VMEM((CH,), jnp.int32),
            pltpu.VMEM((CH,), jnp.int32),
            pltpu.VMEM((CH,), jnp.int32),
            pltpu.VMEM((CH, 128), jnp.float32),
            pltpu.VMEM((CH, 128), jnp.float32),
            pltpu.VMEM_SHARED((n_pad, 128), jnp.float32),
            pltpu.SemaphoreType.DMA,
            pltpu.SemaphoreType.DMA,
            pltpu.SemaphoreType.DMA,
            pltpu.SemaphoreType.DMA,
        ],
    )
    def agg_kernel(y_hbm, src_hbm, dst_hbm, out_hbm, sidx0, didx0, sidx1,
                   didx1, rows0, rows1, acc, gsem0, gsem1, ssem0, ssem1):
        c = lax.axis_index("c")
        s = lax.axis_index("s")
        z16 = jnp.zeros((16,), jnp.float32)

        def fill_zero(i, carry):
            for j in range(8):
                rows0[i, pl.ds(j * 16, 16)] = z16
                rows1[i, pl.ds(j * 16, 16)] = z16
            return carry
        lax.fori_loop(0, CH, fill_zero, 0)
        iota16 = lax.iota(jnp.int32, 16)
        for j in range(8):
            didx0[pl.ds(j * 16, 16)] = s * rpt + j * 16 + iota16
            didx1[pl.ds(j * 16, 16)] = s * rpt + CH + j * 16 + iota16

        def zero_chunk(k, carry):
            pltpu.sync_copy(rows0, acc.at[pl.ds(s * rpt + k * CH, CH)])
            return carry
        lax.fori_loop(0, rchunks, zero_chunk, 0)
        plsc.subcore_barrier()

        pltpu.async_copy(rows0, acc.at[didx0], ssem0, add=True)
        pltpu.async_copy(rows1, acc.at[didx1], ssem1, add=True)

        tile_base = (c * NS + s) * (cpt * CH)

        def pair_step(g, carry):
            base = tile_base + g * (2 * CH)
            pltpu.make_async_copy(rows0, acc.at[didx0], ssem0).wait()
            pltpu.sync_copy(src_hbm.at[pl.ds(base, CH)], sidx0)
            pltpu.sync_copy(dst_hbm.at[pl.ds(base, CH)], didx0)
            g0 = pltpu.async_copy(y_hbm.at[sidx0], rows0, gsem0)
            pltpu.make_async_copy(rows1, acc.at[didx1], ssem1).wait()
            pltpu.sync_copy(src_hbm.at[pl.ds(base + CH, CH)], sidx1)
            pltpu.sync_copy(dst_hbm.at[pl.ds(base + CH, CH)], didx1)
            g1 = pltpu.async_copy(y_hbm.at[sidx1], rows1, gsem1)
            g0.wait()
            pltpu.async_copy(rows0, acc.at[didx0], ssem0, add=True)
            g1.wait()
            pltpu.async_copy(rows1, acc.at[didx1], ssem1, add=True)
            return carry
        lax.fori_loop(0, cpt // 2, pair_step, 0)
        pltpu.make_async_copy(rows0, acc.at[didx0], ssem0).wait()
        pltpu.make_async_copy(rows1, acc.at[didx1], ssem1).wait()

        plsc.subcore_barrier()

        def readout(k, carry):
            pltpu.sync_copy(acc.at[pl.ds(s * rpt + k * CH, CH)], rows0)
            pltpu.sync_copy(rows0, out_hbm.at[c, pl.ds(s * rpt + k * CH, CH)])
            return carry
        lax.fori_loop(0, rchunks, readout, 0)

    return agg_kernel


def _dinv_of(degp_blk):
    deg = jnp.sum(degp_blk[:, :, 0:1], axis=0) + 1.0
    return lax.rsqrt(deg)


def _tc_first(n_pad):
    grid = n_pad // BN

    def body(x_ref, w_ref, degp_ref, y_ref, dinv_ref):
        dinv = _dinv_of(degp_ref[...])
        y_ref[...] = jnp.dot(x_ref[...], w_ref[...],
                             preferred_element_type=jnp.float32) * dinv
        dinv_ref[...] = jnp.broadcast_to(dinv, (BN, 8))

    return pl.pallas_call(
        body,
        grid=(grid,),
        in_specs=[
            pl.BlockSpec((BN, 128), lambda i: (i, 0)),
            pl.BlockSpec((128, 128), lambda i: (0, 0)),
            pl.BlockSpec((NC, BN, 16), lambda i: (0, i, 0)),
        ],
        out_specs=[
            pl.BlockSpec((BN, 128), lambda i: (i, 0)),
            pl.BlockSpec((BN, 8), lambda i: (i, 0)),
        ],
        out_shape=[
            jax.ShapeDtypeStruct((n_pad, 128), jnp.float32),
            jax.ShapeDtypeStruct((n_pad, 8), jnp.float32),
        ],
    )


def _tc_mid(n_pad):
    grid = n_pad // BN

    def body(p_ref, y1_ref, dinv8_ref, b1_ref, w2_ref, y2_ref):
        dinv = dinv8_ref[:, 0:1]
        srow = (p_ref[0] + p_ref[1] + y1_ref[...]) * dinv
        h1 = jnp.maximum(srow + b1_ref[...], 0.0)
        y2_ref[...] = jnp.dot(h1, w2_ref[...],
                              preferred_element_type=jnp.float32) * dinv

    return pl.pallas_call(
        body,
        grid=(grid,),
        in_specs=[
            pl.BlockSpec((NC, BN, 128), lambda i: (0, i, 0)),
            pl.BlockSpec((BN, 128), lambda i: (i, 0)),
            pl.BlockSpec((BN, 8), lambda i: (i, 0)),
            pl.BlockSpec((1, 128), lambda i: (0, 0)),
            pl.BlockSpec((128, 128), lambda i: (0, 0)),
        ],
        out_specs=pl.BlockSpec((BN, 128), lambda i: (i, 0)),
        out_shape=jax.ShapeDtypeStruct((n_pad, 128), jnp.float32),
    )


def _tc_final(n_pad, n_out):
    grid = n_pad // BN

    def body(p_ref, y2_ref, dinv8_ref, b2_ref, batch_ref, fw1_ref, fb1_ref,
             fw2_ref, fb2_ref, out_ref, sums, cnt):
        i = pl.program_id(0)

        @pl.when(i == 0)
        def _():
            sums[...] = jnp.zeros_like(sums)
            cnt[...] = jnp.zeros_like(cnt)

        dinv = dinv8_ref[:, 0:1]
        srow = (p_ref[0] + p_ref[1] + y2_ref[...]) * dinv
        h2 = jnp.maximum(srow + b2_ref[...], 0.0)

        row_ids = lax.broadcasted_iota(jnp.int32, (NG, BN), 0)
        bmat = jnp.broadcast_to(batch_ref[...], (NG, BN))
        mask = (row_ids == bmat).astype(jnp.float32)
        sums[...] += jnp.dot(mask, h2, preferred_element_type=jnp.float32)
        cnt[...] += jnp.sum(mask, axis=1, keepdims=True)

        @pl.when(i == grid - 1)
        def _():
            g = sums[...] / jnp.maximum(cnt[...], 1.0)
            z1 = jnp.maximum(
                jnp.dot(g, fw1_ref[...],
                        preferred_element_type=jnp.float32) + fb1_ref[...],
                0.0)
            z2 = jnp.dot(z1, fw2_ref[...],
                         preferred_element_type=jnp.float32) + fb2_ref[...]
            m = jnp.max(z2, axis=1, keepdims=True)
            e = z2 - m
            out_ref[...] = e - jnp.log(
                jnp.sum(jnp.exp(e), axis=1, keepdims=True))

    return pl.pallas_call(
        body,
        grid=(grid,),
        in_specs=[
            pl.BlockSpec((NC, BN, 128), lambda i: (0, i, 0)),
            pl.BlockSpec((BN, 128), lambda i: (i, 0)),
            pl.BlockSpec((BN, 8), lambda i: (i, 0)),
            pl.BlockSpec((1, 128), lambda i: (0, 0)),
            pl.BlockSpec((1, BN), lambda i: (0, i)),
            pl.BlockSpec((128, 128), lambda i: (0, 0)),
            pl.BlockSpec((1, 128), lambda i: (0, 0)),
            pl.BlockSpec((128, n_out), lambda i: (0, 0)),
            pl.BlockSpec((1, n_out), lambda i: (0, 0)),
        ],
        out_specs=pl.BlockSpec((NG, n_out), lambda i: (0, 0)),
        out_shape=jax.ShapeDtypeStruct((NG, n_out), jnp.float32),
        scratch_shapes=[
            pltpu.VMEM((NG, 128), jnp.float32),
            pltpu.VMEM((NG, 1), jnp.float32),
        ],
    )


def kernel(x, edge_index, batch, W1, b1, W2, b2, fW1, fb1, fW2, fb2):
    n, _ = x.shape
    e = edge_index.shape[1]
    n_out = fW2.shape[1]

    grp = NS * CH
    n_pad = -(-(n + 1) // (NS * CH)) * (NS * CH)
    n_pad = -(-n_pad // BN) * BN
    e_grp = NC * NS * CH * 2
    e_pad = -(-e // e_grp) * e_grp
    del grp

    pad_idx = n + (jnp.arange(e_pad - e, dtype=jnp.int32) % (n_pad - n))
    src_p = jnp.concatenate([edge_index[0], pad_idx])
    dst_p = jnp.concatenate([edge_index[1], pad_idx])
    x_pad = jnp.pad(x, ((0, n_pad - n), (0, 0)))
    batch2 = jnp.concatenate(
        [batch, jnp.full((n_pad - n,), NG, jnp.int32)]).reshape(1, n_pad)

    degp = _sc_degree(n_pad, e_pad)(dst_p)
    y1, dinv8 = _tc_first(n_pad)(x_pad, W1, degp)
    agg = _sc_aggregate(n_pad, e_pad)
    p1 = agg(y1, src_p, dst_p)
    y2 = _tc_mid(n_pad)(p1, y1, dinv8, b1.reshape(1, -1), W2)
    p2 = agg(y2, src_p, dst_p)
    out = _tc_final(n_pad, n_out)(
        p2, y2, dinv8, b2.reshape(1, -1), batch2, fW1, fb1.reshape(1, -1),
        fW2, fb2.reshape(1, -1))
    return out

# --- scband reference (transcript-rebuilt; emitter-appended) ---
"""Pipeline reference for scband-graph-classifier-30124900614232 (READ-ONLY COPY).

The authoritative reference and input builder live on the scoring server;
editing this copy changes nothing except your own understanding.
"""

import jax, jax.numpy as jnp
import numpy as np

N = 10000
E = 320000
D = 128
H = 128
O = 10
G = 64


def setup_inputs(seed: int = 0) -> dict:
    key = jax.random.key(seed)
    ks = jax.random.split(key, 12)
    x = jax.random.normal(ks[0], (N, D), dtype=jnp.float32)
    edge_index = jax.random.randint(ks[1], (2, E), 0, N, dtype=jnp.int32)
    batch = jnp.sort(jax.random.randint(ks[2], (N,), 0, G, dtype=jnp.int32))
    W1 = jax.random.normal(ks[3], (D, H), dtype=jnp.float32) / np.sqrt(D)
    b1 = jnp.zeros((H,), dtype=jnp.float32)
    W2 = jax.random.normal(ks[4], (H, H), dtype=jnp.float32) / np.sqrt(H)
    b2 = jnp.zeros((H,), dtype=jnp.float32)
    fW1 = jax.random.normal(ks[5], (H, H), dtype=jnp.float32) / np.sqrt(H)
    fb1 = jnp.zeros((H,), dtype=jnp.float32)
    fW2 = jax.random.normal(ks[6], (H, O), dtype=jnp.float32) / np.sqrt(H)
    fb2 = jnp.zeros((O,), dtype=jnp.float32)
    return {"x": x, "edge_index": edge_index, "batch": batch,
            "W1": W1, "b1": b1, "W2": W2, "b2": b2,
            "fW1": fW1, "fb1": fb1, "fW2": fW2, "fb2": fb2}


def _gcn_conv(x, edge_index, W, b, num_nodes):
    # PyG-style GCNConv: add self-loops, symmetric normalization, linear transform
    loop = jnp.arange(num_nodes, dtype=edge_index.dtype)
    src = jnp.concatenate([edge_index[0], loop])
    dst = jnp.concatenate([edge_index[1], loop])
    deg = jnp.zeros((num_nodes,), dtype=x.dtype).at[dst].add(1.0)
    deg_inv_sqrt = jnp.where(deg > 0, deg ** -0.5, 0.0)
    norm = deg_inv_sqrt[src] * deg_inv_sqrt[dst]
    xw = x @ W
    msg = xw[src] * norm[:, None]
    out = jnp.zeros_like(xw).at[dst].add(msg)
    return out + b


def _global_mean_pool(x, batch, num_graphs):
    sums = jax.ops.segment_sum(x, batch, num_segments=num_graphs)
    counts = jax.ops.segment_sum(jnp.ones((x.shape[0],), dtype=x.dtype), batch, num_segments=num_graphs)
    return sums / jnp.maximum(counts, 1.0)[:, None]


def reference(x, edge_index, batch, W1, b1, W2, b2, fW1, fb1, fW2, fb2):
    # eval mode: dropout is identity
    h = jax.nn.relu(_gcn_conv(x, edge_index, W1, b1, N))
    h = jax.nn.relu(_gcn_conv(h, edge_index, W2, b2, N))
    g = _global_mean_pool(h, batch, G)
    g = jax.nn.relu(g @ fW1 + fb1)
    g = g @ fW2 + fb2
    return jax.nn.log_softmax(g, axis=1)

if __name__ == "__main__":
    import jax
    _d = setup_inputs()
    print(jax.jit(kernel)(*tuple(_d.values())))

</pallas_src>

<mosaic_0001>
#map = affine_map<(d0, d1) -> (0)>
#map1 = affine_map<(d0, d1) -> (0, 0, 0)>
module attributes {stable_mosaic.version = 14 : i64} {
  func.func @deg_kernel(%arg0: i32, %arg1: i32, %arg2: memref<327680xi32, #tpu.memory_space<hbm>>, %arg3: memref<2x10240x16xf32, #tpu.memory_space<hbm>>, %arg4: memref<128xi32, #tpu.memory_space<vmem>>, %arg5: memref<128xi32, #tpu.memory_space<vmem>>, %arg6: memref<128x16xf32, #tpu.memory_space<vmem>>, %arg7: memref<128x16xf32, #tpu.memory_space<vmem>>, %arg8: memref<10240x16xf32, #tpu.memory_space<vmem_shared>>, %arg9: memref<!tpu.dma_semaphore, #tpu.memory_space<semaphore_mem>>, %arg10: memref<!tpu.dma_semaphore, #tpu.memory_space<semaphore_mem>>) attributes {dimension_semantics = [#tpu.dimension_semantics<core_parallel>, #tpu.dimension_semantics<subcore_parallel>], iteration_bounds = array<i64: 2, 16>, scalar_prefetch = 0 : i64, scratch_operands = 7 : i64, tpu.core_type = #tpu.core_type<sc_vector_subcore>, window_params = [{transform_indices = #map}, {transform_indices = #map1}]} {
    %broadcast_in_dim3A = arith.constant 0.000000e+00 : f32
    %broadcast_in_dim3A_0 = vector.broadcast %broadcast_in_dim3A : f32 to vector<16xf32>
    %broadcast_in_dim3A_1 = arith.constant 1.000000e+00 : f32
    %broadcast_in_dim3A_2 = vector.broadcast %broadcast_in_dim3A_1 : f32 to vector<16xf32>
    %scan3A = arith.constant 0 : i32
    %scan3A_3 = arith.constant 0 : i32
    %scan3A_4 = arith.constant 128 : i32
    %scan3A_5 = arith.addi %scan3A_3, %scan3A_4 : i32
    %scan3A_6 = arith.constant 1 : i32
    scf.for %scan3A_215 = %scan3A_3 to %scan3A_5 step %scan3A_6  : i32 {
      %swap3A_216 = arith.index_cast %scan3A_215 : i32 to index
      %swap3A_217 = arith.constant 0 : index
      %swap3A_218 = tpu.vector_load %arg7[%swap3A_216, %swap3A_217] {strides = array<i32>} : memref<128x16xf32, #tpu.memory_space<vmem>>, vector<1x16xf32>,
      %swap3A_219 = vector.shape_cast %swap3A_218 : vector<1x16xf32> to vector<16xf32>
      %swap3A_220 = vector.shape_cast %broadcast_in_dim3A_0 : vector<16xf32> to vector<1x16xf32>
      tpu.vector_store %arg7[%swap3A_216, %swap3A_217], %swap3A_220 {strides = array<i32>} : memref<128x16xf32, #tpu.memory_space<vmem>>, vector<1x16xf32>,
      %swap3A_221 = arith.index_cast %scan3A_215 : i32 to index
      %swap3A_222 = arith.constant 0 : index
      %swap3A_223 = tpu.vector_load %arg6[%swap3A_221, %swap3A_222] {strides = array<i32>} : memref<128x16xf32, #tpu.memory_space<vmem>>, vector<1x16xf32>,
      %swap3A_224 = vector.shape_cast %swap3A_223 : vector<1x16xf32> to vector<16xf32>
      %swap3A_225 = vector.shape_cast %broadcast_in_dim3A_2 : vector<16xf32> to vector<1x16xf32>
      tpu.vector_store %arg6[%swap3A_221, %swap3A_222], %swap3A_225 {strides = array<i32>} : memref<128x16xf32, #tpu.memory_space<vmem>>, vector<1x16xf32>,
    }
    %scan3A_7 = arith.constant 128 : i32
    %iota3A = tpu.iota {dimensions = array<i32: 0>} : vector<16xi32>
    %mul3A = arith.constant 640 : i32
    %mul3A_8 = arith.muli %arg1, %mul3A : i32
    %add3A = arith.constant 0 : i32
    %add3A_9 = arith.addi %mul3A_8, %add3A : i32
    %add3A_10 = vector.broadcast %add3A_9 : i32 to vector<16xi32>
    %add3A_11 = arith.addi %add3A_10, %iota3A : vector<16xi32>
    %swap3A = arith.constant 0 : index
    %swap3A_12 = tpu.vector_load %arg4[%swap3A] {strides = array<i32>} : memref<128xi32, #tpu.memory_space<vmem>>, vector<16xi32>,
    %swap3A_13 = vector.shape_cast %swap3A_12 : vector<16xi32> to vector<16xi32>
    %swap3A_14 = vector.shape_cast %add3A_11 : vector<16xi32> to vector<16xi32>
    tpu.vector_store %arg4[%swap3A], %swap3A_14 {strides = array<i32>} : memref<128xi32, #tpu.memory_space<vmem>>, vector<16xi32>,
    %mul3A_15 = arith.constant 640 : i32
    %mul3A_16 = arith.muli %arg1, %mul3A_15 : i32
    %add3A_17 = arith.constant 128 : i32
    %add3A_18 = arith.addi %mul3A_16, %add3A_17 : i32
    %add3A_19 = arith.constant 0 : i32
    %add3A_20 = arith.addi %add3A_18, %add3A_19 : i32
    %add3A_21 = vector.broadcast %add3A_20 : i32 to vector<16xi32>
    %add3A_22 = arith.addi %add3A_21, %iota3A : vector<16xi32>
    %swap3A_23 = arith.constant 0 : index
    %swap3A_24 = tpu.vector_load %arg5[%swap3A_23] {strides = array<i32>} : memref<128xi32, #tpu.memory_space<vmem>>, vector<16xi32>,
    %swap3A_25 = vector.shape_cast %swap3A_24 : vector<16xi32> to vector<16xi32>
    %swap3A_26 = vector.shape_cast %add3A_22 : vector<16xi32> to vector<16xi32>
    tpu.vector_store %arg5[%swap3A_23], %swap3A_26 {strides = array<i32>} : memref<128xi32, #tpu.memory_space<vmem>>, vector<16xi32>,
    %mul3A_27 = arith.constant 640 : i32
    %mul3A_28 = arith.muli %arg1, %mul3A_27 : i32
    %add3A_29 = arith.constant 16 : i32
    %add3A_30 = arith.addi %mul3A_28, %add3A_29 : i32
    %add3A_31 = vector.broadcast %add3A_30 : i32 to vector<16xi32>
    %add3A_32 = arith.addi %add3A_31, %iota3A : vector<16xi32>
    %swap3A_33 = arith.constant 16 : index
    %swap3A_34 = tpu.vector_load %arg4[%swap3A_33] {strides = array<i32>} : memref<128xi32, #tpu.memory_space<vmem>>, vector<16xi32>,
    %swap3A_35 = vector.shape_cast %swap3A_34 : vector<16xi32> to vector<16xi32>
    %swap3A_36 = vector.shape_cast %add3A_32 : vector<16xi32> to vector<16xi32>
    tpu.vector_store %arg4[%swap3A_33], %swap3A_36 {strides = array<i32>} : memref<128xi32, #tpu.memory_space<vmem>>, vector<16xi32>,
    %mul3A_37 = arith.constant 640 : i32
    %mul3A_38 = arith.muli %arg1, %mul3A_37 : i32
    %add3A_39 = arith.constant 128 : i32
    %add3A_40 = arith.addi %mul3A_38, %add3A_39 : i32
    %add3A_41 = arith.constant 16 : i32
    %add3A_42 = arith.addi %add3A_40, %add3A_41 : i32
    %add3A_43 = vector.broadcast %add3A_42 : i32 to vector<16xi32>
    %add3A_44 = arith.addi %add3A_43, %iota3A : vector<16xi32>
    %swap3A_45 = arith.constant 16 : index
    %swap3A_46 = tpu.vector_load %arg5[%swap3A_45] {strides = array<i32>} : memref<128xi32, #tpu.memory_space<vmem>>, vector<16xi32>,
    %swap3A_47 = vector.shape_cast %swap3A_46 : vector<16xi32> to vector<16xi32>
    %swap3A_48 = vector.shape_cast %add3A_44 : vector<16xi32> to vector<16xi32>
    tpu.vector_store %arg5[%swap3A_45], %swap3A_48 {strides = array<i32>} : memref<128xi32, #tpu.memory_space<vmem>>, vector<16xi32>,
    %mul3A_49 = arith.constant 640 : i32
    %mul3A_50 = arith.muli %arg1, %mul3A_49 : i32
    %add3A_51 = arith.constant 32 : i32
    %add3A_52 = arith.addi %mul3A_50, %add3A_51 : i32
    %add3A_53 = vector.broadcast %add3A_52 : i32 to vector<16xi32>
    %add3A_54 = arith.addi %add3A_53, %iota3A : vector<16xi32>
    %swap3A_55 = arith.constant 32 : index
    %swap3A_56 = tpu.vector_load %arg4[%swap3A_55] {strides = array<i32>} : memref<128xi32, #tpu.memory_space<vmem>>, vector<16xi32>,
    %swap3A_57 = vector.shape_cast %swap3A_56 : vector<16xi32> to vector<16xi32>
    %swap3A_58 = vector.shape_cast %add3A_54 : vector<16xi32> to vector<16xi32>
    tpu.vector_store %arg4[%swap3A_55], %swap3A_58 {strides = array<i32>} : memref<128xi32, #tpu.memory_space<vmem>>, vector<16xi32>,
    %mul3A_59 = arith.constant 640 : i32
    %mul3A_60 = arith.muli %arg1, %mul3A_59 : i32
    %add3A_61 = arith.constant 128 : i32
    %add3A_62 = arith.addi %mul3A_60, %add3A_61 : i32
    %add3A_63 = arith.constant 32 : i32
    %add3A_64 = arith.addi %add3A_62, %add3A_63 : i32
    %add3A_65 = vector.broadcast %add3A_64 : i32 to vector<16xi32>
    %add3A_66 = arith.addi %add3A_65, %iota3A : vector<16xi32>
    %swap3A_67 = arith.constant 32 : index
    %swap3A_68 = tpu.vector_load %arg5[%swap3A_67] {strides = array<i32>} : memref<128xi32, #tpu.memory_space<vmem>>, vector<16xi32>,
    %swap3A_69 = vector.shape_cast %swap3A_68 : vector<16xi32> to vector<16xi32>
    %swap3A_70 = vector.shape_cast %add3A_66 : vector<16xi32> to vector<16xi32>
    tpu.vector_store %arg5[%swap3A_67], %swap3A_70 {strides = array<i32>} : memref<128xi32, #tpu.memory_space<vmem>>, vector<16xi32>,
    %mul3A_71 = arith.constant 640 : i32
    %mul3A_72 = arith.muli %arg1, %mul3A_71 : i32
    %add3A_73 = arith.constant 48 : i32
    %add3A_74 = arith.addi %mul3A_72, %add3A_73 : i32
    %add3A_75 = vector.broadcast %add3A_74 : i32 to vector<16xi32>
    %add3A_76 = arith.addi %add3A_75, %iota3A : vector<16xi32>
    %swap3A_77 = arith.constant 48 : index
    %swap3A_78 = tpu.vector_load %arg4[%swap3A_77] {strides = array<i32>} : memref<128xi32, #tpu.memory_space<vmem>>, vector<16xi32>,
    %swap3A_79 = vector.shape_cast %swap3A_78 : vector<16xi32> to vector<16xi32>
    %swap3A_80 = vector.shape_cast %add3A_76 : vector<16xi32> to vector<16xi32>
    tpu.vector_store %arg4[%swap3A_77], %swap3A_80 {strides = array<i32>} : memref<128xi32, #tpu.memory_space<vmem>>, vector<16xi32>,
    %mul3A_81 = arith.constant 640 : i32
    %mul3A_82 = arith.muli %arg1, %mul3A_81 : i32
    %add3A_83 = arith.constant 128 : i32
    %add3A_84 = arith.addi %mul3A_82, %add3A_83 : i32
    %add3A_85 = arith.constant 48 : i32
    %add3A_86 = arith.addi %add3A_84, %add3A_85 : i32
    %add3A_87 = vector.broadcast %add3A_86 : i32 to vector<16xi32>
    %add3A_88 = arith.addi %add3A_87, %iota3A : vector<16xi32>
    %swap3A_89 = arith.constant 48 : index
    %swap3A_90 = tpu.vector_load %arg5[%swap3A_89] {strides = array<i32>} : memref<128xi32, #tpu.memory_space<vmem>>, vector<16xi32>,
    %swap3A_91 = vector.shape_cast %swap3A_90 : vector<16xi32> to vector<16xi32>
    %swap3A_92 = vector.shape_cast %add3A_88 : vector<16xi32> to vector<16xi32>
    tpu.vector_store %arg5[%swap3A_89], %swap3A_92 {strides = array<i32>} : memref<128xi32, #tpu.memory_space<vmem>>, vector<16xi32>,
    %mul3A_93 = arith.constant 640 : i32
    %mul3A_94 = arith.muli %arg1, %mul3A_93 : i32
    %add3A_95 = arith.constant 64 : i32
    %add3A_96 = arith.addi %mul3A_94, %add3A_95 : i32
    %add3A_97 = vector.broadcast %add3A_96 : i32 to vector<16xi32>
    %add3A_98 = arith.addi %add3A_97, %iota3A : vector<16xi32>
    %swap3A_99 = arith.constant 64 : index
    %swap3A_100 = tpu.vector_load %arg4[%swap3A_99] {strides = array<i32>} : memref<128xi32, #tpu.memory_space<vmem>>, vector<16xi32>,
    %swap3A_101 = vector.shape_cast %swap3A_100 : vector<16xi32> to vector<16xi32>
    %swap3A_102 = vector.shape_cast %add3A_98 : vector<16xi32> to vector<16xi32>
    tpu.vector_store %arg4[%swap3A_99], %swap3A_102 {strides = array<i32>} : memref<128xi32, #tpu.memory_space<vmem>>, vector<16xi32>,
    %mul3A_103 = arith.constant 640 : i32
    %mul3A_104 = arith.muli %arg1, %mul3A_103 : i32
    %add3A_105 = arith.constant 128 : i32
    %add3A_106 = arith.addi %mul3A_104, %add3A_105 : i32
    %add3A_107 = arith.constant 64 : i32
    %add3A_108 = arith.addi %add3A_106, %add3A_107 : i32
    %add3A_109 = vector.broadcast %add3A_108 : i32 to vector<16xi32>
    %add3A_110 = arith.addi %add3A_109, %iota3A : vector<16xi32>
    %swap3A_111 = arith.constant 64 : index
    %swap3A_112 = tpu.vector_load %arg5[%swap3A_111] {strides = array<i32>} : memref<128xi32, #tpu.memory_space<vmem>>, vector<16xi32>,
    %swap3A_113 = vector.shape_cast %swap3A_112 : vector<16xi32> to vector<16xi32>
    %swap3A_114 = vector.shape_cast %add3A_110 : vector<16xi32> to vector<16xi32>
    tpu.vector_store %arg5[%swap3A_111], %swap3A_114 {strides = array<i32>} : memref<128xi32, #tpu.memory_space<vmem>>, vector<16xi32>,
    %mul3A_115 = arith.constant 640 : i32
    %mul3A_116 = arith.muli %arg1, %mul3A_115 : i32
    %add3A_117 = arith.constant 80 : i32
    %add3A_118 = arith.addi %mul3A_116, %add3A_117 : i32
    %add3A_119 = vector.broadcast %add3A_118 : i32 to vector<16xi32>
    %add3A_120 = arith.addi %add3A_119, %iota3A : vector<16xi32>
    %swap3A_121 = arith.constant 80 : index
    %swap3A_122 = tpu.vector_load %arg4[%swap3A_121] {strides = array<i32>} : memref<128xi32, #tpu.memory_space<vmem>>, vector<16xi32>,
    %swap3A_123 = vector.shape_cast %swap3A_122 : vector<16xi32> to vector<16xi32>
    %swap3A_124 = vector.shape_cast %add3A_120 : vector<16xi32> to vector<16xi32>
    tpu.vector_store %arg4[%swap3A_121], %swap3A_124 {strides = array<i32>} : memref<128xi32, #tpu.memory_space<vmem>>, vector<16xi32>,
    %mul3A_125 = arith.constant 640 : i32
    %mul3A_126 = arith.muli %arg1, %mul3A_125 : i32
    %add3A_127 = arith.constant 128 : i32
    %add3A_128 = arith.addi %mul3A_126, %add3A_127 : i32
    %add3A_129 = arith.constant 80 : i32
    %add3A_130 = arith.addi %add3A_128, %add3A_129 : i32
    %add3A_131 = vector.broadcast %add3A_130 : i32 to vector<16xi32>
    %add3A_132 = arith.addi %add3A_131, %iota3A : vector<16xi32>
    %swap3A_133 = arith.constant 80 : index
    %swap3A_134 = tpu.vector_load %arg5[%swap3A_133] {strides = array<i32>} : memref<128xi32, #tpu.memory_space<vmem>>, vector<16xi32>,
    %swap3A_135 = vector.shape_cast %swap3A_134 : vector<16xi32> to vector<16xi32>
    %swap3A_136 = vector.shape_cast %add3A_132 : vector<16xi32> to vector<16xi32>
    tpu.vector_store %arg5[%swap3A_133], %swap3A_136 {strides = array<i32>} : memref<128xi32, #tpu.memory_space<vmem>>, vector<16xi32>,
    %mul3A_137 = arith.constant 640 : i32
    %mul3A_138 = arith.muli %arg1, %mul3A_137 : i32
    %add3A_139 = arith.constant 96 : i32
    %add3A_140 = arith.addi %mul3A_138, %add3A_139 : i32
    %add3A_141 = vector.broadcast %add3A_140 : i32 to vector<16xi32>
    %add3A_142 = arith.addi %add3A_141, %iota3A : vector<16xi32>
    %swap3A_143 = arith.constant 96 : index
    %swap3A_144 = tpu.vector_load %arg4[%swap3A_143] {strides = array<i32>} : memref<128xi32, #tpu.memory_space<vmem>>, vector<16xi32>,
    %swap3A_145 = vector.shape_cast %swap3A_144 : vector<16xi32> to vector<16xi32>
    %swap3A_146 = vector.shape_cast %add3A_142 : vector<16xi32> to vector<16xi32>
    tpu.vector_store %arg4[%swap3A_143], %swap3A_146 {strides = array<i32>} : memref<128xi32, #tpu.memory_space<vmem>>, vector<16xi32>,
    %mul3A_147 = arith.constant 640 : i32
    %mul3A_148 = arith.muli %arg1, %mul3A_147 : i32
    %add3A_149 = arith.constant 128 : i32
    %add3A_150 = arith.addi %mul3A_148, %add3A_149 : i32
    %add3A_151 = arith.constant 96 : i32
    %add3A_152 = arith.addi %add3A_150, %add3A_151 : i32
    %add3A_153 = vector.broadcast %add3A_152 : i32 to vector<16xi32>
    %add3A_154 = arith.addi %add3A_153, %iota3A : vector<16xi32>
    %swap3A_155 = arith.constant 96 : index
    %swap3A_156 = tpu.vector_load %arg5[%swap3A_155] {strides = array<i32>} : memref<128xi32, #tpu.memory_space<vmem>>, vector<16xi32>,
    %swap3A_157 = vector.shape_cast %swap3A_156 : vector<16xi32> to vector<16xi32>
    %swap3A_158 = vector.shape_cast %add3A_154 : vector<16xi32> to vector<16xi32>
    tpu.vector_store %arg5[%swap3A_155], %swap3A_158 {strides = array<i32>} : memref<128xi32, #tpu.memory_space<vmem>>, vector<16xi32>,
    %mul3A_159 = arith.constant 640 : i32
    %mul3A_160 = arith.muli %arg1, %mul3A_159 : i32
    %add3A_161 = arith.constant 112 : i32
    %add3A_162 = arith.addi %mul3A_160, %add3A_161 : i32
    %add3A_163 = vector.broadcast %add3A_162 : i32 to vector<16xi32>
    %add3A_164 = arith.addi %add3A_163, %iota3A : vector<16xi32>
    %swap3A_165 = arith.constant 112 : index
    %swap3A_166 = tpu.vector_load %arg4[%swap3A_165] {strides = array<i32>} : memref<128xi32, #tpu.memory_space<vmem>>, vector<16xi32>,
    %swap3A_167 = vector.shape_cast %swap3A_166 : vector<16xi32> to vector<16xi32>
    %swap3A_168 = vector.shape_cast %add3A_164 : vector<16xi32> to vector<16xi32>
    tpu.vector_store %arg4[%swap3A_165], %swap3A_168 {strides = array<i32>} : memref<128xi32, #tpu.memory_space<vmem>>, vector<16xi32>,
    %mul3A_169 = arith.constant 640 : i32
    %mul3A_170 = arith.muli %arg1, %mul3A_169 : i32
    %add3A_171 = arith.constant 128 : i32
    %add3A_172 = arith.addi %mul3A_170, %add3A_171 : i32
    %add3A_173 = arith.constant 112 : i32
    %add3A_174 = arith.addi %add3A_172, %add3A_173 : i32
    %add3A_175 = vector.broadcast %add3A_174 : i32 to vector<16xi32>
    %add3A_176 = arith.addi %add3A_175, %iota3A : vector<16xi32>
    %swap3A_177 = arith.constant 112 : index
    %swap3A_178 = tpu.vector_load %arg5[%swap3A_177] {strides = array<i32>} : memref<128xi32, #tpu.memory_space<vmem>>, vector<16xi32>,
    %swap3A_179 = vector.shape_cast %swap3A_178 : vector<16xi32> to vector<16xi32>
    %swap3A_180 = vector.shape_cast %add3A_176 : vector<16xi32> to vector<16xi32>
    tpu.vector_store %arg5[%swap3A_177], %swap3A_180 {strides = array<i32>} : memref<128xi32, #tpu.memory_space<vmem>>, vector<16xi32>,
    %scan3A_181 = arith.constant 0 : i32
    %scan3A_182 = arith.constant 0 : i32
    %scan3A_183 = arith.constant 5 : i32
    %scan3A_184 = arith.addi %scan3A_182, %scan3A_183 : i32
    %scan3A_185 = arith.constant 1 : i32
    scf.for %scan3A_215 = %scan3A_182 to %scan3A_184 step %scan3A_185  : i32 {
      %mul3A_216 = arith.constant 640 : i32
      %mul3A_217 = arith.muli %arg1, %mul3A_216 : i32
      %mul3A_218 = arith.constant 128 : i32
      %mul3A_219 = arith.muli %scan3A_215, %mul3A_218 : i32
      %add3A_220 = arith.addi %mul3A_217, %mul3A_219 : i32
      "tpu.region"() ({
        %run_scoped3A = tpu.sem_alloc : memref<!tpu.dma_semaphore, #tpu.memory_space<semaphore_mem>>
        %dma_start3A_221 = arith.constant 0 : i32
        %dma_start3A_222 = tpu.memref_slice %arg8[%add3A_220, %dma_start3A_221] : memref<10240x16xf32, #tpu.memory_space<vmem_shared>> -> memref<128x16xf32, #tpu.memory_space<vmem_shared>>
        %dma_start3A_223 = arith.constant 0 : i32
        %dma_start3A_224 = tpu.memref_slice %arg8[%add3A_220, %dma_start3A_223] : memref<10240x16xf32, #tpu.memory_space<vmem_shared>> -> memref<128x16xf32, #tpu.memory_space<vmem_shared>>
        tpu.enqueue_dma source(%arg7 : memref<128x16xf32, #tpu.memory_space<vmem>>) target(%dma_start3A_224 : memref<128x16xf32, #tpu.memory_space<vmem_shared>>) target_semaphore(%run_scoped3A : memref<!tpu.dma_semaphore, #tpu.memory_space<semaphore_mem>>)
        %dma_wait3A_225 = arith.constant 0 : i32
        %dma_wait3A_226 = tpu.memref_slice %arg8[%add3A_220, %dma_wait3A_225] : memref<10240x16xf32, #tpu.memory_space<vmem_shared>> -> memref<128x16xf32, #tpu.memory_space<vmem_shared>>
        %dma_wait3A_227 = arith.constant 0 : i32
        %dma_wait3A_228 = tpu.memref_slice %arg8[%add3A_220, %dma_wait3A_227] : memref<10240x16xf32, #tpu.memory_space<vmem_shared>> -> memref<128x16xf32, #tpu.memory_space<vmem_shared>>
        tpu.wait_dma2 semaphore(%run_scoped3A : memref<!tpu.dma_semaphore, #tpu.memory_space<semaphore_mem>>) src(%arg7 : memref<128x16xf32, #tpu.memory_space<vmem>>) dst(%dma_wait3A_228 : memref<128x16xf32, #tpu.memory_space<vmem_shared>>)
        tpu.yield
      }) : () -> ()
    }
    %scan3A_186 = arith.constant 5 : i32
    %barrier3A = arith.constant 0 : index
    tpu.barrier barrier_id(%barrier3A)
    %dma_start3A = arith.constant 0 : i32
    %dma_start3A_187 = arith.constant 0 : i32
    %dma_start3A_188 = tpu.memref_slice %arg8[%dma_start3A, %dma_start3A_187] : memref<10240x16xf32, #tpu.memory_space<vmem_shared>> -> memref<10240x16xf32, #tpu.memory_space<vmem_shared>>
    tpu.enqueue_indirect_dma source(%arg7 : memref<128x16xf32, #tpu.memory_space<vmem>>) target(%dma_start3A_188 : memref<10240x16xf32, #tpu.memory_space<vmem_shared>>) offsets(%arg4 : memref<128xi32, #tpu.memory_space<vmem>>) semaphore(%arg9 : memref<!tpu.dma_semaphore, #tpu.memory_space<semaphore_mem>>) {add = true}
    %dma_start3A_189 = arith.constant 0 : i32
    %dma_start3A_190 = arith.constant 0 : i32
    %dma_start3A_191 = tpu.memref_slice %arg8[%dma_start3A_189, %dma_start3A_190] : memref<10240x16xf32, #tpu.memory_space<vmem_shared>> -> memref<10240x16xf32, #tpu.memory_space<vmem_shared>>
    tpu.enqueue_indirect_dma source(%arg7 : memref<128x16xf32, #tpu.memory_space<vmem>>) target(%dma_start3A_191 : memref<10240x16xf32, #tpu.memory_space<vmem_shared>>) offsets(%arg5 : memref<128xi32, #tpu.memory_space<vmem>>) semaphore(%arg10 : memref<!tpu.dma_semaphore, #tpu.memory_space<semaphore_mem>>) {add = true}
    %mul3A_192 = arith.constant 16 : i32
    %mul3A_193 = arith.muli %arg0, %mul3A_192 : i32
    %add3A_194 = arith.addi %mul3A_193, %arg1 : i32
    %mul3A_195 = arith.constant 10240 : i32
    %mul3A_196 = arith.muli %add3A_194, %mul3A_195 : i32
    %scan3A_197 = arith.constant 0 : i32
    %scan3A_198 = arith.constant 0 : i32
    %scan3A_199 = arith.constant 40 : i32
    %scan3A_200 = arith.addi %scan3A_198, %scan3A_199 : i32
    %scan3A_201 = arith.constant 1 : i32
    scf.for %scan3A_215 = %scan3A_198 to %scan3A_200 step %scan3A_201  : i32 {
      %mul3A_216 = arith.constant 256 : i32
      %mul3A_217 = arith.muli %scan3A_215, %mul3A_216 : i32
      %add3A_218 = arith.addi %mul3A_196, %mul3A_217 : i32
      %dma_wait3A_219 = arith.constant 0 : i32
      %dma_wait3A_220 = arith.constant 0 : i32
      %dma_wait3A_221 = tpu.memref_slice %arg8[%dma_wait3A_219, %dma_wait3A_220] : memref<10240x16xf32, #tpu.memory_space<vmem_shared>> -> memref<10240x16xf32, #tpu.memory_space<vmem_shared>>
      tpu.wait_indirect_dma semaphore(%arg9 : memref<!tpu.dma_semaphore, #tpu.memory_space<semaphore_mem>>) src(%arg6 : memref<128x16xf32, #tpu.memory_space<vmem>>) dst(%dma_wait3A_221 : memref<10240x16xf32, #tpu.memory_space<vmem_shared>>)
      "tpu.region"() ({
        %run_scoped3A = tpu.sem_alloc : memref<!tpu.dma_semaphore, #tpu.memory_space<semaphore_mem>>
        %dma_start3A_233 = tpu.memref_slice %arg2[%add3A_218] : memref<327680xi32, #tpu.memory_space<hbm>> -> memref<128xi32, #tpu.memory_space<hbm>>
        %dma_start3A_234 = tpu.memref_slice %arg2[%add3A_218] : memref<327680xi32, #tpu.memory_space<hbm>> -> memref<128xi32, #tpu.memory_space<hbm>>
        tpu.enqueue_dma source(%dma_start3A_234 : memref<128xi32, #tpu.memory_space<hbm>>) target(%arg4 : memref<128xi32, #tpu.memory_space<vmem>>) target_semaphore(%run_scoped3A : memref<!tpu.dma_semaphore, #tpu.memory_space<semaphore_mem>>)
        %dma_wait3A_235 = tpu.memref_slice %arg2[%add3A_218] : memref<327680xi32, #tpu.memory_space<hbm>> -> memref<128xi32, #tpu.memory_space<hbm>>
        %dma_wait3A_236 = tpu.memref_slice %arg2[%add3A_218] : memref<327680xi32, #tpu.memory_space<hbm>> -> memref<128xi32, #tpu.memory_space<hbm>>
        tpu.wait_dma2 semaphore(%run_scoped3A : memref<!tpu.dma_semaphore, #tpu.memory_space<semaphore_mem>>) src(%dma_wait3A_236 : memref<128xi32, #tpu.memory_space<hbm>>) dst(%arg4 : memref<128xi32, #tpu.memory_space<vmem>>)
        tpu.yield
      }) : () -> ()
      %dma_start3A_222 = arith.constant 0 : i32
      %dma_start3A_223 = arith.constant 0 : i32
      %dma_start3A_224 = tpu.memref_slice %arg8[%dma_start3A_222, %dma_start3A_223] : memref<10240x16xf32, #tpu.memory_space<vmem_shared>> -> memref<10240x16xf32, #tpu.memory_space<vmem_shared>>
      tpu.enqueue_indirect_dma source(%arg6 : memref<128x16xf32, #tpu.memory_space<vmem>>) target(%dma_start3A_224 : memref<10240x16xf32, #tpu.memory_space<vmem_shared>>) offsets(%arg4 : memref<128xi32, #tpu.memory_space<vmem>>) semaphore(%arg9 : memref<!tpu.dma_semaphore, #tpu.memory_space<semaphore_mem>>) {add = true}
      %dma_wait3A_225 = arith.constant 0 : i32
      %dma_wait3A_226 = arith.constant 0 : i32
      %dma_wait3A_227 = tpu.memref_slice %arg8[%dma_wait3A_225, %dma_wait3A_226] : memref<10240x16xf32, #tpu.memory_space<vmem_shared>> -> memref<10240x16xf32, #tpu.memory_space<vmem_shared>>
      tpu.wait_indirect_dma semaphore(%arg10 : memref<!tpu.dma_semaphore, #tpu.memory_space<semaphore_mem>>) src(%arg6 : memref<128x16xf32, #tpu.memory_space<vmem>>) dst(%dma_wait3A_227 : memref<10240x16xf32, #tpu.memory_space<vmem_shared>>)
      %add3A_228 = arith.constant 128 : i32
      %add3A_229 = arith.addi %add3A_218, %add3A_228 : i32
      "tpu.region"() ({
        %run_scoped3A = tpu.sem_alloc : memref<!tpu.dma_semaphore, #tpu.memory_space<semaphore_mem>>
        %dma_start3A_233 = tpu.memref_slice %arg2[%add3A_229] : memref<327680xi32, #tpu.memory_space<hbm>> -> memref<128xi32, #tpu.memory_space<hbm>>
        %dma_start3A_234 = tpu.memref_slice %arg2[%add3A_229] : memref<327680xi32, #tpu.memory_space<hbm>> -> memref<128xi32, #tpu.memory_space<hbm>>
        tpu.enqueue_dma source(%dma_start3A_234 : memref<128xi32, #tpu.memory_space<hbm>>) target(%arg5 : memref<128xi32, #tpu.memory_space<vmem>>) target_semaphore(%run_scoped3A : memref<!tpu.dma_semaphore, #tpu.memory_space<semaphore_mem>>)
        %dma_wait3A_235 = tpu.memref_slice %arg2[%add3A_229] : memref<327680xi32, #tpu.memory_space<hbm>> -> memref<128xi32, #tpu.memory_space<hbm>>
        %dma_wait3A_236 = tpu.memref_slice %arg2[%add3A_229] : memref<327680xi32, #tpu.memory_space<hbm>> -> memref<128xi32, #tpu.memory_space<hbm>>
        tpu.wait_dma2 semaphore(%run_scoped3A : memref<!tpu.dma_semaphore, #tpu.memory_space<semaphore_mem>>) src(%dma_wait3A_236 : memref<128xi32, #tpu.memory_space<hbm>>) dst(%arg5 : memref<128xi32, #tpu.memory_space<vmem>>)
        tpu.yield
      }) : () -> ()
      %dma_start3A_230 = arith.constant 0 : i32
      %dma_start3A_231 = arith.constant 0 : i32
      %dma_start3A_232 = tpu.memref_slice %arg8[%dma_start3A_230, %dma_start3A_231] : memref<10240x16xf32, #tpu.memory_space<vmem_shared>> -> memref<10240x16xf32, #tpu.memory_space<vmem_shared>>
      tpu.enqueue_indirect_dma source(%arg6 : memref<128x16xf32, #tpu.memory_space<vmem>>) target(%dma_start3A_232 : memref<10240x16xf32, #tpu.memory_space<vmem_shared>>) offsets(%arg5 : memref<128xi32, #tpu.memory_space<vmem>>) semaphore(%arg10 : memref<!tpu.dma_semaphore, #tpu.memory_space<semaphore_mem>>) {add = true}
    }
    %scan3A_202 = arith.constant 40 : i32
    %dma_wait3A = arith.constant 0 : i32
    %dma_wait3A_203 = arith.constant 0 : i32
    %dma_wait3A_204 = tpu.memref_slice %arg8[%dma_wait3A, %dma_wait3A_203] : memref<10240x16xf32, #tpu.memory_space<vmem_shared>> -> memref<10240x16xf32, #tpu.memory_space<vmem_shared>>
    tpu.wait_indirect_dma semaphore(%arg9 : memref<!tpu.dma_semaphore, #tpu.memory_space<semaphore_mem>>) src(%arg6 : memref<128x16xf32, #tpu.memory_space<vmem>>) dst(%dma_wait3A_204 : memref<10240x16xf32, #tpu.memory_space<vmem_shared>>)
    %dma_wait3A_205 = arith.constant 0 : i32
    %dma_wait3A_206 = arith.constant 0 : i32
    %dma_wait3A_207 = tpu.memref_slice %arg8[%dma_wait3A_205, %dma_wait3A_206] : memref<10240x16xf32, #tpu.memory_space<vmem_shared>> -> memref<10240x16xf32, #tpu.memory_space<vmem_shared>>
    tpu.wait_indirect_dma semaphore(%arg10 : memref<!tpu.dma_semaphore, #tpu.memory_space<semaphore_mem>>) src(%arg6 : memref<128x16xf32, #tpu.memory_space<vmem>>) dst(%dma_wait3A_207 : memref<10240x16xf32, #tpu.memory_space<vmem_shared>>)
    %barrier3A_208 = arith.constant 0 : index
    tpu.barrier barrier_id(%barrier3A_208)
    %scan3A_209 = arith.constant 0 : i32
    %scan3A_210 = arith.constant 0 : i32
    %scan3A_211 = arith.constant 5 : i32
    %scan3A_212 = arith.addi %scan3A_210, %scan3A_211 : i32
    %scan3A_213 = arith.constant 1 : i32
    scf.for %scan3A_215 = %scan3A_210 to %scan3A_212 step %scan3A_213  : i32 {
      %mul3A_216 = arith.constant 640 : i32
      %mul3A_217 = arith.muli %arg1, %mul3A_216 : i32
      %mul3A_218 = arith.constant 128 : i32
      %mul3A_219 = arith.muli %scan3A_215, %mul3A_218 : i32
      %add3A_220 = arith.addi %mul3A_217, %mul3A_219 : i32
      "tpu.region"() ({
        %run_scoped3A = tpu.sem_alloc : memref<!tpu.dma_semaphore, #tpu.memory_space<semaphore_mem>>
        %dma_start3A_226 = arith.constant 0 : i32
        %dma_start3A_227 = tpu.memref_slice %arg8[%add3A_220, %dma_start3A_226] : memref<10240x16xf32, #tpu.memory_space<vmem_shared>> -> memref<128x16xf32, #tpu.memory_space<vmem_shared>>
        %dma_start3A_228 = arith.constant 0 : i32
        %dma_start3A_229 = tpu.memref_slice %arg8[%add3A_220, %dma_start3A_228] : memref<10240x16xf32, #tpu.memory_space<vmem_shared>> -> memref<128x16xf32, #tpu.memory_space<vmem_shared>>
        tpu.enqueue_dma source(%dma_start3A_229 : memref<128x16xf32, #tpu.memory_space<vmem_shared>>) target(%arg7 : memref<128x16xf32, #tpu.memory_space<vmem>>) target_semaphore(%run_scoped3A : memref<!tpu.dma_semaphore, #tpu.memory_space<semaphore_mem>>)
        %dma_wait3A_230 = arith.constant 0 : i32
        %dma_wait3A_231 = tpu.memref_slice %arg8[%add3A_220, %dma_wait3A_230] : memref<10240x16xf32, #tpu.memory_space<vmem_shared>> -> memref<128x16xf32, #tpu.memory_space<vmem_shared>>
        %dma_wait3A_232 = arith.constant 0 : i32
        %dma_wait3A_233 = tpu.memref_slice %arg8[%add3A_220, %dma_wait3A_232] : memref<10240x16xf32, #tpu.memory_space<vmem_shared>> -> memref<128x16xf32, #tpu.memory_space<vmem_shared>>
        tpu.wait_dma2 semaphore(%run_scoped3A : memref<!tpu.dma_semaphore, #tpu.memory_space<semaphore_mem>>) src(%dma_wait3A_233 : memref<128x16xf32, #tpu.memory_space<vmem_shared>>) dst(%arg7 : memref<128x16xf32, #tpu.memory_space<vmem>>)
        tpu.yield
      }) : () -> ()
      %mul3A_221 = arith.constant 640 : i32
      %mul3A_222 = arith.muli %arg1, %mul3A_221 : i32
      %mul3A_223 = arith.constant 128 : i32
      %mul3A_224 = arith.muli %scan3A_215, %mul3A_223 : i32
      %add3A_225 = arith.addi %mul3A_222, %mul3A_224 : i32
      "tpu.region"() ({
        %run_scoped3A = tpu.sem_alloc : memref<!tpu.dma_semaphore, #tpu.memory_space<semaphore_mem>>
        %dma_start3A_226 = arith.constant 0 : i32
        %dma_start3A_227 = tpu.memref_slice %arg3[%arg0, %add3A_225, %dma_start3A_226] : memref<2x10240x16xf32, #tpu.memory_space<hbm>> -> memref<1x128x16xf32, #tpu.memory_space<hbm>>
        %dma_start3A_228 = tpu.memref_squeeze %dma_start3A_227 : memref<1x128x16xf32, #tpu.memory_space<hbm>> -> memref<128x16xf32, #tpu.memory_space<hbm>>
        %dma_start3A_229 = arith.constant 0 : i32
        %dma_start3A_230 = tpu.memref_slice %arg3[%arg0, %add3A_225, %dma_start3A_229] : memref<2x10240x16xf32, #tpu.memory_space<hbm>> -> memref<1x128x16xf32, #tpu.memory_space<hbm>>
        %dma_start3A_231 = tpu.memref_squeeze %dma_start3A_230 : memref<1x128x16xf32, #tpu.memory_space<hbm>> -> memref<128x16xf32, #tpu.memory_space<hbm>>
        tpu.enqueue_dma source(%arg7 : memref<128x16xf32, #tpu.memory_space<vmem>>) target(%dma_start3A_231 : memref<128x16xf32, #tpu.memory_space<hbm>>) target_semaphore(%run_scoped3A : memref<!tpu.dma_semaphore, #tpu.memory_space<semaphore_mem>>)
        %dma_wait3A_232 = arith.constant 0 : i32
        %dma_wait3A_233 = tpu.memref_slice %arg3[%arg0, %add3A_225, %dma_wait3A_232] : memref<2x10240x16xf32, #tpu.memory_space<hbm>> -> memref<1x128x16xf32, #tpu.memory_space<hbm>>
        %dma_wait3A_234 = tpu.memref_squeeze %dma_wait3A_233 : memref<1x128x16xf32, #tpu.memory_space<hbm>> -> memref<128x16xf32, #tpu.memory_space<hbm>>
        %dma_wait3A_235 = arith.constant 0 : i32
        %dma_wait3A_236 = tpu.memref_slice %arg3[%arg0, %add3A_225, %dma_wait3A_235] : memref<2x10240x16xf32, #tpu.memory_space<hbm>> -> memref<1x128x16xf32, #tpu.memory_space<hbm>>
        %dma_wait3A_237 = tpu.memref_squeeze %dma_wait3A_236 : memref<1x128x16xf32, #tpu.memory_space<hbm>> -> memref<128x16xf32, #tpu.memory_space<hbm>>
        tpu.wait_dma2 semaphore(%run_scoped3A : memref<!tpu.dma_semaphore, #tpu.memory_space<semaphore_mem>>) src(%arg7 : memref<128x16xf32, #tpu.memory_space<vmem>>) dst(%dma_wait3A_237 : memref<128x16xf32, #tpu.memory_space<hbm>>)
        tpu.yield
      }) : () -> ()
    }
    %scan3A_214 = arith.constant 5 : i32
    return
  }
}

#map = affine_map<(d0, d1) -> (0, 0)>
#map1 = affine_map<(d0, d1) -> (0)>
#map2 = affine_map<(d0, d1) -> (0, 0, 0)>
module attributes {stable_mosaic.version = 14 : i64} {
  func.func @agg_kernel(%arg0: i32, %arg1: i32, %arg2: memref<10240x128xf32, #tpu.memory_space<hbm>>, %arg3: memref<327680xi32, #tpu.memory_space<hbm>>, %arg4: memref<327680xi32, #tpu.memory_space<hbm>>, %arg5: memref<2x10240x128xf32, #tpu.memory_space<hbm>>, %arg6: memref<128xi32, #tpu.memory_space<vmem>>, %arg7: memref<128xi32, #tpu.memory_space<vmem>>, %arg8: memref<128xi32, #tpu.memory_space<vmem>>, %arg9: memref<128xi32, #tpu.memory_space<vmem>>, %arg10: memref<128x128xf32, #tpu.memory_space<vmem>>, %arg11: memref<128x128xf32, #tpu.memory_space<vmem>>, %arg12: memref<10240x128xf32, #tpu.memory_space<vmem_shared>>, %arg13: memref<!tpu.dma_semaphore, #tpu.memory_space<semaphore_mem>>, %arg14: memref<!tpu.dma_semaphore, #tpu.memory_space<semaphore_mem>>, %arg15: memref<!tpu.dma_semaphore, #tpu.memory_space<semaphore_mem>>, %arg16: memref<!tpu.dma_semaphore, #tpu.memory_space<semaphore_mem>>) attributes {dimension_semantics = [#tpu.dimension_semantics<core_parallel>, #tpu.dimension_semantics<subcore_parallel>], iteration_bounds = array<i64: 2, 16>, scalar_prefetch = 0 : i64, scratch_operands = 11 : i64, tpu.core_type = #tpu.core_type<sc_vector_subcore>, window_params = [{transform_indices = #map}, {transform_indices = #map1}, {transform_indices = #map1}, {transform_indices = #map2}]} {
    %broadcast_in_dim3A = arith.constant 0.000000e+00 : f32
    %broadcast_in_dim3A_0 = vector.broadcast %broadcast_in_dim3A : f32 to vector<16xf32>
    %scan3A = arith.constant 0 : i32
    %scan3A_1 = arith.constant 0 : i32
    %scan3A_2 = arith.constant 128 : i32
    %scan3A_3 = arith.addi %scan3A_1, %scan3A_2 : i32
    %scan3A_4 = arith.constant 1 : i32
    scf.for %scan3A_213 = %scan3A_1 to %scan3A_3 step %scan3A_4  : i32 {
      %swap3A_214 = arith.index_cast %scan3A_213 : i32 to index
      %swap3A_215 = arith.constant 0 : index
      %swap3A_216 = tpu.vector_load %arg10[%swap3A_214, %swap3A_215] {strides = array<i32>} : memref<128x128xf32, #tpu.memory_space<vmem>>, vector<1x16xf32>,
      %swap3A_217 = vector.shape_cast %swap3A_216 : vector<1x16xf32> to vector<16xf32>
      %swap3A_218 = vector.shape_cast %broadcast_in_dim3A_0 : vector<16xf32> to vector<1x16xf32>
      tpu.vector_store %arg10[%swap3A_214, %swap3A_215], %swap3A_218 {strides = array<i32>} : memref<128x128xf32, #tpu.memory_space<vmem>>, vector<1x16xf32>,
      %swap3A_219 = arith.index_cast %scan3A_213 : i32 to index
      %swap3A_220 = arith.constant 0 : index
      %swap3A_221 = tpu.vector_load %arg11[%swap3A_219, %swap3A_220] {strides = array<i32>} : memref<128x128xf32, #tpu.memory_space<vmem>>, vector<1x16xf32>,
      %swap3A_222 = vector.shape_cast %swap3A_221 : vector<1x16xf32> to vector<16xf32>
      %swap3A_223 = vector.shape_cast %broadcast_in_dim3A_0 : vector<16xf32> to vector<1x16xf32>
      tpu.vector_store %arg11[%swap3A_219, %swap3A_220], %swap3A_223 {strides = array<i32>} : memref<128x128xf32, #tpu.memory_space<vmem>>, vector<1x16xf32>,
      %swap3A_224 = arith.index_cast %scan3A_213 : i32 to index
      %swap3A_225 = arith.constant 16 : index
      %swap3A_226 = tpu.vector_load %arg10[%swap3A_224, %swap3A_225] {strides = array<i32>} : memref<128x128xf32, #tpu.memory_space<vmem>>, vector<1x16xf32>,
      %swap3A_227 = vector.shape_cast %swap3A_226 : vector<1x16xf32> to vector<16xf32>
      %swap3A_228 = vector.shape_cast %broadcast_in_dim3A_0 : vector<16xf32> to vector<1x16xf32>
      tpu.vector_store %arg10[%swap3A_224, %swap3A_225], %swap3A_228 {strides = array<i32>} : memref<128x128xf32, #tpu.memory_space<vmem>>, vector<1x16xf32>,
      %swap3A_229 = arith.index_cast %scan3A_213 : i32 to index
      %swap3A_230 = arith.constant 16 : index
      %swap3A_231 = tpu.vector_load %arg11[%swap3A_229, %swap3A_230] {strides = array<i32>} : memref<128x128xf32, #tpu.memory_space<vmem>>, vector<1x16xf32>,
      %swap3A_232 = vector.shape_cast %swap3A_231 : vector<1x16xf32> to vector<16xf32>
      %swap3A_233 = vector.shape_cast %broadcast_in_dim3A_0 : vector<16xf32> to vector<1x16xf32>
      tpu.vector_store %arg11[%swap3A_229, %swap3A_230], %swap3A_233 {strides = array<i32>} : memref<128x128xf32, #tpu.memory_space<vmem>>, vector<1x16xf32>,
      %swap3A_234 = arith.index_cast %scan3A_213 : i32 to index
      %swap3A_235 = arith.constant 32 : index
      %swap3A_236 = tpu.vector_load %arg10[%swap3A_234, %swap3A_235] {strides = array<i32>} : memref<128x128xf32, #tpu.memory_space<vmem>>, vector<1x16xf32>,
      %swap3A_237 = vector.shape_cast %swap3A_236 : vector<1x16xf32> to vector<16xf32>
      %swap3A_238 = vector.shape_cast %broadcast_in_dim3A_0 : vector<16xf32> to vector<1x16xf32>
      tpu.vector_store %arg10[%swap3A_234, %swap3A_235], %swap3A_238 {strides = array<i32>} : memref<128x128xf32, #tpu.memory_space<vmem>>, vector<1x16xf32>,
      %swap3A_239 = arith.index_cast %scan3A_213 : i32 to index
      %swap3A_240 = arith.constant 32 : index
      %swap3A_241 = tpu.vector_load %arg11[%swap3A_239, %swap3A_240] {strides = array<i32>} : memref<128x128xf32, #tpu.memory_space<vmem>>, vector<1x16xf32>,
      %swap3A_242 = vector.shape_cast %swap3A_241 : vector<1x16xf32> to vector<16xf32>
      %swap3A_243 = vector.shape_cast %broadcast_in_dim3A_0 : vector<16xf32> to vector<1x16xf32>
      tpu.vector_store %arg11[%swap3A_239, %swap3A_240], %swap3A_243 {strides = array<i32>} : memref<128x128xf32, #tpu.memory_space<vmem>>, vector<1x16xf32>,
      %swap3A_244 = arith.index_cast %scan3A_213 : i32 to index
      %swap3A_245 = arith.constant 48 : index
      %swap3A_246 = tpu.vector_load %arg10[%swap3A_244, %swap3A_245] {strides = array<i32>} : memref<128x128xf32, #tpu.memory_space<vmem>>, vector<1x16xf32>,
      %swap3A_247 = vector.shape_cast %swap3A_246 : vector<1x16xf32> to vector<16xf32>
      %swap3A_248 = vector.shape_cast %broadcast_in_dim3A_0 : vector<16xf32> to vector<1x16xf32>
      tpu.vector_store %arg10[%swap3A_244, %swap3A_245], %swap3A_248 {strides = array<i32>} : memref<128x128xf32, #tpu.memory_space<vmem>>, vector<1x16xf32>,
      %swap3A_249 = arith.index_cast %scan3A_213 : i32 to index
      %swap3A_250 = arith.constant 48 : index
      %swap3A_251 = tpu.vector_load %arg11[%swap3A_249, %swap3A_250] {strides = array<i32>} : memref<128x128xf32, #tpu.memory_space<vmem>>, vector<1x16xf32>,
      %swap3A_252 = vector.shape_cast %swap3A_251 : vector<1x16xf32> to vector<16xf32>
      %swap3A_253 = vector.shape_cast %broadcast_in_dim3A_0 : vector<16xf32> to vector<1x16xf32>
      tpu.vector_store %arg11[%swap3A_249, %swap3A_250], %swap3A_253 {strides = array<i32>} : memref<128x128xf32, #tpu.memory_space<vmem>>, vector<1x16xf32>,
      %swap3A_254 = arith.index_cast %scan3A_213 : i32 to index
      %swap3A_255 = arith.constant 64 : index
      %swap3A_256 = tpu.vector_load %arg10[%swap3A_254, %swap3A_255] {strides = array<i32>} : memref<128x128xf32, #tpu.memory_space<vmem>>, vector<1x16xf32>,
      %swap3A_257 = vector.shape_cast %swap3A_256 : vector<1x16xf32> to vector<16xf32>
      %swap3A_258 = vector.shape_cast %broadcast_in_dim3A_0 : vector<16xf32> to vector<1x16xf32>
      tpu.vector_store %arg10[%swap3A_254, %swap3A_255], %swap3A_258 {strides = array<i32>} : memref<128x128xf32, #tpu.memory_space<vmem>>, vector<1x16xf32>,
      %swap3A_259 = arith.index_cast %scan3A_213 : i32 to index
      %swap3A_260 = arith.constant 64 : index
      %swap3A_261 = tpu.vector_load %arg11[%swap3A_259, %swap3A_260] {strides = array<i32>} : memref<128x128xf32, #tpu.memory_space<vmem>>, vector<1x16xf32>,
      %swap3A_262 = vector.shape_cast %swap3A_261 : vector<1x16xf32> to vector<16xf32>
      %swap3A_263 = vector.shape_cast %broadcast_in_dim3A_0 : vector<16xf32> to vector<1x16xf32>
      tpu.vector_store %arg11[%swap3A_259, %swap3A_260], %swap3A_263 {strides = array<i32>} : memref<128x128xf32, #tpu.memory_space<vmem>>, vector<1x16xf32>,
      %swap3A_264 = arith.index_cast %scan3A_213 : i32 to index
      %swap3A_265 = arith.constant 80 : index
      %swap3A_266 = tpu.vector_load %arg10[%swap3A_264, %swap3A_265] {strides = array<i32>} : memref<128x128xf32, #tpu.memory_space<vmem>>, vector<1x16xf32>,
      %swap3A_267 = vector.shape_cast %swap3A_266 : vector<1x16xf32> to vector<16xf32>
      %swap3A_268 = vector.shape_cast %broadcast_in_dim3A_0 : vector<16xf32> to vector<1x16xf32>
      tpu.vector_store %arg10[%swap3A_264, %swap3A_265], %swap3A_268 {strides = array<i32>} : memref<128x128xf32, #tpu.memory_space<vmem>>, vector<1x16xf32>,
      %swap3A_269 = arith.index_cast %scan3A_213 : i32 to index
      %swap3A_270 = arith.constant 80 : index
      %swap3A_271 = tpu.vector_load %arg11[%swap3A_269, %swap3A_270] {strides = array<i32>} : memref<128x128xf32, #tpu.memory_space<vmem>>, vector<1x16xf32>,
      %swap3A_272 = vector.shape_cast %swap3A_271 : vector<1x16xf32> to vector<16xf32>
      %swap3A_273 = vector.shape_cast %broadcast_in_dim3A_0 : vector<16xf32> to vector<1x16xf32>
      tpu.vector_store %arg11[%swap3A_269, %swap3A_270], %swap3A_273 {strides = array<i32>} : memref<128x128xf32, #tpu.memory_space<vmem>>, vector<1x16xf32>,
      %swap3A_274 = arith.index_cast %scan3A_213 : i32 to index
      %swap3A_275 = arith.constant 96 : index
      %swap3A_276 = tpu.vector_load %arg10[%swap3A_274, %swap3A_275] {strides = array<i32>} : memref<128x128xf32, #tpu.memory_space<vmem>>, vector<1x16xf32>,
      %swap3A_277 = vector.shape_cast %swap3A_276 : vector<1x16xf32> to vector<16xf32>
      %swap3A_278 = vector.shape_cast %broadcast_in_dim3A_0 : vector<16xf32> to vector<1x16xf32>
      tpu.vector_store %arg10[%swap3A_274, %swap3A_275], %swap3A_278 {strides = array<i32>} : memref<128x128xf32, #tpu.memory_space<vmem>>, vector<1x16xf32>,
      %swap3A_279 = arith.index_cast %scan3A_213 : i32 to index
      %swap3A_280 = arith.constant 96 : index
      %swap3A_281 = tpu.vector_load %arg11[%swap3A_279, %swap3A_280] {strides = array<i32>} : memref<128x128xf32, #tpu.memory_space<vmem>>, vector<1x16xf32>,
      %swap3A_282 = vector.shape_cast %swap3A_281 : vector<1x16xf32> to vector<16xf32>
      %swap3A_283 = vector.shape_cast %broadcast_in_dim3A_0 : vector<16xf32> to vector<1x16xf32>
      tpu.vector_store %arg11[%swap3A_279, %swap3A_280], %swap3A_283 {strides = array<i32>} : memref<128x128xf32, #tpu.memory_space<vmem>>, vector<1x16xf32>,
      %swap3A_284 = arith.index_cast %scan3A_213 : i32 to index
      %swap3A_285 = arith.constant 112 : index
      %swap3A_286 = tpu.vector_load %arg10[%swap3A_284, %swap3A_285] {strides = array<i32>} : memref<128x128xf32, #tpu.memory_space<vmem>>, vector<1x16xf32>,
      %swap3A_287 = vector.shape_cast %swap3A_286 : vector<1x16xf32> to vector<16xf32>
      %swap3A_288 = vector.shape_cast %broadcast_in_dim3A_0 : vector<16xf32> to vector<1x16xf32>
      tpu.vector_store %arg10[%swap3A_284, %swap3A_285], %swap3A_288 {strides = array<i32>} : memref<128x128xf32, #tpu.memory_space<vmem>>, vector<1x16xf32>,
      %swap3A_289 = arith.index_cast %scan3A_213 : i32 to index
      %swap3A_290 = arith.constant 112 : index
      %swap3A_291 = tpu.vector_load %arg11[%swap3A_289, %swap3A_290] {strides = array<i32>} : memref<128x128xf32, #tpu.memory_space<vmem>>, vector<1x16xf32>,
      %swap3A_292 = vector.shape_cast %swap3A_291 : vector<1x16xf32> to vector<16xf32>
      %swap3A_293 = vector.shape_cast %broadcast_in_dim3A_0 : vector<16xf32> to vector<1x16xf32>
      tpu.vector_store %arg11[%swap3A_289, %swap3A_290], %swap3A_293 {strides = array<i32>} : memref<128x128xf32, #tpu.memory_space<vmem>>, vector<1x16xf32>,
    }
    %scan3A_5 = arith.constant 128 : i32
    %iota3A = tpu.iota {dimensions = array<i32: 0>} : vector<16xi32>
    %mul3A = arith.constant 640 : i32
    %mul3A_6 = arith.muli %arg1, %mul3A : i32
    %add3A = arith.constant 0 : i32
    %add3A_7 = arith.addi %mul3A_6, %add3A : i32
    %add3A_8 = vector.broadcast %add3A_7 : i32 to vector<16xi32>
    %add3A_9 = arith.addi %add3A_8, %iota3A : vector<16xi32>
    %swap3A = arith.constant 0 : index
    %swap3A_10 = tpu.vector_load %arg7[%swap3A] {strides = array<i32>} : memref<128xi32, #tpu.memory_space<vmem>>, vector<16xi32>,
    %swap3A_11 = vector.shape_cast %swap3A_10 : vector<16xi32> to vector<16xi32>
    %swap3A_12 = vector.shape_cast %add3A_9 : vector<16xi32> to vector<16xi32>
    tpu.vector_store %arg7[%swap3A], %swap3A_12 {strides = array<i32>} : memref<128xi32, #tpu.memory_space<vmem>>, vector<16xi32>,
    %mul3A_13 = arith.constant 640 : i32
    %mul3A_14 = arith.muli %arg1, %mul3A_13 : i32
    %add3A_15 = arith.constant 128 : i32
    %add3A_16 = arith.addi %mul3A_14, %add3A_15 : i32
    %add3A_17 = arith.constant 0 : i32
    %add3A_18 = arith.addi %add3A_16, %add3A_17 : i32
    %add3A_19 = vector.broadcast %add3A_18 : i32 to vector<16xi32>
    %add3A_20 = arith.addi %add3A_19, %iota3A : vector<16xi32>
    %swap3A_21 = arith.constant 0 : index
    %swap3A_22 = tpu.vector_load %arg9[%swap3A_21] {strides = array<i32>} : memref<128xi32, #tpu.memory_space<vmem>>, vector<16xi32>,
    %swap3A_23 = vector.shape_cast %swap3A_22 : vector<16xi32> to vector<16xi32>
    %swap3A_24 = vector.shape_cast %add3A_20 : vector<16xi32> to vector<16xi32>
    tpu.vector_store %arg9[%swap3A_21], %swap3A_24 {strides = array<i32>} : memref<128xi32, #tpu.memory_space<vmem>>, vector<16xi32>,
    %mul3A_25 = arith.constant 640 : i32
    %mul3A_26 = arith.muli %arg1, %mul3A_25 : i32
    %add3A_27 = arith.constant 16 : i32
    %add3A_28 = arith.addi %mul3A_26, %add3A_27 : i32
    %add3A_29 = vector.broadcast %add3A_28 : i32 to vector<16xi32>
    %add3A_30 = arith.addi %add3A_29, %iota3A : vector<16xi32>
    %swap3A_31 = arith.constant 16 : index
    %swap3A_32 = tpu.vector_load %arg7[%swap3A_31] {strides = array<i32>} : memref<128xi32, #tpu.memory_space<vmem>>, vector<16xi32>,
    %swap3A_33 = vector.shape_cast %swap3A_32 : vector<16xi32> to vector<16xi32>
    %swap3A_34 = vector.shape_cast %add3A_30 : vector<16xi32> to vector<16xi32>
    tpu.vector_store %arg7[%swap3A_31], %swap3A_34 {strides = array<i32>} : memref<128xi32, #tpu.memory_space<vmem>>, vector<16xi32>,
    %mul3A_35 = arith.constant 640 : i32
    %mul3A_36 = arith.muli %arg1, %mul3A_35 : i32
    %add3A_37 = arith.constant 128 : i32
    %add3A_38 = arith.addi %mul3A_36, %add3A_37 : i32
    %add3A_39 = arith.constant 16 : i32
    %add3A_40 = arith.addi %add3A_38, %add3A_39 : i32
    %add3A_41 = vector.broadcast %add3A_40 : i32 to vector<16xi32>
    %add3A_42 = arith.addi %add3A_41, %iota3A : vector<16xi32>
    %swap3A_43 = arith.constant 16 : index
    %swap3A_44 = tpu.vector_load %arg9[%swap3A_43] {strides = array<i32>} : memref<128xi32, #tpu.memory_space<vmem>>, vector<16xi32>,
    %swap3A_45 = vector.shape_cast %swap3A_44 : vector<16xi32> to vector<16xi32>
    %swap3A_46 = vector.shape_cast %add3A_42 : vector<16xi32> to vector<16xi32>
    tpu.vector_store %arg9[%swap3A_43], %swap3A_46 {strides = array<i32>} : memref<128xi32, #tpu.memory_space<vmem>>, vector<16xi32>,
    %mul3A_47 = arith.constant 640 : i32
    %mul3A_48 = arith.muli %arg1, %mul3A_47 : i32
    %add3A_49 = arith.constant 32 : i32
    %add3A_50 = arith.addi %mul3A_48, %add3A_49 : i32
    %add3A_51 = vector.broadcast %add3A_50 : i32 to vector<16xi32>
    %add3A_52 = arith.addi %add3A_51, %iota3A : vector<16xi32>
    %swap3A_53 = arith.constant 32 : index
    %swap3A_54 = tpu.vector_load %arg7[%swap3A_53] {strides = array<i32>} : memref<128xi32, #tpu.memory_space<vmem>>, vector<16xi32>,
    %swap3A_55 = vector.shape_cast %swap3A_54 : vector<16xi32> to vector<16xi32>
    %swap3A_56 = vector.shape_cast %add3A_52 : vector<16xi32> to vector<16xi32>
    tpu.vector_store %arg7[%swap3A_53], %swap3A_56 {strides = array<i32>} : memref<128xi32, #tpu.memory_space<vmem>>, vector<16xi32>,
    %mul3A_57 = arith.constant 640 : i32
    %mul3A_58 = arith.muli %arg1, %mul3A_57 : i32
    %add3A_59 = arith.constant 128 : i32
    %add3A_60 = arith.addi %mul3A_58, %add3A_59 : i32
    %add3A_61 = arith.constant 32 : i32
    %add3A_62 = arith.addi %add3A_60, %add3A_61 : i32
    %add3A_63 = vector.broadcast %add3A_62 : i32 to vector<16xi32>
    %add3A_64 = arith.addi %add3A_63, %iota3A : vector<16xi32>
    %swap3A_65 = arith.constant 32 : index
    %swap3A_66 = tpu.vector_load %arg9[%swap3A_65] {strides = array<i32>} : memref<128xi32, #tpu.memory_space<vmem>>, vector<16xi32>,
    %swap3A_67 = vector.shape_cast %swap3A_66 : vector<16xi32> to vector<16xi32>
    %swap3A_68 = vector.shape_cast %add3A_64 : vector<16xi32> to vector<16xi32>
    tpu.vector_store %arg9[%swap3A_65], %swap3A_68 {strides = array<i32>} : memref<128xi32, #tpu.memory_space<vmem>>, vector<16xi32>,
    %mul3A_69 = arith.constant 640 : i32
    %mul3A_70 = arith.muli %arg1, %mul3A_69 : i32
    %add3A_71 = arith.constant 48 : i32
    %add3A_72 = arith.addi %mul3A_70, %add3A_71 : i32
    %add3A_73 = vector.broadcast %add3A_72 : i32 to vector<16xi32>
    %add3A_74 = arith.addi %add3A_73, %iota3A : vector<16xi32>
    %swap3A_75 = arith.constant 48 : index
    %swap3A_76 = tpu.vector_load %arg7[%swap3A_75] {strides = array<i32>} : memref<128xi32, #tpu.memory_space<vmem>>, vector<16xi32>,
    %swap3A_77 = vector.shape_cast %swap3A_76 : vector<16xi32> to vector<16xi32>
    %swap3A_78 = vector.shape_cast %add3A_74 : vector<16xi32> to vector<16xi32>
    tpu.vector_store %arg7[%swap3A_75], %swap3A_78 {strides = array<i32>} : memref<128xi32, #tpu.memory_space<vmem>>, vector<16xi32>,
    %mul3A_79 = arith.constant 640 : i32
    %mul3A_80 = arith.muli %arg1, %mul3A_79 : i32
    %add3A_81 = arith.constant 128 : i32
    %add3A_82 = arith.addi %mul3A_80, %add3A_81 : i32
    %add3A_83 = arith.constant 48 : i32
    %add3A_84 = arith.addi %add3A_82, %add3A_83 : i32
    %add3A_85 = vector.broadcast %add3A_84 : i32 to vector<16xi32>
    %add3A_86 = arith.addi %add3A_85, %iota3A : vector<16xi32>
    %swap3A_87 = arith.constant 48 : index
    %swap3A_88 = tpu.vector_load %arg9[%swap3A_87] {strides = array<i32>} : memref<128xi32, #tpu.memory_space<vmem>>, vector<16xi32>,
    %swap3A_89 = vector.shape_cast %swap3A_88 : vector<16xi32> to vector<16xi32>
    %swap3A_90 = vector.shape_cast %add3A_86 : vector<16xi32> to vector<16xi32>
    tpu.vector_store %arg9[%swap3A_87], %swap3A_90 {strides = array<i32>} : memref<128xi32, #tpu.memory_space<vmem>>, vector<16xi32>,
    %mul3A_91 = arith.constant 640 : i32
    %mul3A_92 = arith.muli %arg1, %mul3A_91 : i32
    %add3A_93 = arith.constant 64 : i32
    %add3A_94 = arith.addi %mul3A_92, %add3A_93 : i32
    %add3A_95 = vector.broadcast %add3A_94 : i32 to vector<16xi32>
    %add3A_96 = arith.addi %add3A_95, %iota3A : vector<16xi32>
    %swap3A_97 = arith.constant 64 : index
    %swap3A_98 = tpu.vector_load %arg7[%swap3A_97] {strides = array<i32>} : memref<128xi32, #tpu.memory_space<vmem>>, vector<16xi32>,
    %swap3A_99 = vector.shape_cast %swap3A_98 : vector<16xi32> to vector<16xi32>
    %swap3A_100 = vector.shape_cast %add3A_96 : vector<16xi32> to vector<16xi32>
    tpu.vector_store %arg7[%swap3A_97], %swap3A_100 {strides = array<i32>} : memref<128xi32, #tpu.memory_space<vmem>>, vector<16xi32>,
    %mul3A_101 = arith.constant 640 : i32
    %mul3A_102 = arith.muli %arg1, %mul3A_101 : i32
    %add3A_103 = arith.constant 128 : i32
    %add3A_104 = arith.addi %mul3A_102, %add3A_103 : i32
    %add3A_105 = arith.constant 64 : i32
    %add3A_106 = arith.addi %add3A_104, %add3A_105 : i32
    %add3A_107 = vector.broadcast %add3A_106 : i32 to vector<16xi32>
    %add3A_108 = arith.addi %add3A_107, %iota3A : vector<16xi32>
    %swap3A_109 = arith.constant 64 : index
    %swap3A_110 = tpu.vector_load %arg9[%swap3A_109] {strides = array<i32>} : memref<128xi32, #tpu.memory_space<vmem>>, vector<16xi32>,
    %swap3A_111 = vector.shape_cast %swap3A_110 : vector<16xi32> to vector<16xi32>
    %swap3A_112 = vector.shape_cast %add3A_108 : vector<16xi32> to vector<16xi32>
    tpu.vector_store %arg9[%swap3A_109], %swap3A_112 {strides = array<i32>} : memref<128xi32, #tpu.memory_space<vmem>>, vector<16xi32>,
    %mul3A_113 = arith.constant 640 : i32
    %mul3A_114 = arith.muli %arg1, %mul3A_113 : i32
    %add3A_115 = arith.constant 80 : i32
    %add3A_116 = arith.addi %mul3A_114, %add3A_115 : i32
    %add3A_117 = vector.broadcast %add3A_116 : i32 to vector<16xi32>
    %add3A_118 = arith.addi %add3A_117, %iota3A : vector<16xi32>
    %swap3A_119 = arith.constant 80 : index
    %swap3A_120 = tpu.vector_load %arg7[%swap3A_119] {strides = array<i32>} : memref<128xi32, #tpu.memory_space<vmem>>, vector<16xi32>,
    %swap3A_121 = vector.shape_cast %swap3A_120 : vector<16xi32> to vector<16xi32>
    %swap3A_122 = vector.shape_cast %add3A_118 : vector<16xi32> to vector<16xi32>
    tpu.vector_store %arg7[%swap3A_119], %swap3A_122 {strides = array<i32>} : memref<128xi32, #tpu.memory_space<vmem>>, vector<16xi32>,
    %mul3A_123 = arith.constant 640 : i32
    %mul3A_124 = arith.muli %arg1, %mul3A_123 : i32
    %add3A_125 = arith.constant 128 : i32
    %add3A_126 = arith.addi %mul3A_124, %add3A_125 : i32
    %add3A_127 = arith.constant 80 : i32
    %add3A_128 = arith.addi %add3A_126, %add3A_127 : i32
    %add3A_129 = vector.broadcast %add3A_128 : i32 to vector<16xi32>
    %add3A_130 = arith.addi %add3A_129, %iota3A : vector<16xi32>
    %swap3A_131 = arith.constant 80 : index
    %swap3A_132 = tpu.vector_load %arg9[%swap3A_131] {strides = array<i32>} : memref<128xi32, #tpu.memory_space<vmem>>, vector<16xi32>,
    %swap3A_133 = vector.shape_cast %swap3A_132 : vector<16xi32> to vector<16xi32>
    %swap3A_134 = vector.shape_cast %add3A_130 : vector<16xi32> to vector<16xi32>
    tpu.vector_store %arg9[%swap3A_131], %swap3A_134 {strides = array<i32>} : memref<128xi32, #tpu.memory_space<vmem>>, vector<16xi32>,
    %mul3A_135 = arith.constant 640 : i32
    %mul3A_136 = arith.muli %arg1, %mul3A_135 : i32
    %add3A_137 = arith.constant 96 : i32
    %add3A_138 = arith.addi %mul3A_136, %add3A_137 : i32
    %add3A_139 = vector.broadcast %add3A_138 : i32 to vector<16xi32>
    %add3A_140 = arith.addi %add3A_139, %iota3A : vector<16xi32>
    %swap3A_141 = arith.constant 96 : index
    %swap3A_142 = tpu.vector_load %arg7[%swap3A_141] {strides = array<i32>} : memref<128xi32, #tpu.memory_space<vmem>>, vector<16xi32>,
    %swap3A_143 = vector.shape_cast %swap3A_142 : vector<16xi32> to vector<16xi32>
    %swap3A_144 = vector.shape_cast %add3A_140 : vector<16xi32> to vector<16xi32>
    tpu.vector_store %arg7[%swap3A_141], %swap3A_144 {strides = array<i32>} : memref<128xi32, #tpu.memory_space<vmem>>, vector<16xi32>,
    %mul3A_145 = arith.constant 640 : i32
    %mul3A_146 = arith.muli %arg1, %mul3A_145 : i32
    %add3A_147 = arith.constant 128 : i32
    %add3A_148 = arith.addi %mul3A_146, %add3A_147 : i32
    %add3A_149 = arith.constant 96 : i32
    %add3A_150 = arith.addi %add3A_148, %add3A_149 : i32
    %add3A_151 = vector.broadcast %add3A_150 : i32 to vector<16xi32>
    %add3A_152 = arith.addi %add3A_151, %iota3A : vector<16xi32>
    %swap3A_153 = arith.constant 96 : index
    %swap3A_154 = tpu.vector_load %arg9[%swap3A_153] {strides = array<i32>} : memref<128xi32, #tpu.memory_space<vmem>>, vector<16xi32>,
    %swap3A_155 = vector.shape_cast %swap3A_154 : vector<16xi32> to vector<16xi32>
    %swap3A_156 = vector.shape_cast %add3A_152 : vector<16xi32> to vector<16xi32>
    tpu.vector_store %arg9[%swap3A_153], %swap3A_156 {strides = array<i32>} : memref<128xi32, #tpu.memory_space<vmem>>, vector<16xi32>,
    %mul3A_157 = arith.constant 640 : i32
    %mul3A_158 = arith.muli %arg1, %mul3A_157 : i32
    %add3A_159 = arith.constant 112 : i32
    %add3A_160 = arith.addi %mul3A_158, %add3A_159 : i32
    %add3A_161 = vector.broadcast %add3A_160 : i32 to vector<16xi32>
    %add3A_162 = arith.addi %add3A_161, %iota3A : vector<16xi32>
    %swap3A_163 = arith.constant 112 : index
    %swap3A_164 = tpu.vector_load %arg7[%swap3A_163] {strides = array<i32>} : memref<128xi32, #tpu.memory_space<vmem>>, vector<16xi32>,
    %swap3A_165 = vector.shape_cast %swap3A_164 : vector<16xi32> to vector<16xi32>
    %swap3A_166 = vector.shape_cast %add3A_162 : vector<16xi32> to vector<16xi32>
    tpu.vector_store %arg7[%swap3A_163], %swap3A_166 {strides = array<i32>} : memref<128xi32, #tpu.memory_space<vmem>>, vector<16xi32>,
    %mul3A_167 = arith.constant 640 : i32
    %mul3A_168 = arith.muli %arg1, %mul3A_167 : i32
    %add3A_169 = arith.constant 128 : i32
    %add3A_170 = arith.addi %mul3A_168, %add3A_169 : i32
    %add3A_171 = arith.constant 112 : i32
    %add3A_172 = arith.addi %add3A_170, %add3A_171 : i32
    %add3A_173 = vector.broadcast %add3A_172 : i32 to vector<16xi32>
    %add3A_174 = arith.addi %add3A_173, %iota3A : vector<16xi32>
    %swap3A_175 = arith.constant 112 : index
    %swap3A_176 = tpu.vector_load %arg9[%swap3A_175] {strides = array<i32>} : memref<128xi32, #tpu.memory_space<vmem>>, vector<16xi32>,
    %swap3A_177 = vector.shape_cast %swap3A_176 : vector<16xi32> to vector<16xi32>
    %swap3A_178 = vector.shape_cast %add3A_174 : vector<16xi32> to vector<16xi32>
    tpu.vector_store %arg9[%swap3A_175], %swap3A_178 {strides = array<i32>} : memref<128xi32, #tpu.memory_space<vmem>>, vector<16xi32>,
    %scan3A_179 = arith.constant 0 : i32
    %scan3A_180 = arith.constant 0 : i32
    %scan3A_181 = arith.constant 5 : i32
    %scan3A_182 = arith.addi %scan3A_180, %scan3A_181 : i32
    %scan3A_183 = arith.constant 1 : i32
    scf.for %scan3A_213 = %scan3A_180 to %scan3A_182 step %scan3A_183  : i32 {
      %mul3A_214 = arith.constant 640 : i32
      %mul3A_215 = arith.muli %arg1, %mul3A_214 : i32
      %mul3A_216 = arith.constant 128 : i32
      %mul3A_217 = arith.muli %scan3A_213, %mul3A_216 : i32
      %add3A_218 = arith.addi %mul3A_215, %mul3A_217 : i32
      "tpu.region"() ({
        %run_scoped3A = tpu.sem_alloc : memref<!tpu.dma_semaphore, #tpu.memory_space<semaphore_mem>>
        %dma_start3A_219 = arith.constant 0 : i32
        %dma_start3A_220 = tpu.memref_slice %arg12[%add3A_218, %dma_start3A_219] : memref<10240x128xf32, #tpu.memory_space<vmem_shared>> -> memref<128x128xf32, #tpu.memory_space<vmem_shared>>
        %dma_start3A_221 = arith.constant 0 : i32
        %dma_start3A_222 = tpu.memref_slice %arg12[%add3A_218, %dma_start3A_221] : memref<10240x128xf32, #tpu.memory_space<vmem_shared>> -> memref<128x128xf32, #tpu.memory_space<vmem_shared>>
        tpu.enqueue_dma source(%arg10 : memref<128x128xf32, #tpu.memory_space<vmem>>) target(%dma_start3A_222 : memref<128x128xf32, #tpu.memory_space<vmem_shared>>) target_semaphore(%run_scoped3A : memref<!tpu.dma_semaphore, #tpu.memory_space<semaphore_mem>>)
        %dma_wait3A_223 = arith.constant 0 : i32
        %dma_wait3A_224 = tpu.memref_slice %arg12[%add3A_218, %dma_wait3A_223] : memref<10240x128xf32, #tpu.memory_space<vmem_shared>> -> memref<128x128xf32, #tpu.memory_space<vmem_shared>>
        %dma_wait3A_225 = arith.constant 0 : i32
        %dma_wait3A_226 = tpu.memref_slice %arg12[%add3A_218, %dma_wait3A_225] : memref<10240x128xf32, #tpu.memory_space<vmem_shared>> -> memref<128x128xf32, #tpu.memory_space<vmem_shared>>
        tpu.wait_dma2 semaphore(%run_scoped3A : memref<!tpu.dma_semaphore, #tpu.memory_space<semaphore_mem>>) src(%arg10 : memref<128x128xf32, #tpu.memory_space<vmem>>) dst(%dma_wait3A_226 : memref<128x128xf32, #tpu.memory_space<vmem_shared>>)
        tpu.yield
      }) : () -> ()
    }
    %scan3A_184 = arith.constant 5 : i32
    %barrier3A = arith.constant 0 : index
    tpu.barrier barrier_id(%barrier3A)
    %dma_start3A = arith.constant 0 : i32
    %dma_start3A_185 = arith.constant 0 : i32
    %dma_start3A_186 = tpu.memref_slice %arg12[%dma_start3A, %dma_start3A_185] : memref<10240x128xf32, #tpu.memory_space<vmem_shared>> -> memref<10240x128xf32, #tpu.memory_space<vmem_shared>>
    tpu.enqueue_indirect_dma source(%arg10 : memref<128x128xf32, #tpu.memory_space<vmem>>) target(%dma_start3A_186 : memref<10240x128xf32, #tpu.memory_space<vmem_shared>>) offsets(%arg7 : memref<128xi32, #tpu.memory_space<vmem>>) semaphore(%arg15 : memref<!tpu.dma_semaphore, #tpu.memory_space<semaphore_mem>>) {add = true}
    %dma_start3A_187 = arith.constant 0 : i32
    %dma_start3A_188 = arith.constant 0 : i32
    %dma_start3A_189 = tpu.memref_slice %arg12[%dma_start3A_187, %dma_start3A_188] : memref<10240x128xf32, #tpu.memory_space<vmem_shared>> -> memref<10240x128xf32, #tpu.memory_space<vmem_shared>>
    tpu.enqueue_indirect_dma source(%arg11 : memref<128x128xf32, #tpu.memory_space<vmem>>) target(%dma_start3A_189 : memref<10240x128xf32, #tpu.memory_space<vmem_shared>>) offsets(%arg9 : memref<128xi32, #tpu.memory_space<vmem>>) semaphore(%arg16 : memref<!tpu.dma_semaphore, #tpu.memory_space<semaphore_mem>>) {add = true}
    %mul3A_190 = arith.constant 16 : i32
    %mul3A_191 = arith.muli %arg0, %mul3A_190 : i32
    %add3A_192 = arith.addi %mul3A_191, %arg1 : i32
    %mul3A_193 = arith.constant 10240 : i32
    %mul3A_194 = arith.muli %add3A_192, %mul3A_193 : i32
    %scan3A_195 = arith.constant 0 : i32
    %scan3A_196 = arith.constant 0 : i32
    %scan3A_197 = arith.constant 40 : i32
    %scan3A_198 = arith.addi %scan3A_196, %scan3A_197 : i32
    %scan3A_199 = arith.constant 1 : i32
    scf.for %scan3A_213 = %scan3A_196 to %scan3A_198 step %scan3A_199  : i32 {
      %mul3A_214 = arith.constant 256 : i32
      %mul3A_215 = arith.muli %scan3A_213, %mul3A_214 : i32
      %add3A_216 = arith.addi %mul3A_194, %mul3A_215 : i32
      %dma_wait3A_217 = arith.constant 0 : i32
      %dma_wait3A_218 = arith.constant 0 : i32
      %dma_wait3A_219 = tpu.memref_slice %arg12[%dma_wait3A_217, %dma_wait3A_218] : memref<10240x128xf32, #tpu.memory_space<vmem_shared>> -> memref<10240x128xf32, #tpu.memory_space<vmem_shared>>
      tpu.wait_indirect_dma semaphore(%arg15 : memref<!tpu.dma_semaphore, #tpu.memory_space<semaphore_mem>>) src(%arg10 : memref<128x128xf32, #tpu.memory_space<vmem>>) dst(%dma_wait3A_219 : memref<10240x128xf32, #tpu.memory_space<vmem_shared>>)
      "tpu.region"() ({
        %run_scoped3A = tpu.sem_alloc : memref<!tpu.dma_semaphore, #tpu.memory_space<semaphore_mem>>
        %dma_start3A_245 = tpu.memref_slice %arg3[%add3A_216] : memref<327680xi32, #tpu.memory_space<hbm>> -> memref<128xi32, #tpu.memory_space<hbm>>
        %dma_start3A_246 = tpu.memref_slice %arg3[%add3A_216] : memref<327680xi32, #tpu.memory_space<hbm>> -> memref<128xi32, #tpu.memory_space<hbm>>
        tpu.enqueue_dma source(%dma_start3A_246 : memref<128xi32, #tpu.memory_space<hbm>>) target(%arg6 : memref<128xi32, #tpu.memory_space<vmem>>) target_semaphore(%run_scoped3A : memref<!tpu.dma_semaphore, #tpu.memory_space<semaphore_mem>>)
        %dma_wait3A_247 = tpu.memref_slice %arg3[%add3A_216] : memref<327680xi32, #tpu.memory_space<hbm>> -> memref<128xi32, #tpu.memory_space<hbm>>
        %dma_wait3A_248 = tpu.memref_slice %arg3[%add3A_216] : memref<327680xi32, #tpu.memory_space<hbm>> -> memref<128xi32, #tpu.memory_space<hbm>>
        tpu.wait_dma2 semaphore(%run_scoped3A : memref<!tpu.dma_semaphore, #tpu.memory_space<semaphore_mem>>) src(%dma_wait3A_248 : memref<128xi32, #tpu.memory_space<hbm>>) dst(%arg6 : memref<128xi32, #tpu.memory_space<vmem>>)
        tpu.yield
      }) : () -> ()
      "tpu.region"() ({
        %run_scoped3A = tpu.sem_alloc : memref<!tpu.dma_semaphore, #tpu.memory_space<semaphore_mem>>
        %dma_start3A_245 = tpu.memref_slice %arg4[%add3A_216] : memref<327680xi32, #tpu.memory_space<hbm>> -> memref<128xi32, #tpu.memory_space<hbm>>
        %dma_start3A_246 = tpu.memref_slice %arg4[%add3A_216] : memref<327680xi32, #tpu.memory_space<hbm>> -> memref<128xi32, #tpu.memory_space<hbm>>
        tpu.enqueue_dma source(%dma_start3A_246 : memref<128xi32, #tpu.memory_space<hbm>>) target(%arg7 : memref<128xi32, #tpu.memory_space<vmem>>) target_semaphore(%run_scoped3A : memref<!tpu.dma_semaphore, #tpu.memory_space<semaphore_mem>>)
        %dma_wait3A_247 = tpu.memref_slice %arg4[%add3A_216] : memref<327680xi32, #tpu.memory_space<hbm>> -> memref<128xi32, #tpu.memory_space<hbm>>
        %dma_wait3A_248 = tpu.memref_slice %arg4[%add3A_216] : memref<327680xi32, #tpu.memory_space<hbm>> -> memref<128xi32, #tpu.memory_space<hbm>>
        tpu.wait_dma2 semaphore(%run_scoped3A : memref<!tpu.dma_semaphore, #tpu.memory_space<semaphore_mem>>) src(%dma_wait3A_248 : memref<128xi32, #tpu.memory_space<hbm>>) dst(%arg7 : memref<128xi32, #tpu.memory_space<vmem>>)
        tpu.yield
      }) : () -> ()
      %dma_start3A_220 = arith.constant 0 : i32
      %dma_start3A_221 = arith.constant 0 : i32
      %dma_start3A_222 = tpu.memref_slice %arg2[%dma_start3A_220, %dma_start3A_221] : memref<10240x128xf32, #tpu.memory_space<hbm>> -> memref<10240x128xf32, #tpu.memory_space<hbm>>
      tpu.enqueue_indirect_dma source(%dma_start3A_222 : memref<10240x128xf32, #tpu.memory_space<hbm>>) target(%arg10 : memref<128x128xf32, #tpu.memory_space<vmem>>) offsets(%arg6 : memref<128xi32, #tpu.memory_space<vmem>>) semaphore(%arg13 : memref<!tpu.dma_semaphore, #tpu.memory_space<semaphore_mem>>)
      %dma_wait3A_223 = arith.constant 0 : i32
      %dma_wait3A_224 = arith.constant 0 : i32
      %dma_wait3A_225 = tpu.memref_slice %arg12[%dma_wait3A_223, %dma_wait3A_224] : memref<10240x128xf32, #tpu.memory_space<vmem_shared>> -> memref<10240x128xf32, #tpu.memory_space<vmem_shared>>
      tpu.wait_indirect_dma semaphore(%arg16 : memref<!tpu.dma_semaphore, #tpu.memory_space<semaphore_mem>>) src(%arg11 : memref<128x128xf32, #tpu.memory_space<vmem>>) dst(%dma_wait3A_225 : memref<10240x128xf32, #tpu.memory_space<vmem_shared>>)
      %add3A_226 = arith.constant 128 : i32
      %add3A_227 = arith.addi %add3A_216, %add3A_226 : i32
      "tpu.region"() ({
        %run_scoped3A = tpu.sem_alloc : memref<!tpu.dma_semaphore, #tpu.memory_space<semaphore_mem>>
        %dma_start3A_245 = tpu.memref_slice %arg3[%add3A_227] : memref<327680xi32, #tpu.memory_space<hbm>> -> memref<128xi32, #tpu.memory_space<hbm>>
        %dma_start3A_246 = tpu.memref_slice %arg3[%add3A_227] : memref<327680xi32, #tpu.memory_space<hbm>> -> memref<128xi32, #tpu.memory_space<hbm>>
        tpu.enqueue_dma source(%dma_start3A_246 : memref<128xi32, #tpu.memory_space<hbm>>) target(%arg8 : memref<128xi32, #tpu.memory_space<vmem>>) target_semaphore(%run_scoped3A : memref<!tpu.dma_semaphore, #tpu.memory_space<semaphore_mem>>)
        %dma_wait3A_247 = tpu.memref_slice %arg3[%add3A_227] : memref<327680xi32, #tpu.memory_space<hbm>> -> memref<128xi32, #tpu.memory_space<hbm>>
        %dma_wait3A_248 = tpu.memref_slice %arg3[%add3A_227] : memref<327680xi32, #tpu.memory_space<hbm>> -> memref<128xi32, #tpu.memory_space<hbm>>
        tpu.wait_dma2 semaphore(%run_scoped3A : memref<!tpu.dma_semaphore, #tpu.memory_space<semaphore_mem>>) src(%dma_wait3A_248 : memref<128xi32, #tpu.memory_space<hbm>>) dst(%arg8 : memref<128xi32, #tpu.memory_space<vmem>>)
        tpu.yield
      }) : () -> ()
      %add3A_228 = arith.constant 128 : i32
      %add3A_229 = arith.addi %add3A_216, %add3A_228 : i32
      "tpu.region"() ({
        %run_scoped3A = tpu.sem_alloc : memref<!tpu.dma_semaphore, #tpu.memory_space<semaphore_mem>>
        %dma_start3A_245 = tpu.memref_slice %arg4[%add3A_229] : memref<327680xi32, #tpu.memory_space<hbm>> -> memref<128xi32, #tpu.memory_space<hbm>>
        %dma_start3A_246 = tpu.memref_slice %arg4[%add3A_229] : memref<327680xi32, #tpu.memory_space<hbm>> -> memref<128xi32, #tpu.memory_space<hbm>>
        tpu.enqueue_dma source(%dma_start3A_246 : memref<128xi32, #tpu.memory_space<hbm>>) target(%arg9 : memref<128xi32, #tpu.memory_space<vmem>>) target_semaphore(%run_scoped3A : memref<!tpu.dma_semaphore, #tpu.memory_space<semaphore_mem>>)
        %dma_wait3A_247 = tpu.memref_slice %arg4[%add3A_229] : memref<327680xi32, #tpu.memory_space<hbm>> -> memref<128xi32, #tpu.memory_space<hbm>>
        %dma_wait3A_248 = tpu.memref_slice %arg4[%add3A_229] : memref<327680xi32, #tpu.memory_space<hbm>> -> memref<128xi32, #tpu.memory_space<hbm>>
        tpu.wait_dma2 semaphore(%run_scoped3A : memref<!tpu.dma_semaphore, #tpu.memory_space<semaphore_mem>>) src(%dma_wait3A_248 : memref<128xi32, #tpu.memory_space<hbm>>) dst(%arg9 : memref<128xi32, #tpu.memory_space<vmem>>)
        tpu.yield
      }) : () -> ()
      %dma_start3A_230 = arith.constant 0 : i32
      %dma_start3A_231 = arith.constant 0 : i32
      %dma_start3A_232 = tpu.memref_slice %arg2[%dma_start3A_230, %dma_start3A_231] : memref<10240x128xf32, #tpu.memory_space<hbm>> -> memref<10240x128xf32, #tpu.memory_space<hbm>>
      tpu.enqueue_indirect_dma source(%dma_start3A_232 : memref<10240x128xf32, #tpu.memory_space<hbm>>) target(%arg11 : memref<128x128xf32, #tpu.memory_space<vmem>>) offsets(%arg8 : memref<128xi32, #tpu.memory_space<vmem>>) semaphore(%arg14 : memref<!tpu.dma_semaphore, #tpu.memory_space<semaphore_mem>>)
      %dma_wait3A_233 = arith.constant 0 : i32
      %dma_wait3A_234 = arith.constant 0 : i32
      %dma_wait3A_235 = tpu.memref_slice %arg2[%dma_wait3A_233, %dma_wait3A_234] : memref<10240x128xf32, #tpu.memory_space<hbm>> -> memref<10240x128xf32, #tpu.memory_space<hbm>>
      tpu.wait_indirect_dma semaphore(%arg13 : memref<!tpu.dma_semaphore, #tpu.memory_space<semaphore_mem>>) src(%dma_wait3A_235 : memref<10240x128xf32, #tpu.memory_space<hbm>>) dst(%arg10 : memref<128x128xf32, #tpu.memory_space<vmem>>)
      %dma_start3A_236 = arith.constant 0 : i32
      %dma_start3A_237 = arith.constant 0 : i32
      %dma_start3A_238 = tpu.memref_slice %arg12[%dma_start3A_236, %dma_start3A_237] : memref<10240x128xf32, #tpu.memory_space<vmem_shared>> -> memref<10240x128xf32, #tpu.memory_space<vmem_shared>>
      tpu.enqueue_indirect_dma source(%arg10 : memref<128x128xf32, #tpu.memory_space<vmem>>) target(%dma_start3A_238 : memref<10240x128xf32, #tpu.memory_space<vmem_shared>>) offsets(%arg7 : memref<128xi32, #tpu.memory_space<vmem>>) semaphore(%arg15 : memref<!tpu.dma_semaphore, #tpu.memory_space<semaphore_mem>>) {add = true}
      %dma_wait3A_239 = arith.constant 0 : i32
      %dma_wait3A_240 = arith.constant 0 : i32
      %dma_wait3A_241 = tpu.memref_slice %arg2[%dma_wait3A_239, %dma_wait3A_240] : memref<10240x128xf32, #tpu.memory_space<hbm>> -> memref<10240x128xf32, #tpu.memory_space<hbm>>
      tpu.wait_indirect_dma semaphore(%arg14 : memref<!tpu.dma_semaphore, #tpu.memory_space<semaphore_mem>>) src(%dma_wait3A_241 : memref<10240x128xf32, #tpu.memory_space<hbm>>) dst(%arg11 : memref<128x128xf32, #tpu.memory_space<vmem>>)
      %dma_start3A_242 = arith.constant 0 : i32
      %dma_start3A_243 = arith.constant 0 : i32
      %dma_start3A_244 = tpu.memref_slice %arg12[%dma_start3A_242, %dma_start3A_243] : memref<10240x128xf32, #tpu.memory_space<vmem_shared>> -> memref<10240x128xf32, #tpu.memory_space<vmem_shared>>
      tpu.enqueue_indirect_dma source(%arg11 : memref<128x128xf32, #tpu.memory_space<vmem>>) target(%dma_start3A_244 : memref<10240x128xf32, #tpu.memory_space<vmem_shared>>) offsets(%arg9 : memref<128xi32, #tpu.memory_space<vmem>>) semaphore(%arg16 : memref<!tpu.dma_semaphore, #tpu.memory_space<semaphore_mem>>) {add = true}
    }
    %scan3A_200 = arith.constant 40 : i32
    %dma_wait3A = arith.constant 0 : i32
    %dma_wait3A_201 = arith.constant 0 : i32
    %dma_wait3A_202 = tpu.memref_slice %arg12[%dma_wait3A, %dma_wait3A_201] : memref<10240x128xf32, #tpu.memory_space<vmem_shared>> -> memref<10240x128xf32, #tpu.memory_space<vmem_shared>>
    tpu.wait_indirect_dma semaphore(%arg15 : memref<!tpu.dma_semaphore, #tpu.memory_space<semaphore_mem>>) src(%arg10 : memref<128x128xf32, #tpu.memory_space<vmem>>) dst(%dma_wait3A_202 : memref<10240x128xf32, #tpu.memory_space<vmem_shared>>)
    %dma_wait3A_203 = arith.constant 0 : i32
    %dma_wait3A_204 = arith.constant 0 : i32
    %dma_wait3A_205 = tpu.memref_slice %arg12[%dma_wait3A_203, %dma_wait3A_204] : memref<10240x128xf32, #tpu.memory_space<vmem_shared>> -> memref<10240x128xf32, #tpu.memory_space<vmem_shared>>
    tpu.wait_indirect_dma semaphore(%arg16 : memref<!tpu.dma_semaphore, #tpu.memory_space<semaphore_mem>>) src(%arg11 : memref<128x128xf32, #tpu.memory_space<vmem>>) dst(%dma_wait3A_205 : memref<10240x128xf32, #tpu.memory_space<vmem_shared>>)
    %barrier3A_206 = arith.constant 0 : index
    tpu.barrier barrier_id(%barrier3A_206)
    %scan3A_207 = arith.constant 0 : i32
    %scan3A_208 = arith.constant 0 : i32
    %scan3A_209 = arith.constant 5 : i32
    %scan3A_210 = arith.addi %scan3A_208, %scan3A_209 : i32
    %scan3A_211 = arith.constant 1 : i32
    scf.for %scan3A_213 = %scan3A_208 to %scan3A_210 step %scan3A_211  : i32 {
      %mul3A_214 = arith.constant 640 : i32
      %mul3A_215 = arith.muli %arg1, %mul3A_214 : i32
      %mul3A_216 = arith.constant 128 : i32
      %mul3A_217 = arith.muli %scan3A_213, %mul3A_216 : i32
      %add3A_218 = arith.addi %mul3A_215, %mul3A_217 : i32
      "tpu.region"() ({
        %run_scoped3A = tpu.sem_alloc : memref<!tpu.dma_semaphore, #tpu.memory_space<semaphore_mem>>
        %dma_start3A_224 = arith.constant 0 : i32
        %dma_start3A_225 = tpu.memref_slice %arg12[%add3A_218, %dma_start3A_224] : memref<10240x128xf32, #tpu.memory_space<vmem_shared>> -> memref<128x128xf32, #tpu.memory_space<vmem_shared>>
        %dma_start3A_226 = arith.constant 0 : i32
        %dma_start3A_227 = tpu.memref_slice %arg12[%add3A_218, %dma_start3A_226] : memref<10240x128xf32, #tpu.memory_space<vmem_shared>> -> memref<128x128xf32, #tpu.memory_space<vmem_shared>>
        tpu.enqueue_dma source(%dma_start3A_227 : memref<128x128xf32, #tpu.memory_space<vmem_shared>>) target(%arg10 : memref<128x128xf32, #tpu.memory_space<vmem>>) target_semaphore(%run_scoped3A : memref<!tpu.dma_semaphore, #tpu.memory_space<semaphore_mem>>)
        %dma_wait3A_228 = arith.constant 0 : i32
        %dma_wait3A_229 = tpu.memref_slice %arg12[%add3A_218, %dma_wait3A_228] : memref<10240x128xf32, #tpu.memory_space<vmem_shared>> -> memref<128x128xf32, #tpu.memory_space<vmem_shared>>
        %dma_wait3A_230 = arith.constant 0 : i32
        %dma_wait3A_231 = tpu.memref_slice %arg12[%add3A_218, %dma_wait3A_230] : memref<10240x128xf32, #tpu.memory_space<vmem_shared>> -> memref<128x128xf32, #tpu.memory_space<vmem_shared>>
        tpu.wait_dma2 semaphore(%run_scoped3A : memref<!tpu.dma_semaphore, #tpu.memory_space<semaphore_mem>>) src(%dma_wait3A_231 : memref<128x128xf32, #tpu.memory_space<vmem_shared>>) dst(%arg10 : memref<128x128xf32, #tpu.memory_space<vmem>>)
        tpu.yield
      }) : () -> ()
      %mul3A_219 = arith.constant 640 : i32
      %mul3A_220 = arith.muli %arg1, %mul3A_219 : i32
      %mul3A_221 = arith.constant 128 : i32
      %mul3A_222 = arith.muli %scan3A_213, %mul3A_221 : i32
      %add3A_223 = arith.addi %mul3A_220, %mul3A_222 : i32
      "tpu.region"() ({
        %run_scoped3A = tpu.sem_alloc : memref<!tpu.dma_semaphore, #tpu.memory_space<semaphore_mem>>
        %dma_start3A_224 = arith.constant 0 : i32
        %dma_start3A_225 = tpu.memref_slice %arg5[%arg0, %add3A_223, %dma_start3A_224] : memref<2x10240x128xf32, #tpu.memory_space<hbm>> -> memref<1x128x128xf32, #tpu.memory_space<hbm>>
        %dma_start3A_226 = tpu.memref_squeeze %dma_start3A_225 : memref<1x128x128xf32, #tpu.memory_space<hbm>> -> memref<128x128xf32, #tpu.memory_space<hbm>>
        %dma_start3A_227 = arith.constant 0 : i32
        %dma_start3A_228 = tpu.memref_slice %arg5[%arg0, %add3A_223, %dma_start3A_227] : memref<2x10240x128xf32, #tpu.memory_space<hbm>> -> memref<1x128x128xf32, #tpu.memory_space<hbm>>
        %dma_start3A_229 = tpu.memref_squeeze %dma_start3A_228 : memref<1x128x128xf32, #tpu.memory_space<hbm>> -> memref<128x128xf32, #tpu.memory_space<hbm>>
        tpu.enqueue_dma source(%arg10 : memref<128x128xf32, #tpu.memory_space<vmem>>) target(%dma_start3A_229 : memref<128x128xf32, #tpu.memory_space<hbm>>) target_semaphore(%run_scoped3A : memref<!tpu.dma_semaphore, #tpu.memory_space<semaphore_mem>>)
        %dma_wait3A_230 = arith.constant 0 : i32
        %dma_wait3A_231 = tpu.memref_slice %arg5[%arg0, %add3A_223, %dma_wait3A_230] : memref<2x10240x128xf32, #tpu.memory_space<hbm>> -> memref<1x128x128xf32, #tpu.memory_space<hbm>>
        %dma_wait3A_232 = tpu.memref_squeeze %dma_wait3A_231 : memref<1x128x128xf32, #tpu.memory_space<hbm>> -> memref<128x128xf32, #tpu.memory_space<hbm>>
        %dma_wait3A_233 = arith.constant 0 : i32
        %dma_wait3A_234 = tpu.memref_slice %arg5[%arg0, %add3A_223, %dma_wait3A_233] : memref<2x10240x128xf32, #tpu.memory_space<hbm>> -> memref<1x128x128xf32, #tpu.memory_space<hbm>>
        %dma_wait3A_235 = tpu.memref_squeeze %dma_wait3A_234 : memref<1x128x128xf32, #tpu.memory_space<hbm>> -> memref<128x128xf32, #tpu.memory_space<hbm>>
        tpu.wait_dma2 semaphore(%run_scoped3A : memref<!tpu.dma_semaphore, #tpu.memory_space<semaphore_mem>>) src(%arg10 : memref<128x128xf32, #tpu.memory_space<vmem>>) dst(%dma_wait3A_235 : memref<128x128xf32, #tpu.memory_space<hbm>>)
        tpu.yield
      }) : () -> ()
    }
    %scan3A_212 = arith.constant 5 : i32
    return
  }
}

#map = affine_map<(d0, d1) -> (0, 0)>
#map1 = affine_map<(d0, d1) -> (0)>
#map2 = affine_map<(d0, d1) -> (0, 0, 0)>
module attributes {stable_mosaic.version = 14 : i64} {
  func.func @agg_kernel(%arg0: i32, %arg1: i32, %arg2: memref<10240x128xf32, #tpu.memory_space<hbm>>, %arg3: memref<327680xi32, #tpu.memory_space<hbm>>, %arg4: memref<327680xi32, #tpu.memory_space<hbm>>, %arg5: memref<2x10240x128xf32, #tpu.memory_space<hbm>>, %arg6: memref<128xi32, #tpu.memory_space<vmem>>, %arg7: memref<128xi32, #tpu.memory_space<vmem>>, %arg8: memref<128xi32, #tpu.memory_space<vmem>>, %arg9: memref<128xi32, #tpu.memory_space<vmem>>, %arg10: memref<128x128xf32, #tpu.memory_space<vmem>>, %arg11: memref<128x128xf32, #tpu.memory_space<vmem>>, %arg12: memref<10240x128xf32, #tpu.memory_space<vmem_shared>>, %arg13: memref<!tpu.dma_semaphore, #tpu.memory_space<semaphore_mem>>, %arg14: memref<!tpu.dma_semaphore, #tpu.memory_space<semaphore_mem>>, %arg15: memref<!tpu.dma_semaphore, #tpu.memory_space<semaphore_mem>>, %arg16: memref<!tpu.dma_semaphore, #tpu.memory_space<semaphore_mem>>) attributes {dimension_semantics = [#tpu.dimension_semantics<core_parallel>, #tpu.dimension_semantics<subcore_parallel>], iteration_bounds = array<i64: 2, 16>, scalar_prefetch = 0 : i64, scratch_operands = 11 : i64, tpu.core_type = #tpu.core_type<sc_vector_subcore>, window_params = [{transform_indices = #map}, {transform_indices = #map1}, {transform_indices = #map1}, {transform_indices = #map2}]} {
    %broadcast_in_dim3A = arith.constant 0.000000e+00 : f32
    %broadcast_in_dim3A_0 = vector.broadcast %broadcast_in_dim3A : f32 to vector<16xf32>
    %scan3A = arith.constant 0 : i32
    %scan3A_1 = arith.constant 0 : i32
    %scan3A_2 = arith.constant 128 : i32
    %scan3A_3 = arith.addi %scan3A_1, %scan3A_2 : i32
    %scan3A_4 = arith.constant 1 : i32
    scf.for %scan3A_213 = %scan3A_1 to %scan3A_3 step %scan3A_4  : i32 {
      %swap3A_214 = arith.index_cast %scan3A_213 : i32 to index
      %swap3A_215 = arith.constant 0 : index
      %swap3A_216 = tpu.vector_load %arg10[%swap3A_214, %swap3A_215] {strides = array<i32>} : memref<128x128xf32, #tpu.memory_space<vmem>>, vector<1x16xf32>,
      %swap3A_217 = vector.shape_cast %swap3A_216 : vector<1x16xf32> to vector<16xf32>
      %swap3A_218 = vector.shape_cast %broadcast_in_dim3A_0 : vector<16xf32> to vector<1x16xf32>
      tpu.vector_store %arg10[%swap3A_214, %swap3A_215], %swap3A_218 {strides = array<i32>} : memref<128x128xf32, #tpu.memory_space<vmem>>, vector<1x16xf32>,
      %swap3A_219 = arith.index_cast %scan3A_213 : i32 to index
      %swap3A_220 = arith.constant 0 : index
      %swap3A_221 = tpu.vector_load %arg11[%swap3A_219, %swap3A_220] {strides = array<i32>} : memref<128x128xf32, #tpu.memory_space<vmem>>, vector<1x16xf32>,
      %swap3A_222 = vector.shape_cast %swap3A_221 : vector<1x16xf32> to vector<16xf32>
      %swap3A_223 = vector.shape_cast %broadcast_in_dim3A_0 : vector<16xf32> to vector<1x16xf32>
      tpu.vector_store %arg11[%swap3A_219, %swap3A_220], %swap3A_223 {strides = array<i32>} : memref<128x128xf32, #tpu.memory_space<vmem>>, vector<1x16xf32>,
      %swap3A_224 = arith.index_cast %scan3A_213 : i32 to index
      %swap3A_225 = arith.constant 16 : index
      %swap3A_226 = tpu.vector_load %arg10[%swap3A_224, %swap3A_225] {strides = array<i32>} : memref<128x128xf32, #tpu.memory_space<vmem>>, vector<1x16xf32>,
      %swap3A_227 = vector.shape_cast %swap3A_226 : vector<1x16xf32> to vector<16xf32>
      %swap3A_228 = vector.shape_cast %broadcast_in_dim3A_0 : vector<16xf32> to vector<1x16xf32>
      tpu.vector_store %arg10[%swap3A_224, %swap3A_225], %swap3A_228 {strides = array<i32>} : memref<128x128xf32, #tpu.memory_space<vmem>>, vector<1x16xf32>,
      %swap3A_229 = arith.index_cast %scan3A_213 : i32 to index
      %swap3A_230 = arith.constant 16 : index
      %swap3A_231 = tpu.vector_load %arg11[%swap3A_229, %swap3A_230] {strides = array<i32>} : memref<128x128xf32, #tpu.memory_space<vmem>>, vector<1x16xf32>,
      %swap3A_232 = vector.shape_cast %swap3A_231 : vector<1x16xf32> to vector<16xf32>
      %swap3A_233 = vector.shape_cast %broadcast_in_dim3A_0 : vector<16xf32> to vector<1x16xf32>
      tpu.vector_store %arg11[%swap3A_229, %swap3A_230], %swap3A_233 {strides = array<i32>} : memref<128x128xf32, #tpu.memory_space<vmem>>, vector<1x16xf32>,
      %swap3A_234 = arith.index_cast %scan3A_213 : i32 to index
      %swap3A_235 = arith.constant 32 : index
      %swap3A_236 = tpu.vector_load %arg10[%swap3A_234, %swap3A_235] {strides = array<i32>} : memref<128x128xf32, #tpu.memory_space<vmem>>, vector<1x16xf32>,
      %swap3A_237 = vector.shape_cast %swap3A_236 : vector<1x16xf32> to vector<16xf32>
      %swap3A_238 = vector.shape_cast %broadcast_in_dim3A_0 : vector<16xf32> to vector<1x16xf32>
      tpu.vector_store %arg10[%swap3A_234, %swap3A_235], %swap3A_238 {strides = array<i32>} : memref<128x128xf32, #tpu.memory_space<vmem>>, vector<1x16xf32>,
      %swap3A_239 = arith.index_cast %scan3A_213 : i32 to index
      %swap3A_240 = arith.constant 32 : index
      %swap3A_241 = tpu.vector_load %arg11[%swap3A_239, %swap3A_240] {strides = array<i32>} : memref<128x128xf32, #tpu.memory_space<vmem>>, vector<1x16xf32>,
      %swap3A_242 = vector.shape_cast %swap3A_241 : vector<1x16xf32> to vector<16xf32>
      %swap3A_243 = vector.shape_cast %broadcast_in_dim3A_0 : vector<16xf32> to vector<1x16xf32>
      tpu.vector_store %arg11[%swap3A_239, %swap3A_240], %swap3A_243 {strides = array<i32>} : memref<128x128xf32, #tpu.memory_space<vmem>>, vector<1x16xf32>,
      %swap3A_244 = arith.index_cast %scan3A_213 : i32 to index
      %swap3A_245 = arith.constant 48 : index
      %swap3A_246 = tpu.vector_load %arg10[%swap3A_244, %swap3A_245] {strides = array<i32>} : memref<128x128xf32, #tpu.memory_space<vmem>>, vector<1x16xf32>,
      %swap3A_247 = vector.shape_cast %swap3A_246 : vector<1x16xf32> to vector<16xf32>
      %swap3A_248 = vector.shape_cast %broadcast_in_dim3A_0 : vector<16xf32> to vector<1x16xf32>
      tpu.vector_store %arg10[%swap3A_244, %swap3A_245], %swap3A_248 {strides = array<i32>} : memref<128x128xf32, #tpu.memory_space<vmem>>, vector<1x16xf32>,
      %swap3A_249 = arith.index_cast %scan3A_213 : i32 to index
      %swap3A_250 = arith.constant 48 : index
      %swap3A_251 = tpu.vector_load %arg11[%swap3A_249, %swap3A_250] {strides = array<i32>} : memref<128x128xf32, #tpu.memory_space<vmem>>, vector<1x16xf32>,
      %swap3A_252 = vector.shape_cast %swap3A_251 : vector<1x16xf32> to vector<16xf32>
      %swap3A_253 = vector.shape_cast %broadcast_in_dim3A_0 : vector<16xf32> to vector<1x16xf32>
      tpu.vector_store %arg11[%swap3A_249, %swap3A_250], %swap3A_253 {strides = array<i32>} : memref<128x128xf32, #tpu.memory_space<vmem>>, vector<1x16xf32>,
      %swap3A_254 = arith.index_cast %scan3A_213 : i32 to index
      %swap3A_255 = arith.constant 64 : index
      %swap3A_256 = tpu.vector_load %arg10[%swap3A_254, %swap3A_255] {strides = array<i32>} : memref<128x128xf32, #tpu.memory_space<vmem>>, vector<1x16xf32>,
      %swap3A_257 = vector.shape_cast %swap3A_256 : vector<1x16xf32> to vector<16xf32>
      %swap3A_258 = vector.shape_cast %broadcast_in_dim3A_0 : vector<16xf32> to vector<1x16xf32>
      tpu.vector_store %arg10[%swap3A_254, %swap3A_255], %swap3A_258 {strides = array<i32>} : memref<128x128xf32, #tpu.memory_space<vmem>>, vector<1x16xf32>,
      %swap3A_259 = arith.index_cast %scan3A_213 : i32 to index
      %swap3A_260 = arith.constant 64 : index
      %swap3A_261 = tpu.vector_load %arg11[%swap3A_259, %swap3A_260] {strides = array<i32>} : memref<128x128xf32, #tpu.memory_space<vmem>>, vector<1x16xf32>,
      %swap3A_262 = vector.shape_cast %swap3A_261 : vector<1x16xf32> to vector<16xf32>
      %swap3A_263 = vector.shape_cast %broadcast_in_dim3A_0 : vector<16xf32> to vector<1x16xf32>
      tpu.vector_store %arg11[%swap3A_259, %swap3A_260], %swap3A_263 {strides = array<i32>} : memref<128x128xf32, #tpu.memory_space<vmem>>, vector<1x16xf32>,
      %swap3A_264 = arith.index_cast %scan3A_213 : i32 to index
      %swap3A_265 = arith.constant 80 : index
      %swap3A_266 = tpu.vector_load %arg10[%swap3A_264, %swap3A_265] {strides = array<i32>} : memref<128x128xf32, #tpu.memory_space<vmem>>, vector<1x16xf32>,
      %swap3A_267 = vector.shape_cast %swap3A_266 : vector<1x16xf32> to vector<16xf32>
      %swap3A_268 = vector.shape_cast %broadcast_in_dim3A_0 : vector<16xf32> to vector<1x16xf32>
      tpu.vector_store %arg10[%swap3A_264, %swap3A_265], %swap3A_268 {strides = array<i32>} : memref<128x128xf32, #tpu.memory_space<vmem>>, vector<1x16xf32>,
      %swap3A_269 = arith.index_cast %scan3A_213 : i32 to index
      %swap3A_270 = arith.constant 80 : index
      %swap3A_271 = tpu.vector_load %arg11[%swap3A_269, %swap3A_270] {strides = array<i32>} : memref<128x128xf32, #tpu.memory_space<vmem>>, vector<1x16xf32>,
      %swap3A_272 = vector.shape_cast %swap3A_271 : vector<1x16xf32> to vector<16xf32>
      %swap3A_273 = vector.shape_cast %broadcast_in_dim3A_0 : vector<16xf32> to vector<1x16xf32>
      tpu.vector_store %arg11[%swap3A_269, %swap3A_270], %swap3A_273 {strides = array<i32>} : memref<128x128xf32, #tpu.memory_space<vmem>>, vector<1x16xf32>,
      %swap3A_274 = arith.index_cast %scan3A_213 : i32 to index
      %swap3A_275 = arith.constant 96 : index
      %swap3A_276 = tpu.vector_load %arg10[%swap3A_274, %swap3A_275] {strides = array<i32>} : memref<128x128xf32, #tpu.memory_space<vmem>>, vector<1x16xf32>,
      %swap3A_277 = vector.shape_cast %swap3A_276 : vector<1x16xf32> to vector<16xf32>
      %swap3A_278 = vector.shape_cast %broadcast_in_dim3A_0 : vector<16xf32> to vector<1x16xf32>
      tpu.vector_store %arg10[%swap3A_274, %swap3A_275], %swap3A_278 {strides = array<i32>} : memref<128x128xf32, #tpu.memory_space<vmem>>, vector<1x16xf32>,
      %swap3A_279 = arith.index_cast %scan3A_213 : i32 to index
      %swap3A_280 = arith.constant 96 : index
      %swap3A_281 = tpu.vector_load %arg11[%swap3A_279, %swap3A_280] {strides = array<i32>} : memref<128x128xf32, #tpu.memory_space<vmem>>, vector<1x16xf32>,
      %swap3A_282 = vector.shape_cast %swap3A_281 : vector<1x16xf32> to vector<16xf32>
      %swap3A_283 = vector.shape_cast %broadcast_in_dim3A_0 : vector<16xf32> to vector<1x16xf32>
      tpu.vector_store %arg11[%swap3A_279, %swap3A_280], %swap3A_283 {strides = array<i32>} : memref<128x128xf32, #tpu.memory_space<vmem>>, vector<1x16xf32>,
      %swap3A_284 = arith.index_cast %scan3A_213 : i32 to index
      %swap3A_285 = arith.constant 112 : index
      %swap3A_286 = tpu.vector_load %arg10[%swap3A_284, %swap3A_285] {strides = array<i32>} : memref<128x128xf32, #tpu.memory_space<vmem>>, vector<1x16xf32>,
      %swap3A_287 = vector.shape_cast %swap3A_286 : vector<1x16xf32> to vector<16xf32>
      %swap3A_288 = vector.shape_cast %broadcast_in_dim3A_0 : vector<16xf32> to vector<1x16xf32>
      tpu.vector_store %arg10[%swap3A_284, %swap3A_285], %swap3A_288 {strides = array<i32>} : memref<128x128xf32, #tpu.memory_space<vmem>>, vector<1x16xf32>,
      %swap3A_289 = arith.index_cast %scan3A_213 : i32 to index
      %swap3A_290 = arith.constant 112 : index
      %swap3A_291 = tpu.vector_load %arg11[%swap3A_289, %swap3A_290] {strides = array<i32>} : memref<128x128xf32, #tpu.memory_space<vmem>>, vector<1x16xf32>,
      %swap3A_292 = vector.shape_cast %swap3A_291 : vector<1x16xf32> to vector<16xf32>
      %swap3A_293 = vector.shape_cast %broadcast_in_dim3A_0 : vector<16xf32> to vector<1x16xf32>
      tpu.vector_store %arg11[%swap3A_289, %swap3A_290], %swap3A_293 {strides = array<i32>} : memref<128x128xf32, #tpu.memory_space<vmem>>, vector<1x16xf32>,
    }
    %scan3A_5 = arith.constant 128 : i32
    %iota3A = tpu.iota {dimensions = array<i32: 0>} : vector<16xi32>
    %mul3A = arith.constant 640 : i32
    %mul3A_6 = arith.muli %arg1, %mul3A : i32
    %add3A = arith.constant 0 : i32
    %add3A_7 = arith.addi %mul3A_6, %add3A : i32
    %add3A_8 = vector.broadcast %add3A_7 : i32 to vector<16xi32>
    %add3A_9 = arith.addi %add3A_8, %iota3A : vector<16xi32>
    %swap3A = arith.constant 0 : index
    %swap3A_10 = tpu.vector_load %arg7[%swap3A] {strides = array<i32>} : memref<128xi32, #tpu.memory_space<vmem>>, vector<16xi32>,
    %swap3A_11 = vector.shape_cast %swap3A_10 : vector<16xi32> to vector<16xi32>
    %swap3A_12 = vector.shape_cast %add3A_9 : vector<16xi32> to vector<16xi32>
    tpu.vector_store %arg7[%swap3A], %swap3A_12 {strides = array<i32>} : memref<128xi32, #tpu.memory_space<vmem>>, vector<16xi32>,
    %mul3A_13 = arith.constant 640 : i32
    %mul3A_14 = arith.muli %arg1, %mul3A_13 : i32
    %add3A_15 = arith.constant 128 : i32
    %add3A_16 = arith.addi %mul3A_14, %add3A_15 : i32
    %add3A_17 = arith.constant 0 : i32
    %add3A_18 = arith.addi %add3A_16, %add3A_17 : i32
    %add3A_19 = vector.broadcast %add3A_18 : i32 to vector<16xi32>
    %add3A_20 = arith.addi %add3A_19, %iota3A : vector<16xi32>
    %swap3A_21 = arith.constant 0 : index
    %swap3A_22 = tpu.vector_load %arg9[%swap3A_21] {strides = array<i32>} : memref<128xi32, #tpu.memory_space<vmem>>, vector<16xi32>,
    %swap3A_23 = vector.shape_cast %swap3A_22 : vector<16xi32> to vector<16xi32>
    %swap3A_24 = vector.shape_cast %add3A_20 : vector<16xi32> to vector<16xi32>
    tpu.vector_store %arg9[%swap3A_21], %swap3A_24 {strides = array<i32>} : memref<128xi32, #tpu.memory_space<vmem>>, vector<16xi32>,
    %mul3A_25 = arith.constant 640 : i32
    %mul3A_26 = arith.muli %arg1, %mul3A_25 : i32
    %add3A_27 = arith.constant 16 : i32
    %add3A_28 = arith.addi %mul3A_26, %add3A_27 : i32
    %add3A_29 = vector.broadcast %add3A_28 : i32 to vector<16xi32>
    %add3A_30 = arith.addi %add3A_29, %iota3A : vector<16xi32>
    %swap3A_31 = arith.constant 16 : index
    %swap3A_32 = tpu.vector_load %arg7[%swap3A_31] {strides = array<i32>} : memref<128xi32, #tpu.memory_space<vmem>>, vector<16xi32>,
    %swap3A_33 = vector.shape_cast %swap3A_32 : vector<16xi32> to vector<16xi32>
    %swap3A_34 = vector.shape_cast %add3A_30 : vector<16xi32> to vector<16xi32>
    tpu.vector_store %arg7[%swap3A_31], %swap3A_34 {strides = array<i32>} : memref<128xi32, #tpu.memory_space<vmem>>, vector<16xi32>,
    %mul3A_35 = arith.constant 640 : i32
    %mul3A_36 = arith.muli %arg1, %mul3A_35 : i32
    %add3A_37 = arith.constant 128 : i32
    %add3A_38 = arith.addi %mul3A_36, %add3A_37 : i32
    %add3A_39 = arith.constant 16 : i32
    %add3A_40 = arith.addi %add3A_38, %add3A_39 : i32
    %add3A_41 = vector.broadcast %add3A_40 : i32 to vector<16xi32>
    %add3A_42 = arith.addi %add3A_41, %iota3A : vector<16xi32>
    %swap3A_43 = arith.constant 16 : index
    %swap3A_44 = tpu.vector_load %arg9[%swap3A_43] {strides = array<i32>} : memref<128xi32, #tpu.memory_space<vmem>>, vector<16xi32>,
    %swap3A_45 = vector.shape_cast %swap3A_44 : vector<16xi32> to vector<16xi32>
    %swap3A_46 = vector.shape_cast %add3A_42 : vector<16xi32> to vector<16xi32>
    tpu.vector_store %arg9[%swap3A_43], %swap3A_46 {strides = array<i32>} : memref<128xi32, #tpu.memory_space<vmem>>, vector<16xi32>,
    %mul3A_47 = arith.constant 640 : i32
    %mul3A_48 = arith.muli %arg1, %mul3A_47 : i32
    %add3A_49 = arith.constant 32 : i32
    %add3A_50 = arith.addi %mul3A_48, %add3A_49 : i32
    %add3A_51 = vector.broadcast %add3A_50 : i32 to vector<16xi32>
    %add3A_52 = arith.addi %add3A_51, %iota3A : vector<16xi32>
    %swap3A_53 = arith.constant 32 : index
    %swap3A_54 = tpu.vector_load %arg7[%swap3A_53] {strides = array<i32>} : memref<128xi32, #tpu.memory_space<vmem>>, vector<16xi32>,
    %swap3A_55 = vector.shape_cast %swap3A_54 : vector<16xi32> to vector<16xi32>
    %swap3A_56 = vector.shape_cast %add3A_52 : vector<16xi32> to vector<16xi32>
    tpu.vector_store %arg7[%swap3A_53], %swap3A_56 {strides = array<i32>} : memref<128xi32, #tpu.memory_space<vmem>>, vector<16xi32>,
    %mul3A_57 = arith.constant 640 : i32
    %mul3A_58 = arith.muli %arg1, %mul3A_57 : i32
    %add3A_59 = arith.constant 128 : i32
    %add3A_60 = arith.addi %mul3A_58, %add3A_59 : i32
    %add3A_61 = arith.constant 32 : i32
    %add3A_62 = arith.addi %add3A_60, %add3A_61 : i32
    %add3A_63 = vector.broadcast %add3A_62 : i32 to vector<16xi32>
    %add3A_64 = arith.addi %add3A_63, %iota3A : vector<16xi32>
    %swap3A_65 = arith.constant 32 : index
    %swap3A_66 = tpu.vector_load %arg9[%swap3A_65] {strides = array<i32>} : memref<128xi32, #tpu.memory_space<vmem>>, vector<16xi32>,
    %swap3A_67 = vector.shape_cast %swap3A_66 : vector<16xi32> to vector<16xi32>
    %swap3A_68 = vector.shape_cast %add3A_64 : vector<16xi32> to vector<16xi32>
    tpu.vector_store %arg9[%swap3A_65], %swap3A_68 {strides = array<i32>} : memref<128xi32, #tpu.memory_space<vmem>>, vector<16xi32>,
    %mul3A_69 = arith.constant 640 : i32
    %mul3A_70 = arith.muli %arg1, %mul3A_69 : i32
    %add3A_71 = arith.constant 48 : i32
    %add3A_72 = arith.addi %mul3A_70, %add3A_71 : i32
    %add3A_73 = vector.broadcast %add3A_72 : i32 to vector<16xi32>
    %add3A_74 = arith.addi %add3A_73, %iota3A : vector<16xi32>
    %swap3A_75 = arith.constant 48 : index
    %swap3A_76 = tpu.vector_load %arg7[%swap3A_75] {strides = array<i32>} : memref<128xi32, #tpu.memory_space<vmem>>, vector<16xi32>,
    %swap3A_77 = vector.shape_cast %swap3A_76 : vector<16xi32> to vector<16xi32>
    %swap3A_78 = vector.shape_cast %add3A_74 : vector<16xi32> to vector<16xi32>
    tpu.vector_store %arg7[%swap3A_75], %swap3A_78 {strides = array<i32>} : memref<128xi32, #tpu.memory_space<vmem>>, vector<16xi32>,
    %mul3A_79 = arith.constant 640 : i32
    %mul3A_80 = arith.muli %arg1, %mul3A_79 : i32
    %add3A_81 = arith.constant 128 : i32
    %add3A_82 = arith.addi %mul3A_80, %add3A_81 : i32
    %add3A_83 = arith.constant 48 : i32
    %add3A_84 = arith.addi %add3A_82, %add3A_83 : i32
    %add3A_85 = vector.broadcast %add3A_84 : i32 to vector<16xi32>
    %add3A_86 = arith.addi %add3A_85, %iota3A : vector<16xi32>
    %swap3A_87 = arith.constant 48 : index
    %swap3A_88 = tpu.vector_load %arg9[%swap3A_87] {strides = array<i32>} : memref<128xi32, #tpu.memory_space<vmem>>, vector<16xi32>,
    %swap3A_89 = vector.shape_cast %swap3A_88 : vector<16xi32> to vector<16xi32>
    %swap3A_90 = vector.shape_cast %add3A_86 : vector<16xi32> to vector<16xi32>
    tpu.vector_store %arg9[%swap3A_87], %swap3A_90 {strides = array<i32>} : memref<128xi32, #tpu.memory_space<vmem>>, vector<16xi32>,
    %mul3A_91 = arith.constant 640 : i32
    %mul3A_92 = arith.muli %arg1, %mul3A_91 : i32
    %add3A_93 = arith.constant 64 : i32
    %add3A_94 = arith.addi %mul3A_92, %add3A_93 : i32
    %add3A_95 = vector.broadcast %add3A_94 : i32 to vector<16xi32>
    %add3A_96 = arith.addi %add3A_95, %iota3A : vector<16xi32>
    %swap3A_97 = arith.constant 64 : index
    %swap3A_98 = tpu.vector_load %arg7[%swap3A_97] {strides = array<i32>} : memref<128xi32, #tpu.memory_space<vmem>>, vector<16xi32>,
    %swap3A_99 = vector.shape_cast %swap3A_98 : vector<16xi32> to vector<16xi32>
    %swap3A_100 = vector.shape_cast %add3A_96 : vector<16xi32> to vector<16xi32>
    tpu.vector_store %arg7[%swap3A_97], %swap3A_100 {strides = array<i32>} : memref<128xi32, #tpu.memory_space<vmem>>, vector<16xi32>,
    %mul3A_101 = arith.constant 640 : i32
    %mul3A_102 = arith.muli %arg1, %mul3A_101 : i32
    %add3A_103 = arith.constant 128 : i32
    %add3A_104 = arith.addi %mul3A_102, %add3A_103 : i32
    %add3A_105 = arith.constant 64 : i32
    %add3A_106 = arith.addi %add3A_104, %add3A_105 : i32
    %add3A_107 = vector.broadcast %add3A_106 : i32 to vector<16xi32>
    %add3A_108 = arith.addi %add3A_107, %iota3A : vector<16xi32>
    %swap3A_109 = arith.constant 64 : index
    %swap3A_110 = tpu.vector_load %arg9[%swap3A_109] {strides = array<i32>} : memref<128xi32, #tpu.memory_space<vmem>>, vector<16xi32>,
    %swap3A_111 = vector.shape_cast %swap3A_110 : vector<16xi32> to vector<16xi32>
    %swap3A_112 = vector.shape_cast %add3A_108 : vector<16xi32> to vector<16xi32>
    tpu.vector_store %arg9[%swap3A_109], %swap3A_112 {strides = array<i32>} : memref<128xi32, #tpu.memory_space<vmem>>, vector<16xi32>,
    %mul3A_113 = arith.constant 640 : i32
    %mul3A_114 = arith.muli %arg1, %mul3A_113 : i32
    %add3A_115 = arith.constant 80 : i32
    %add3A_116 = arith.addi %mul3A_114, %add3A_115 : i32
    %add3A_117 = vector.broadcast %add3A_116 : i32 to vector<16xi32>
    %add3A_118 = arith.addi %add3A_117, %iota3A : vector<16xi32>
    %swap3A_119 = arith.constant 80 : index
    %swap3A_120 = tpu.vector_load %arg7[%swap3A_119] {strides = array<i32>} : memref<128xi32, #tpu.memory_space<vmem>>, vector<16xi32>,
    %swap3A_121 = vector.shape_cast %swap3A_120 : vector<16xi32> to vector<16xi32>
    %swap3A_122 = vector.shape_cast %add3A_118 : vector<16xi32> to vector<16xi32>
    tpu.vector_store %arg7[%swap3A_119], %swap3A_122 {strides = array<i32>} : memref<128xi32, #tpu.memory_space<vmem>>, vector<16xi32>,
    %mul3A_123 = arith.constant 640 : i32
    %mul3A_124 = arith.muli %arg1, %mul3A_123 : i32
    %add3A_125 = arith.constant 128 : i32
    %add3A_126 = arith.addi %mul3A_124, %add3A_125 : i32
    %add3A_127 = arith.constant 80 : i32
    %add3A_128 = arith.addi %add3A_126, %add3A_127 : i32
    %add3A_129 = vector.broadcast %add3A_128 : i32 to vector<16xi32>
    %add3A_130 = arith.addi %add3A_129, %iota3A : vector<16xi32>
    %swap3A_131 = arith.constant 80 : index
    %swap3A_132 = tpu.vector_load %arg9[%swap3A_131] {strides = array<i32>} : memref<128xi32, #tpu.memory_space<vmem>>, vector<16xi32>,
    %swap3A_133 = vector.shape_cast %swap3A_132 : vector<16xi32> to vector<16xi32>
    %swap3A_134 = vector.shape_cast %add3A_130 : vector<16xi32> to vector<16xi32>
    tpu.vector_store %arg9[%swap3A_131], %swap3A_134 {strides = array<i32>} : memref<128xi32, #tpu.memory_space<vmem>>, vector<16xi32>,
    %mul3A_135 = arith.constant 640 : i32
    %mul3A_136 = arith.muli %arg1, %mul3A_135 : i32
    %add3A_137 = arith.constant 96 : i32
    %add3A_138 = arith.addi %mul3A_136, %add3A_137 : i32
    %add3A_139 = vector.broadcast %add3A_138 : i32 to vector<16xi32>
    %add3A_140 = arith.addi %add3A_139, %iota3A : vector<16xi32>
    %swap3A_141 = arith.constant 96 : index
    %swap3A_142 = tpu.vector_load %arg7[%swap3A_141] {strides = array<i32>} : memref<128xi32, #tpu.memory_space<vmem>>, vector<16xi32>,
    %swap3A_143 = vector.shape_cast %swap3A_142 : vector<16xi32> to vector<16xi32>
    %swap3A_144 = vector.shape_cast %add3A_140 : vector<16xi32> to vector<16xi32>
    tpu.vector_store %arg7[%swap3A_141], %swap3A_144 {strides = array<i32>} : memref<128xi32, #tpu.memory_space<vmem>>, vector<16xi32>,
    %mul3A_145 = arith.constant 640 : i32
    %mul3A_146 = arith.muli %arg1, %mul3A_145 : i32
    %add3A_147 = arith.constant 128 : i32
    %add3A_148 = arith.addi %mul3A_146, %add3A_147 : i32
    %add3A_149 = arith.constant 96 : i32
    %add3A_150 = arith.addi %add3A_148, %add3A_149 : i32
    %add3A_151 = vector.broadcast %add3A_150 : i32 to vector<16xi32>
    %add3A_152 = arith.addi %add3A_151, %iota3A : vector<16xi32>
    %swap3A_153 = arith.constant 96 : index
    %swap3A_154 = tpu.vector_load %arg9[%swap3A_153] {strides = array<i32>} : memref<128xi32, #tpu.memory_space<vmem>>, vector<16xi32>,
    %swap3A_155 = vector.shape_cast %swap3A_154 : vector<16xi32> to vector<16xi32>
    %swap3A_156 = vector.shape_cast %add3A_152 : vector<16xi32> to vector<16xi32>
    tpu.vector_store %arg9[%swap3A_153], %swap3A_156 {strides = array<i32>} : memref<128xi32, #tpu.memory_space<vmem>>, vector<16xi32>,
    %mul3A_157 = arith.constant 640 : i32
    %mul3A_158 = arith.muli %arg1, %mul3A_157 : i32
    %add3A_159 = arith.constant 112 : i32
    %add3A_160 = arith.addi %mul3A_158, %add3A_159 : i32
    %add3A_161 = vector.broadcast %add3A_160 : i32 to vector<16xi32>
    %add3A_162 = arith.addi %add3A_161, %iota3A : vector<16xi32>
    %swap3A_163 = arith.constant 112 : index
    %swap3A_164 = tpu.vector_load %arg7[%swap3A_163] {strides = array<i32>} : memref<128xi32, #tpu.memory_space<vmem>>, vector<16xi32>,
    %swap3A_165 = vector.shape_cast %swap3A_164 : vector<16xi32> to vector<16xi32>
    %swap3A_166 = vector.shape_cast %add3A_162 : vector<16xi32> to vector<16xi32>
    tpu.vector_store %arg7[%swap3A_163], %swap3A_166 {strides = array<i32>} : memref<128xi32, #tpu.memory_space<vmem>>, vector<16xi32>,
    %mul3A_167 = arith.constant 640 : i32
    %mul3A_168 = arith.muli %arg1, %mul3A_167 : i32
    %add3A_169 = arith.constant 128 : i32
    %add3A_170 = arith.addi %mul3A_168, %add3A_169 : i32
    %add3A_171 = arith.constant 112 : i32
    %add3A_172 = arith.addi %add3A_170, %add3A_171 : i32
    %add3A_173 = vector.broadcast %add3A_172 : i32 to vector<16xi32>
    %add3A_174 = arith.addi %add3A_173, %iota3A : vector<16xi32>
    %swap3A_175 = arith.constant 112 : index
    %swap3A_176 = tpu.vector_load %arg9[%swap3A_175] {strides = array<i32>} : memref<128xi32, #tpu.memory_space<vmem>>, vector<16xi32>,
    %swap3A_177 = vector.shape_cast %swap3A_176 : vector<16xi32> to vector<16xi32>
    %swap3A_178 = vector.shape_cast %add3A_174 : vector<16xi32> to vector<16xi32>
    tpu.vector_store %arg9[%swap3A_175], %swap3A_178 {strides = array<i32>} : memref<128xi32, #tpu.memory_space<vmem>>, vector<16xi32>,
    %scan3A_179 = arith.constant 0 : i32
    %scan3A_180 = arith.constant 0 : i32
    %scan3A_181 = arith.constant 5 : i32
    %scan3A_182 = arith.addi %scan3A_180, %scan3A_181 : i32
    %scan3A_183 = arith.constant 1 : i32
    scf.for %scan3A_213 = %scan3A_180 to %scan3A_182 step %scan3A_183  : i32 {
      %mul3A_214 = arith.constant 640 : i32
      %mul3A_215 = arith.muli %arg1, %mul3A_214 : i32
      %mul3A_216 = arith.constant 128 : i32
      %mul3A_217 = arith.muli %scan3A_213, %mul3A_216 : i32
      %add3A_218 = arith.addi %mul3A_215, %mul3A_217 : i32
      "tpu.region"() ({
        %run_scoped3A = tpu.sem_alloc : memref<!tpu.dma_semaphore, #tpu.memory_space<semaphore_mem>>
        %dma_start3A_219 = arith.constant 0 : i32
        %dma_start3A_220 = tpu.memref_slice %arg12[%add3A_218, %dma_start3A_219] : memref<10240x128xf32, #tpu.memory_space<vmem_shared>> -> memref<128x128xf32, #tpu.memory_space<vmem_shared>>
        %dma_start3A_221 = arith.constant 0 : i32
        %dma_start3A_222 = tpu.memref_slice %arg12[%add3A_218, %dma_start3A_221] : memref<10240x128xf32, #tpu.memory_space<vmem_shared>> -> memref<128x128xf32, #tpu.memory_space<vmem_shared>>
        tpu.enqueue_dma source(%arg10 : memref<128x128xf32, #tpu.memory_space<vmem>>) target(%dma_start3A_222 : memref<128x128xf32, #tpu.memory_space<vmem_shared>>) target_semaphore(%run_scoped3A : memref<!tpu.dma_semaphore, #tpu.memory_space<semaphore_mem>>)
        %dma_wait3A_223 = arith.constant 0 : i32
        %dma_wait3A_224 = tpu.memref_slice %arg12[%add3A_218, %dma_wait3A_223] : memref<10240x128xf32, #tpu.memory_space<vmem_shared>> -> memref<128x128xf32, #tpu.memory_space<vmem_shared>>
        %dma_wait3A_225 = arith.constant 0 : i32
        %dma_wait3A_226 = tpu.memref_slice %arg12[%add3A_218, %dma_wait3A_225] : memref<10240x128xf32, #tpu.memory_space<vmem_shared>> -> memref<128x128xf32, #tpu.memory_space<vmem_shared>>
        tpu.wait_dma2 semaphore(%run_scoped3A : memref<!tpu.dma_semaphore, #tpu.memory_space<semaphore_mem>>) src(%arg10 : memref<128x128xf32, #tpu.memory_space<vmem>>) dst(%dma_wait3A_226 : memref<128x128xf32, #tpu.memory_space<vmem_shared>>)
        tpu.yield
      }) : () -> ()
    }
    %scan3A_184 = arith.constant 5 : i32
    %barrier3A = arith.constant 0 : index
    tpu.barrier barrier_id(%barrier3A)
    %dma_start3A = arith.constant 0 : i32
    %dma_start3A_185 = arith.constant 0 : i32
    %dma_start3A_186 = tpu.memref_slice %arg12[%dma_start3A, %dma_start3A_185] : memref<10240x128xf32, #tpu.memory_space<vmem_shared>> -> memref<10240x128xf32, #tpu.memory_space<vmem_shared>>
    tpu.enqueue_indirect_dma source(%arg10 : memref<128x128xf32, #tpu.memory_space<vmem>>) target(%dma_start3A_186 : memref<10240x128xf32, #tpu.memory_space<vmem_shared>>) offsets(%arg7 : memref<128xi32, #tpu.memory_space<vmem>>) semaphore(%arg15 : memref<!tpu.dma_semaphore, #tpu.memory_space<semaphore_mem>>) {add = true}
    %dma_start3A_187 = arith.constant 0 : i32
    %dma_start3A_188 = arith.constant 0 : i32
    %dma_start3A_189 = tpu.memref_slice %arg12[%dma_start3A_187, %dma_start3A_188] : memref<10240x128xf32, #tpu.memory_space<vmem_shared>> -> memref<10240x128xf32, #tpu.memory_space<vmem_shared>>
    tpu.enqueue_indirect_dma source(%arg11 : memref<128x128xf32, #tpu.memory_space<vmem>>) target(%dma_start3A_189 : memref<10240x128xf32, #tpu.memory_space<vmem_shared>>) offsets(%arg9 : memref<128xi32, #tpu.memory_space<vmem>>) semaphore(%arg16 : memref<!tpu.dma_semaphore, #tpu.memory_space<semaphore_mem>>) {add = true}
    %mul3A_190 = arith.constant 16 : i32
    %mul3A_191 = arith.muli %arg0, %mul3A_190 : i32
    %add3A_192 = arith.addi %mul3A_191, %arg1 : i32
    %mul3A_193 = arith.constant 10240 : i32
    %mul3A_194 = arith.muli %add3A_192, %mul3A_193 : i32
    %scan3A_195 = arith.constant 0 : i32
    %scan3A_196 = arith.constant 0 : i32
    %scan3A_197 = arith.constant 40 : i32
    %scan3A_198 = arith.addi %scan3A_196, %scan3A_197 : i32
    %scan3A_199 = arith.constant 1 : i32
    scf.for %scan3A_213 = %scan3A_196 to %scan3A_198 step %scan3A_199  : i32 {
      %mul3A_214 = arith.constant 256 : i32
      %mul3A_215 = arith.muli %scan3A_213, %mul3A_214 : i32
      %add3A_216 = arith.addi %mul3A_194, %mul3A_215 : i32
      %dma_wait3A_217 = arith.constant 0 : i32
      %dma_wait3A_218 = arith.constant 0 : i32
      %dma_wait3A_219 = tpu.memref_slice %arg12[%dma_wait3A_217, %dma_wait3A_218] : memref<10240x128xf32, #tpu.memory_space<vmem_shared>> -> memref<10240x128xf32, #tpu.memory_space<vmem_shared>>
      tpu.wait_indirect_dma semaphore(%arg15 : memref<!tpu.dma_semaphore, #tpu.memory_space<semaphore_mem>>) src(%arg10 : memref<128x128xf32, #tpu.memory_space<vmem>>) dst(%dma_wait3A_219 : memref<10240x128xf32, #tpu.memory_space<vmem_shared>>)
      "tpu.region"() ({
        %run_scoped3A = tpu.sem_alloc : memref<!tpu.dma_semaphore, #tpu.memory_space<semaphore_mem>>
        %dma_start3A_245 = tpu.memref_slice %arg3[%add3A_216] : memref<327680xi32, #tpu.memory_space<hbm>> -> memref<128xi32, #tpu.memory_space<hbm>>
        %dma_start3A_246 = tpu.memref_slice %arg3[%add3A_216] : memref<327680xi32, #tpu.memory_space<hbm>> -> memref<128xi32, #tpu.memory_space<hbm>>
        tpu.enqueue_dma source(%dma_start3A_246 : memref<128xi32, #tpu.memory_space<hbm>>) target(%arg6 : memref<128xi32, #tpu.memory_space<vmem>>) target_semaphore(%run_scoped3A : memref<!tpu.dma_semaphore, #tpu.memory_space<semaphore_mem>>)
        %dma_wait3A_247 = tpu.memref_slice %arg3[%add3A_216] : memref<327680xi32, #tpu.memory_space<hbm>> -> memref<128xi32, #tpu.memory_space<hbm>>
        %dma_wait3A_248 = tpu.memref_slice %arg3[%add3A_216] : memref<327680xi32, #tpu.memory_space<hbm>> -> memref<128xi32, #tpu.memory_space<hbm>>
        tpu.wait_dma2 semaphore(%run_scoped3A : memref<!tpu.dma_semaphore, #tpu.memory_space<semaphore_mem>>) src(%dma_wait3A_248 : memref<128xi32, #tpu.memory_space<hbm>>) dst(%arg6 : memref<128xi32, #tpu.memory_space<vmem>>)
        tpu.yield
      }) : () -> ()
      "tpu.region"() ({
        %run_scoped3A = tpu.sem_alloc : memref<!tpu.dma_semaphore, #tpu.memory_space<semaphore_mem>>
        %dma_start3A_245 = tpu.memref_slice %arg4[%add3A_216] : memref<327680xi32, #tpu.memory_space<hbm>> -> memref<128xi32, #tpu.memory_space<hbm>>
        %dma_start3A_246 = tpu.memref_slice %arg4[%add3A_216] : memref<327680xi32, #tpu.memory_space<hbm>> -> memref<128xi32, #tpu.memory_space<hbm>>
        tpu.enqueue_dma source(%dma_start3A_246 : memref<128xi32, #tpu.memory_space<hbm>>) target(%arg7 : memref<128xi32, #tpu.memory_space<vmem>>) target_semaphore(%run_scoped3A : memref<!tpu.dma_semaphore, #tpu.memory_space<semaphore_mem>>)
        %dma_wait3A_247 = tpu.memref_slice %arg4[%add3A_216] : memref<327680xi32, #tpu.memory_space<hbm>> -> memref<128xi32, #tpu.memory_space<hbm>>
        %dma_wait3A_248 = tpu.memref_slice %arg4[%add3A_216] : memref<327680xi32, #tpu.memory_space<hbm>> -> memref<128xi32, #tpu.memory_space<hbm>>
        tpu.wait_dma2 semaphore(%run_scoped3A : memref<!tpu.dma_semaphore, #tpu.memory_space<semaphore_mem>>) src(%dma_wait3A_248 : memref<128xi32, #tpu.memory_space<hbm>>) dst(%arg7 : memref<128xi32, #tpu.memory_space<vmem>>)
        tpu.yield
      }) : () -> ()
      %dma_start3A_220 = arith.constant 0 : i32
      %dma_start3A_221 = arith.constant 0 : i32
      %dma_start3A_222 = tpu.memref_slice %arg2[%dma_start3A_220, %dma_start3A_221] : memref<10240x128xf32, #tpu.memory_space<hbm>> -> memref<10240x128xf32, #tpu.memory_space<hbm>>
      tpu.enqueue_indirect_dma source(%dma_start3A_222 : memref<10240x128xf32, #tpu.memory_space<hbm>>) target(%arg10 : memref<128x128xf32, #tpu.memory_space<vmem>>) offsets(%arg6 : memref<128xi32, #tpu.memory_space<vmem>>) semaphore(%arg13 : memref<!tpu.dma_semaphore, #tpu.memory_space<semaphore_mem>>)
      %dma_wait3A_223 = arith.constant 0 : i32
      %dma_wait3A_224 = arith.constant 0 : i32
      %dma_wait3A_225 = tpu.memref_slice %arg12[%dma_wait3A_223, %dma_wait3A_224] : memref<10240x128xf32, #tpu.memory_space<vmem_shared>> -> memref<10240x128xf32, #tpu.memory_space<vmem_shared>>
      tpu.wait_indirect_dma semaphore(%arg16 : memref<!tpu.dma_semaphore, #tpu.memory_space<semaphore_mem>>) src(%arg11 : memref<128x128xf32, #tpu.memory_space<vmem>>) dst(%dma_wait3A_225 : memref<10240x128xf32, #tpu.memory_space<vmem_shared>>)
      %add3A_226 = arith.constant 128 : i32
      %add3A_227 = arith.addi %add3A_216, %add3A_226 : i32
      "tpu.region"() ({
        %run_scoped3A = tpu.sem_alloc : memref<!tpu.dma_semaphore, #tpu.memory_space<semaphore_mem>>
        %dma_start3A_245 = tpu.memref_slice %arg3[%add3A_227] : memref<327680xi32, #tpu.memory_space<hbm>> -> memref<128xi32, #tpu.memory_space<hbm>>
        %dma_start3A_246 = tpu.memref_slice %arg3[%add3A_227] : memref<327680xi32, #tpu.memory_space<hbm>> -> memref<128xi32, #tpu.memory_space<hbm>>
        tpu.enqueue_dma source(%dma_start3A_246 : memref<128xi32, #tpu.memory_space<hbm>>) target(%arg8 : memref<128xi32, #tpu.memory_space<vmem>>) target_semaphore(%run_scoped3A : memref<!tpu.dma_semaphore, #tpu.memory_space<semaphore_mem>>)
        %dma_wait3A_247 = tpu.memref_slice %arg3[%add3A_227] : memref<327680xi32, #tpu.memory_space<hbm>> -> memref<128xi32, #tpu.memory_space<hbm>>
        %dma_wait3A_248 = tpu.memref_slice %arg3[%add3A_227] : memref<327680xi32, #tpu.memory_space<hbm>> -> memref<128xi32, #tpu.memory_space<hbm>>
        tpu.wait_dma2 semaphore(%run_scoped3A : memref<!tpu.dma_semaphore, #tpu.memory_space<semaphore_mem>>) src(%dma_wait3A_248 : memref<128xi32, #tpu.memory_space<hbm>>) dst(%arg8 : memref<128xi32, #tpu.memory_space<vmem>>)
        tpu.yield
      }) : () -> ()
      %add3A_228 = arith.constant 128 : i32
      %add3A_229 = arith.addi %add3A_216, %add3A_228 : i32
      "tpu.region"() ({
        %run_scoped3A = tpu.sem_alloc : memref<!tpu.dma_semaphore, #tpu.memory_space<semaphore_mem>>
        %dma_start3A_245 = tpu.memref_slice %arg4[%add3A_229] : memref<327680xi32, #tpu.memory_space<hbm>> -> memref<128xi32, #tpu.memory_space<hbm>>
        %dma_start3A_246 = tpu.memref_slice %arg4[%add3A_229] : memref<327680xi32, #tpu.memory_space<hbm>> -> memref<128xi32, #tpu.memory_space<hbm>>
        tpu.enqueue_dma source(%dma_start3A_246 : memref<128xi32, #tpu.memory_space<hbm>>) target(%arg9 : memref<128xi32, #tpu.memory_space<vmem>>) target_semaphore(%run_scoped3A : memref<!tpu.dma_semaphore, #tpu.memory_space<semaphore_mem>>)
        %dma_wait3A_247 = tpu.memref_slice %arg4[%add3A_229] : memref<327680xi32, #tpu.memory_space<hbm>> -> memref<128xi32, #tpu.memory_space<hbm>>
        %dma_wait3A_248 = tpu.memref_slice %arg4[%add3A_229] : memref<327680xi32, #tpu.memory_space<hbm>> -> memref<128xi32, #tpu.memory_space<hbm>>
        tpu.wait_dma2 semaphore(%run_scoped3A : memref<!tpu.dma_semaphore, #tpu.memory_space<semaphore_mem>>) src(%dma_wait3A_248 : memref<128xi32, #tpu.memory_space<hbm>>) dst(%arg9 : memref<128xi32, #tpu.memory_space<vmem>>)
        tpu.yield
      }) : () -> ()
      %dma_start3A_230 = arith.constant 0 : i32
      %dma_start3A_231 = arith.constant 0 : i32
      %dma_start3A_232 = tpu.memref_slice %arg2[%dma_start3A_230, %dma_start3A_231] : memref<10240x128xf32, #tpu.memory_space<hbm>> -> memref<10240x128xf32, #tpu.memory_space<hbm>>
      tpu.enqueue_indirect_dma source(%dma_start3A_232 : memref<10240x128xf32, #tpu.memory_space<hbm>>) target(%arg11 : memref<128x128xf32, #tpu.memory_space<vmem>>) offsets(%arg8 : memref<128xi32, #tpu.memory_space<vmem>>) semaphore(%arg14 : memref<!tpu.dma_semaphore, #tpu.memory_space<semaphore_mem>>)
      %dma_wait3A_233 = arith.constant 0 : i32
      %dma_wait3A_234 = arith.constant 0 : i32
      %dma_wait3A_235 = tpu.memref_slice %arg2[%dma_wait3A_233, %dma_wait3A_234] : memref<10240x128xf32, #tpu.memory_space<hbm>> -> memref<10240x128xf32, #tpu.memory_space<hbm>>
      tpu.wait_indirect_dma semaphore(%arg13 : memref<!tpu.dma_semaphore, #tpu.memory_space<semaphore_mem>>) src(%dma_wait3A_235 : memref<10240x128xf32, #tpu.memory_space<hbm>>) dst(%arg10 : memref<128x128xf32, #tpu.memory_space<vmem>>)
      %dma_start3A_236 = arith.constant 0 : i32
      %dma_start3A_237 = arith.constant 0 : i32
      %dma_start3A_238 = tpu.memref_slice %arg12[%dma_start3A_236, %dma_start3A_237] : memref<10240x128xf32, #tpu.memory_space<vmem_shared>> -> memref<10240x128xf32, #tpu.memory_space<vmem_shared>>
      tpu.enqueue_indirect_dma source(%arg10 : memref<128x128xf32, #tpu.memory_space<vmem>>) target(%dma_start3A_238 : memref<10240x128xf32, #tpu.memory_space<vmem_shared>>) offsets(%arg7 : memref<128xi32, #tpu.memory_space<vmem>>) semaphore(%arg15 : memref<!tpu.dma_semaphore, #tpu.memory_space<semaphore_mem>>) {add = true}
      %dma_wait3A_239 = arith.constant 0 : i32
      %dma_wait3A_240 = arith.constant 0 : i32
      %dma_wait3A_241 = tpu.memref_slice %arg2[%dma_wait3A_239, %dma_wait3A_240] : memref<10240x128xf32, #tpu.memory_space<hbm>> -> memref<10240x128xf32, #tpu.memory_space<hbm>>
      tpu.wait_indirect_dma semaphore(%arg14 : memref<!tpu.dma_semaphore, #tpu.memory_space<semaphore_mem>>) src(%dma_wait3A_241 : memref<10240x128xf32, #tpu.memory_space<hbm>>) dst(%arg11 : memref<128x128xf32, #tpu.memory_space<vmem>>)
      %dma_start3A_242 = arith.constant 0 : i32
      %dma_start3A_243 = arith.constant 0 : i32
      %dma_start3A_244 = tpu.memref_slice %arg12[%dma_start3A_242, %dma_start3A_243] : memref<10240x128xf32, #tpu.memory_space<vmem_shared>> -> memref<10240x128xf32, #tpu.memory_space<vmem_shared>>
      tpu.enqueue_indirect_dma source(%arg11 : memref<128x128xf32, #tpu.memory_space<vmem>>) target(%dma_start3A_244 : memref<10240x128xf32, #tpu.memory_space<vmem_shared>>) offsets(%arg9 : memref<128xi32, #tpu.memory_space<vmem>>) semaphore(%arg16 : memref<!tpu.dma_semaphore, #tpu.memory_space<semaphore_mem>>) {add = true}
    }
    %scan3A_200 = arith.constant 40 : i32
    %dma_wait3A = arith.constant 0 : i32
    %dma_wait3A_201 = arith.constant 0 : i32
    %dma_wait3A_202 = tpu.memref_slice %arg12[%dma_wait3A, %dma_wait3A_201] : memref<10240x128xf32, #tpu.memory_space<vmem_shared>> -> memref<10240x128xf32, #tpu.memory_space<vmem_shared>>
    tpu.wait_indirect_dma semaphore(%arg15 : memref<!tpu.dma_semaphore, #tpu.memory_space<semaphore_mem>>) src(%arg10 : memref<128x128xf32, #tpu.memory_space<vmem>>) dst(%dma_wait3A_202 : memref<10240x128xf32, #tpu.memory_space<vmem_shared>>)
    %dma_wait3A_203 = arith.constant 0 : i32
    %dma_wait3A_204 = arith.constant 0 : i32
    %dma_wait3A_205 = tpu.memref_slice %arg12[%dma_wait3A_203, %dma_wait3A_204] : memref<10240x128xf32, #tpu.memory_space<vmem_shared>> -> memref<10240x128xf32, #tpu.memory_space<vmem_shared>>
    tpu.wait_indirect_dma semaphore(%arg16 : memref<!tpu.dma_semaphore, #tpu.memory_space<semaphore_mem>>) src(%arg11 : memref<128x128xf32, #tpu.memory_space<vmem>>) dst(%dma_wait3A_205 : memref<10240x128xf32, #tpu.memory_space<vmem_shared>>)
    %barrier3A_206 = arith.constant 0 : index
    tpu.barrier barrier_id(%barrier3A_206)
    %scan3A_207 = arith.constant 0 : i32
    %scan3A_208 = arith.constant 0 : i32
    %scan3A_209 = arith.constant 5 : i32
    %scan3A_210 = arith.addi %scan3A_208, %scan3A_209 : i32
    %scan3A_211 = arith.constant 1 : i32
    scf.for %scan3A_213 = %scan3A_208 to %scan3A_210 step %scan3A_211  : i32 {
      %mul3A_214 = arith.constant 640 : i32
      %mul3A_215 = arith.muli %arg1, %mul3A_214 : i32
      %mul3A_216 = arith.constant 128 : i32
      %mul3A_217 = arith.muli %scan3A_213, %mul3A_216 : i32
      %add3A_218 = arith.addi %mul3A_215, %mul3A_217 : i32
      "tpu.region"() ({
        %run_scoped3A = tpu.sem_alloc : memref<!tpu.dma_semaphore, #tpu.memory_space<semaphore_mem>>
        %dma_start3A_224 = arith.constant 0 : i32
        %dma_start3A_225 = tpu.memref_slice %arg12[%add3A_218, %dma_start3A_224] : memref<10240x128xf32, #tpu.memory_space<vmem_shared>> -> memref<128x128xf32, #tpu.memory_space<vmem_shared>>
        %dma_start3A_226 = arith.constant 0 : i32
        %dma_start3A_227 = tpu.memref_slice %arg12[%add3A_218, %dma_start3A_226] : memref<10240x128xf32, #tpu.memory_space<vmem_shared>> -> memref<128x128xf32, #tpu.memory_space<vmem_shared>>
        tpu.enqueue_dma source(%dma_start3A_227 : memref<128x128xf32, #tpu.memory_space<vmem_shared>>) target(%arg10 : memref<128x128xf32, #tpu.memory_space<vmem>>) target_semaphore(%run_scoped3A : memref<!tpu.dma_semaphore, #tpu.memory_space<semaphore_mem>>)
        %dma_wait3A_228 = arith.constant 0 : i32
        %dma_wait3A_229 = tpu.memref_slice %arg12[%add3A_218, %dma_wait3A_228] : memref<10240x128xf32, #tpu.memory_space<vmem_shared>> -> memref<128x128xf32, #tpu.memory_space<vmem_shared>>
        %dma_wait3A_230 = arith.constant 0 : i32
        %dma_wait3A_231 = tpu.memref_slice %arg12[%add3A_218, %dma_wait3A_230] : memref<10240x128xf32, #tpu.memory_space<vmem_shared>> -> memref<128x128xf32, #tpu.memory_space<vmem_shared>>
        tpu.wait_dma2 semaphore(%run_scoped3A : memref<!tpu.dma_semaphore, #tpu.memory_space<semaphore_mem>>) src(%dma_wait3A_231 : memref<128x128xf32, #tpu.memory_space<vmem_shared>>) dst(%arg10 : memref<128x128xf32, #tpu.memory_space<vmem>>)
        tpu.yield
      }) : () -> ()
      %mul3A_219 = arith.constant 640 : i32
      %mul3A_220 = arith.muli %arg1, %mul3A_219 : i32
      %mul3A_221 = arith.constant 128 : i32
      %mul3A_222 = arith.muli %scan3A_213, %mul3A_221 : i32
      %add3A_223 = arith.addi %mul3A_220, %mul3A_222 : i32
      "tpu.region"() ({
        %run_scoped3A = tpu.sem_alloc : memref<!tpu.dma_semaphore, #tpu.memory_space<semaphore_mem>>
        %dma_start3A_224 = arith.constant 0 : i32
        %dma_start3A_225 = tpu.memref_slice %arg5[%arg0, %add3A_223, %dma_start3A_224] : memref<2x10240x128xf32, #tpu.memory_space<hbm>> -> memref<1x128x128xf32, #tpu.memory_space<hbm>>
        %dma_start3A_226 = tpu.memref_squeeze %dma_start3A_225 : memref<1x128x128xf32, #tpu.memory_space<hbm>> -> memref<128x128xf32, #tpu.memory_space<hbm>>
        %dma_start3A_227 = arith.constant 0 : i32
        %dma_start3A_228 = tpu.memref_slice %arg5[%arg0, %add3A_223, %dma_start3A_227] : memref<2x10240x128xf32, #tpu.memory_space<hbm>> -> memref<1x128x128xf32, #tpu.memory_space<hbm>>
        %dma_start3A_229 = tpu.memref_squeeze %dma_start3A_228 : memref<1x128x128xf32, #tpu.memory_space<hbm>> -> memref<128x128xf32, #tpu.memory_space<hbm>>
        tpu.enqueue_dma source(%arg10 : memref<128x128xf32, #tpu.memory_space<vmem>>) target(%dma_start3A_229 : memref<128x128xf32, #tpu.memory_space<hbm>>) target_semaphore(%run_scoped3A : memref<!tpu.dma_semaphore, #tpu.memory_space<semaphore_mem>>)
        %dma_wait3A_230 = arith.constant 0 : i32
        %dma_wait3A_231 = tpu.memref_slice %arg5[%arg0, %add3A_223, %dma_wait3A_230] : memref<2x10240x128xf32, #tpu.memory_space<hbm>> -> memref<1x128x128xf32, #tpu.memory_space<hbm>>
        %dma_wait3A_232 = tpu.memref_squeeze %dma_wait3A_231 : memref<1x128x128xf32, #tpu.memory_space<hbm>> -> memref<128x128xf32, #tpu.memory_space<hbm>>
        %dma_wait3A_233 = arith.constant 0 : i32
        %dma_wait3A_234 = tpu.memref_slice %arg5[%arg0, %add3A_223, %dma_wait3A_233] : memref<2x10240x128xf32, #tpu.memory_space<hbm>> -> memref<1x128x128xf32, #tpu.memory_space<hbm>>
        %dma_wait3A_235 = tpu.memref_squeeze %dma_wait3A_234 : memref<1x128x128xf32, #tpu.memory_space<hbm>> -> memref<128x128xf32, #tpu.memory_space<hbm>>
        tpu.wait_dma2 semaphore(%run_scoped3A : memref<!tpu.dma_semaphore, #tpu.memory_space<semaphore_mem>>) src(%arg10 : memref<128x128xf32, #tpu.memory_space<vmem>>) dst(%dma_wait3A_235 : memref<128x128xf32, #tpu.memory_space<hbm>>)
        tpu.yield
      }) : () -> ()
    }
    %scan3A_212 = arith.constant 5 : i32
    return
  }
}

module attributes {stable_mosaic.version = 14 : i64} {
  func.func @body(%arg0: i32, %arg1: memref<1024x128xf32, #tpu.memory_space<vmem>>, %arg2: memref<128x128xf32, #tpu.memory_space<vmem>>, %arg3: memref<2x1024x16xf32, #tpu.memory_space<vmem>>, %arg4: memref<1024x128xf32, #tpu.memory_space<vmem>>, %arg5: memref<1024x8xf32, #tpu.memory_space<vmem>>) attributes {dimension_semantics = [#tpu.dimension_semantics<arbitrary>], iteration_bounds = array<i64: 10>, scalar_prefetch = 0 : i64, scratch_operands = 0 : i64, tpu.core_type = #tpu.core_type<tc>, window_params = [{transform_indices = @transform_0, window_bounds = array<i64: 1024, 128>}, {pipeline_mode = #tpu.pipeline_mode<synchronous>, transform_indices = @transform_1, window_bounds = array<i64: 128, 128>}, {transform_indices = @transform_2, window_bounds = array<i64: 2, 1024, 16>}, {transform_indices = @transform_3, window_bounds = array<i64: 1024, 128>}, {transform_indices = @transform_4, window_bounds = array<i64: 1024, 8>}]} {
    %get3A = arith.constant 0 : index
    %get3A_0 = arith.constant 0 : index
    %get3A_1 = arith.constant 0 : index
    %get3A_2 = vector.load %arg3[%get3A, %get3A_0, %get3A_1] : memref<2x1024x16xf32, #tpu.memory_space<vmem>>, vector<2x1024x16xf32>
    %slice3A = vector.extract_strided_slice %get3A_2 {offsets = [0, 0, 0], sizes = [2, 1024, 1], strides = [1, 1, 1]} : vector<2x1024x16xf32> to vector<2x1024x1xf32>
    %reduce_sum3A = arith.constant dense<0.000000e+00> : vector<1024x1xf32>
    %reduce_sum3A_3 = vector.multi_reduction <add>, %slice3A, %reduce_sum3A [0] : vector<2x1024x1xf32> to vector<1024x1xf32>
    %add3A = arith.constant 1.000000e+00 : f32
    %add3A_4 = vector.broadcast %add3A : f32 to vector<1024x1xf32>
    %add3A_5 = arith.addf %reduce_sum3A_3, %add3A_4 : vector<1024x1xf32>
    %rsqrt3A = math.rsqrt %add3A_5 : vector<1024x1xf32>
    %get3A_6 = arith.constant 0 : index
    %get3A_7 = arith.constant 0 : index
    %get3A_8 = vector.load %arg1[%get3A_6, %get3A_7] : memref<1024x128xf32, #tpu.memory_space<vmem>>, vector<1024x128xf32>
    %get3A_9 = arith.constant 0 : index
    %get3A_10 = arith.constant 0 : index
    %get3A_11 = vector.load %arg2[%get3A_9, %get3A_10] : memref<128x128xf32, #tpu.memory_space<vmem>>, vector<128x128xf32>
    %dot_general3A = arith.constant dense<0.000000e+00> : vector<1024x128xf32>
    %dot_general3A_12 = tpu.matmul %get3A_8, %get3A_11, %dot_general3A {dimension_numbers = #tpu.dot_dimension_numbers<[1], [0], [0], [1], [0, 0, 1, 1], [], []>, transpose_lhs_hint = false} : vector<1024x128xf32>, vector<128x128xf32>, vector<1024x128xf32> -> vector<1024x128xf32>
    %mul3A = vector.broadcast %rsqrt3A : vector<1024x1xf32> to vector<1024x128xf32>
    %mul3A_13 = arith.mulf %dot_general3A_12, %mul3A : vector<1024x128xf32>
    %swap3A = arith.constant 0 : index
    %swap3A_14 = arith.constant 0 : index
    %swap3A_15 = vector.load %arg4[%swap3A, %swap3A_14] : memref<1024x128xf32, #tpu.memory_space<vmem>>, vector<1024x128xf32>
    tpu.vector_store %arg4[%swap3A, %swap3A_14], %mul3A_13 {strides = array<i32>} : memref<1024x128xf32, #tpu.memory_space<vmem>>, vector<1024x128xf32>,
    %broadcast_in_dim3A = vector.shape_cast %rsqrt3A : vector<1024x1xf32> to vector<1024x1xf32>
    %broadcast_in_dim3A_16 = vector.broadcast %broadcast_in_dim3A : vector<1024x1xf32> to vector<1024x8xf32>
    %swap3A_17 = arith.constant 0 : index
    %swap3A_18 = arith.constant 0 : index
    %swap3A_19 = vector.load %arg5[%swap3A_17, %swap3A_18] : memref<1024x8xf32, #tpu.memory_space<vmem>>, vector<1024x8xf32>
    tpu.vector_store %arg5[%swap3A_17, %swap3A_18], %broadcast_in_dim3A_16 {strides = array<i32>} : memref<1024x8xf32, #tpu.memory_space<vmem>>, vector<1024x8xf32>,
    return
  }
  func.func @transform_0(%arg0: i32) -> (i32, i32) {
    %c0_i32 = arith.constant 0 : i32
    %c0_i32_0 = arith.constant 0 : i32
    return %arg0, %c0_i32 : i32, i32
  }
  func.func @transform_1(%arg0: i32) -> (i32, i32) {
    %c0_i32 = arith.constant 0 : i32
    %c0_i32_0 = arith.constant 0 : i32
    %c0_i32_1 = arith.constant 0 : i32
    return %c0_i32, %c0_i32_0 : i32, i32
  }
  func.func @transform_2(%arg0: i32) -> (i32, i32, i32) {
    %c0_i32 = arith.constant 0 : i32
    %c0_i32_0 = arith.constant 0 : i32
    %c0_i32_1 = arith.constant 0 : i32
    return %c0_i32, %arg0, %c0_i32_0 : i32, i32, i32
  }
  func.func @transform_3(%arg0: i32) -> (i32, i32) {
    %c0_i32 = arith.constant 0 : i32
    %c0_i32_0 = arith.constant 0 : i32
    return %arg0, %c0_i32 : i32, i32
  }
  func.func @transform_4(%arg0: i32) -> (i32, i32) {
    %c0_i32 = arith.constant 0 : i32
    %c0_i32_0 = arith.constant 0 : i32
    return %arg0, %c0_i32 : i32, i32
  }
}

module attributes {stable_mosaic.version = 14 : i64} {
  func.func @body(%arg0: i32, %arg1: memref<2x1024x128xf32, #tpu.memory_space<vmem>>, %arg2: memref<1024x128xf32, #tpu.memory_space<vmem>>, %arg3: memref<1024x8xf32, #tpu.memory_space<vmem>>, %arg4: memref<1x128xf32, #tpu.memory_space<vmem>>, %arg5: memref<128x128xf32, #tpu.memory_space<vmem>>, %arg6: memref<1024x128xf32, #tpu.memory_space<vmem>>) attributes {dimension_semantics = [#tpu.dimension_semantics<arbitrary>], iteration_bounds = array<i64: 10>, scalar_prefetch = 0 : i64, scratch_operands = 0 : i64, tpu.core_type = #tpu.core_type<tc>, window_params = [{transform_indices = @transform_0, window_bounds = array<i64: 2, 1024, 128>}, {transform_indices = @transform_1, window_bounds = array<i64: 1024, 128>}, {transform_indices = @transform_2, window_bounds = array<i64: 1024, 8>}, {pipeline_mode = #tpu.pipeline_mode<synchronous>, transform_indices = @transform_3, window_bounds = array<i64: 1, 128>}, {pipeline_mode = #tpu.pipeline_mode<synchronous>, transform_indices = @transform_4, window_bounds = array<i64: 128, 128>}, {transform_indices = @transform_5, window_bounds = array<i64: 1024, 128>}]} {
    %get3A = arith.constant 0 : index
    %get3A_0 = arith.constant 0 : index
    %get3A_1 = vector.load %arg3[%get3A, %get3A_0] : memref<1024x8xf32, #tpu.memory_space<vmem>>, vector<1024x1xf32>
    %get3A_2 = arith.constant 0 : index
    %get3A_3 = arith.constant 0 : index
    %get3A_4 = arith.constant 0 : index
    %get3A_5 = vector.load %arg1[%get3A_2, %get3A_3, %get3A_4] : memref<2x1024x128xf32, #tpu.memory_space<vmem>>, vector<1x1024x128xf32>
    %get3A_6 = vector.shape_cast %get3A_5 : vector<1x1024x128xf32> to vector<1024x128xf32>
    %get3A_7 = arith.constant 1 : index
    %get3A_8 = arith.constant 0 : index
    %get3A_9 = arith.constant 0 : index
    %get3A_10 = vector.load %arg1[%get3A_7, %get3A_8, %get3A_9] : memref<2x1024x128xf32, #tpu.memory_space<vmem>>, vector<1x1024x128xf32>
    %get3A_11 = vector.shape_cast %get3A_10 : vector<1x1024x128xf32> to vector<1024x128xf32>
    %add3A = arith.addf %get3A_6, %get3A_11 : vector<1024x128xf32>
    %get3A_12 = arith.constant 0 : index
    %get3A_13 = arith.constant 0 : index
    %get3A_14 = vector.load %arg2[%get3A_12, %get3A_13] : memref<1024x128xf32, #tpu.memory_space<vmem>>, vector<1024x128xf32>
    %add3A_15 = arith.addf %add3A, %get3A_14 : vector<1024x128xf32>
    %mul3A = vector.broadcast %get3A_1 : vector<1024x1xf32> to vector<1024x128xf32>
    %mul3A_16 = arith.mulf %add3A_15, %mul3A : vector<1024x128xf32>
    %get3A_17 = arith.constant 0 : index
    %get3A_18 = arith.constant 0 : index
    %get3A_19 = vector.load %arg4[%get3A_17, %get3A_18] : memref<1x128xf32, #tpu.memory_space<vmem>>, vector<1x128xf32>
    %add3A_20 = vector.broadcast %get3A_19 : vector<1x128xf32> to vector<1024x128xf32>
    %add3A_21 = arith.addf %mul3A_16, %add3A_20 : vector<1024x128xf32>
    %max3A = arith.constant 0.000000e+00 : f32
    %max3A_22 = vector.broadcast %max3A : f32 to vector<1024x128xf32>
    %max3A_23 = arith.maximumf %add3A_21, %max3A_22 : vector<1024x128xf32>
    %get3A_24 = arith.constant 0 : index
    %get3A_25 = arith.constant 0 : index
    %get3A_26 = vector.load %arg5[%get3A_24, %get3A_25] : memref<128x128xf32, #tpu.memory_space<vmem>>, vector<128x128xf32>
    %dot_general3A = arith.constant dense<0.000000e+00> : vector<1024x128xf32>
    %dot_general3A_27 = tpu.matmul %max3A_23, %get3A_26, %dot_general3A {dimension_numbers = #tpu.dot_dimension_numbers<[1], [0], [0], [1], [0, 0, 1, 1], [], []>, transpose_lhs_hint = false} : vector<1024x128xf32>, vector<128x128xf32>, vector<1024x128xf32> -> vector<1024x128xf32>
    %mul3A_28 = vector.broadcast %get3A_1 : vector<1024x1xf32> to vector<1024x128xf32>
    %mul3A_29 = arith.mulf %dot_general3A_27, %mul3A_28 : vector<1024x128xf32>
    %swap3A = arith.constant 0 : index
    %swap3A_30 = arith.constant 0 : index
    %swap3A_31 = vector.load %arg6[%swap3A, %swap3A_30] : memref<1024x128xf32, #tpu.memory_space<vmem>>, vector<1024x128xf32>
    tpu.vector_store %arg6[%swap3A, %swap3A_30], %mul3A_29 {strides = array<i32>} : memref<1024x128xf32, #tpu.memory_space<vmem>>, vector<1024x128xf32>,
    return
  }
  func.func @transform_0(%arg0: i32) -> (i32, i32, i32) {
    %c0_i32 = arith.constant 0 : i32
    %c0_i32_0 = arith.constant 0 : i32
    %c0_i32_1 = arith.constant 0 : i32
    return %c0_i32, %arg0, %c0_i32_0 : i32, i32, i32
  }
  func.func @transform_1(%arg0: i32) -> (i32, i32) {
    %c0_i32 = arith.constant 0 : i32
    %c0_i32_0 = arith.constant 0 : i32
    return %arg0, %c0_i32 : i32, i32
  }
  func.func @transform_2(%arg0: i32) -> (i32, i32) {
    %c0_i32 = arith.constant 0 : i32
    %c0_i32_0 = arith.constant 0 : i32
    return %arg0, %c0_i32 : i32, i32
  }
  func.func @transform_3(%arg0: i32) -> (i32, i32) {
    %c0_i32 = arith.constant 0 : i32
    %c0_i32_0 = arith.constant 0 : i32
    %c0_i32_1 = arith.constant 0 : i32
    return %c0_i32, %c0_i32_0 : i32, i32
  }
  func.func @transform_4(%arg0: i32) -> (i32, i32) {
    %c0_i32 = arith.constant 0 : i32
    %c0_i32_0 = arith.constant 0 : i32
    %c0_i32_1 = arith.constant 0 : i32
    return %c0_i32, %c0_i32_0 : i32, i32
  }
  func.func @transform_5(%arg0: i32) -> (i32, i32) {
    %c0_i32 = arith.constant 0 : i32
    %c0_i32_0 = arith.constant 0 : i32
    return %arg0, %c0_i32 : i32, i32
  }
}

module attributes {stable_mosaic.version = 14 : i64} {
  func.func @body(%arg0: i32, %arg1: memref<2x1024x128xf32, #tpu.memory_space<vmem>>, %arg2: memref<1024x128xf32, #tpu.memory_space<vmem>>, %arg3: memref<1024x8xf32, #tpu.memory_space<vmem>>, %arg4: memref<1x128xf32, #tpu.memory_space<vmem>>, %arg5: memref<1x1024xi32, #tpu.memory_space<vmem>>, %arg6: memref<128x128xf32, #tpu.memory_space<vmem>>, %arg7: memref<1x128xf32, #tpu.memory_space<vmem>>, %arg8: memref<128x10xf32, #tpu.memory_space<vmem>>, %arg9: memref<1x10xf32, #tpu.memory_space<vmem>>, %arg10: memref<64x10xf32, #tpu.memory_space<vmem>>, %arg11: memref<64x128xf32, #tpu.memory_space<vmem>>, %arg12: memref<64x1xf32, #tpu.memory_space<vmem>>) attributes {dimension_semantics = [#tpu.dimension_semantics<arbitrary>], iteration_bounds = array<i64: 10>, scalar_prefetch = 0 : i64, scratch_operands = 2 : i64, tpu.core_type = #tpu.core_type<tc>, window_params = [{transform_indices = @transform_0, window_bounds = array<i64: 2, 1024, 128>}, {transform_indices = @transform_1, window_bounds = array<i64: 1024, 128>}, {transform_indices = @transform_2, window_bounds = array<i64: 1024, 8>}, {pipeline_mode = #tpu.pipeline_mode<synchronous>, transform_indices = @transform_3, window_bounds = array<i64: 1, 128>}, {transform_indices = @transform_4, window_bounds = array<i64: 1, 1024>}, {pipeline_mode = #tpu.pipeline_mode<synchronous>, transform_indices = @transform_5, window_bounds = array<i64: 128, 128>}, {pipeline_mode = #tpu.pipeline_mode<synchronous>, transform_indices = @transform_6, window_bounds = array<i64: 1, 128>}, {pipeline_mode = #tpu.pipeline_mode<synchronous>, transform_indices = @transform_7, window_bounds = array<i64: 128, 10>}, {pipeline_mode = #tpu.pipeline_mode<synchronous>, transform_indices = @transform_8, window_bounds = array<i64: 1, 10>}, {pipeline_mode = #tpu.pipeline_mode<synchronous>, transform_indices = @transform_9, window_bounds = array<i64: 64, 10>}]} {
    %eq3A = arith.constant 0 : i32
    %eq3A_0 = arith.cmpi eq, %arg0, %eq3A : i32
    %convert_element_type3A = arith.extui %eq3A_0 : i1 to i32
    %cond3A = arith.constant 0 : i32
    %cond3A_1 = arith.cmpi ne, %convert_element_type3A, %cond3A : i32
    scf.if %cond3A_1 {
      %broadcast_in_dim3A_54 = arith.constant 0.000000e+00 : f32
      %broadcast_in_dim3A_55 = vector.broadcast %broadcast_in_dim3A_54 : f32 to vector<64x128xf32>
      %swap3A_56 = arith.constant 0 : index
      %swap3A_57 = arith.constant 0 : index
      %swap3A_58 = vector.load %arg11[%swap3A_56, %swap3A_57] : memref<64x128xf32, #tpu.memory_space<vmem>>, vector<64x128xf32>
      tpu.vector_store %arg11[%swap3A_56, %swap3A_57], %broadcast_in_dim3A_55 {strides = array<i32>} : memref<64x128xf32, #tpu.memory_space<vmem>>, vector<64x128xf32>,
      %broadcast_in_dim3A_59 = arith.constant 0.000000e+00 : f32
      %broadcast_in_dim3A_60 = vector.broadcast %broadcast_in_dim3A_59 : f32 to vector<64x1xf32>
      %swap3A_61 = arith.constant 0 : index
      %swap3A_62 = arith.constant 0 : index
      %swap3A_63 = vector.load %arg12[%swap3A_61, %swap3A_62] : memref<64x1xf32, #tpu.memory_space<vmem>>, vector<64x1xf32>
      tpu.vector_store %arg12[%swap3A_61, %swap3A_62], %broadcast_in_dim3A_60 {strides = array<i32>} : memref<64x1xf32, #tpu.memory_space<vmem>>, vector<64x1xf32>,
    } else {
    }
    %get3A = arith.constant 0 : index
    %get3A_2 = arith.constant 0 : index
    %get3A_3 = vector.load %arg3[%get3A, %get3A_2] : memref<1024x8xf32, #tpu.memory_space<vmem>>, vector<1024x1xf32>
    %get3A_4 = arith.constant 0 : index
    %get3A_5 = arith.constant 0 : index
    %get3A_6 = arith.constant 0 : index
    %get3A_7 = vector.load %arg1[%get3A_4, %get3A_5, %get3A_6] : memref<2x1024x128xf32, #tpu.memory_space<vmem>>, vector<1x1024x128xf32>
    %get3A_8 = vector.shape_cast %get3A_7 : vector<1x1024x128xf32> to vector<1024x128xf32>
    %get3A_9 = arith.constant 1 : index
    %get3A_10 = arith.constant 0 : index
    %get3A_11 = arith.constant 0 : index
    %get3A_12 = vector.load %arg1[%get3A_9, %get3A_10, %get3A_11] : memref<2x1024x128xf32, #tpu.memory_space<vmem>>, vector<1x1024x128xf32>
    %get3A_13 = vector.shape_cast %get3A_12 : vector<1x1024x128xf32> to vector<1024x128xf32>
    %add3A = arith.addf %get3A_8, %get3A_13 : vector<1024x128xf32>
    %get3A_14 = arith.constant 0 : index
    %get3A_15 = arith.constant 0 : index
    %get3A_16 = vector.load %arg2[%get3A_14, %get3A_15] : memref<1024x128xf32, #tpu.memory_space<vmem>>, vector<1024x128xf32>
    %add3A_17 = arith.addf %add3A, %get3A_16 : vector<1024x128xf32>
    %mul3A = vector.broadcast %get3A_3 : vector<1024x1xf32> to vector<1024x128xf32>
    %mul3A_18 = arith.mulf %add3A_17, %mul3A : vector<1024x128xf32>
    %get3A_19 = arith.constant 0 : index
    %get3A_20 = arith.constant 0 : index
    %get3A_21 = vector.load %arg4[%get3A_19, %get3A_20] : memref<1x128xf32, #tpu.memory_space<vmem>>, vector<1x128xf32>
    %add3A_22 = vector.broadcast %get3A_21 : vector<1x128xf32> to vector<1024x128xf32>
    %add3A_23 = arith.addf %mul3A_18, %add3A_22 : vector<1024x128xf32>
    %max3A = arith.constant 0.000000e+00 : f32
    %max3A_24 = vector.broadcast %max3A : f32 to vector<1024x128xf32>
    %max3A_25 = arith.maximumf %add3A_23, %max3A_24 : vector<1024x128xf32>
    %iota3A = tpu.iota {dimensions = array<i32: 0>} : vector<64x1024xi32>
    %get3A_26 = arith.constant 0 : index
    %get3A_27 = arith.constant 0 : index
    %get3A_28 = vector.load %arg5[%get3A_26, %get3A_27] : memref<1x1024xi32, #tpu.memory_space<vmem>>, vector<1x1024xi32>
    %broadcast_in_dim3A = vector.shape_cast %get3A_28 : vector<1x1024xi32> to vector<1x1024xi32>
    %broadcast_in_dim3A_29 = vector.broadcast %broadcast_in_dim3A : vector<1x1024xi32> to vector<64x1024xi32>
    %eq3A_30 = arith.cmpi eq, %iota3A, %broadcast_in_dim3A_29 : vector<64x1024xi32>
    %convert_element_type3A_31 = arith.extui %eq3A_30 : vector<64x1024xi1> to vector<64x1024xi32>
    %convert_element_type3A_32 = arith.sitofp %convert_element_type3A_31 : vector<64x1024xi32> to vector<64x1024xf32>
    %get3A_33 = arith.constant 0 : index
    %get3A_34 = arith.constant 0 : index
    %get3A_35 = vector.load %arg11[%get3A_33, %get3A_34] : memref<64x128xf32, #tpu.memory_space<vmem>>, vector<64x128xf32>
    %dot_general3A = arith.constant dense<0.000000e+00> : vector<64x128xf32>
    %dot_general3A_36 = tpu.matmul %convert_element_type3A_32, %max3A_25, %dot_general3A {dimension_numbers = #tpu.dot_dimension_numbers<[1], [0], [0], [1], [0, 0, 1, 1], [], []>, transpose_lhs_hint = false} : vector<64x1024xf32>, vector<1024x128xf32>, vector<64x128xf32> -> vector<64x128xf32>
    %add3A_37 = arith.addf %get3A_35, %dot_general3A_36 : vector<64x128xf32>
    %swap3A = arith.constant 0 : index
    %swap3A_38 = arith.constant 0 : index
    %swap3A_39 = vector.load %arg11[%swap3A, %swap3A_38] : memref<64x128xf32, #tpu.memory_space<vmem>>, vector<64x128xf32>
    tpu.vector_store %arg11[%swap3A, %swap3A_38], %add3A_37 {strides = array<i32>} : memref<64x128xf32, #tpu.memory_space<vmem>>, vector<64x128xf32>,
    %get3A_40 = arith.constant 0 : index
    %get3A_41 = arith.constant 0 : index
    %get3A_42 = vector.load %arg12[%get3A_40, %get3A_41] : memref<64x1xf32, #tpu.memory_space<vmem>>, vector<64x1xf32>
    %reduce_sum3A = arith.constant dense<0.000000e+00> : vector<64xf32>
    %reduce_sum3A_43 = vector.multi_reduction <add>, %convert_element_type3A_32, %reduce_sum3A [1] : vector<64x1024xf32> to vector<64xf32>
    %broadcast_in_dim3A_44 = vector.shape_cast %reduce_sum3A_43 : vector<64xf32> to vector<64x1xf32>
    %add3A_45 = arith.addf %get3A_42, %broadcast_in_dim3A_44 : vector<64x1xf32>
    %swap3A_46 = arith.constant 0 : index
    %swap3A_47 = arith.constant 0 : index
    %swap3A_48 = vector.load %arg12[%swap3A_46, %swap3A_47] : memref<64x1xf32, #tpu.memory_space<vmem>>, vector<64x1xf32>
    tpu.vector_store %arg12[%swap3A_46, %swap3A_47], %add3A_45 {strides = array<i32>} : memref<64x1xf32, #tpu.memory_space<vmem>>, vector<64x1xf32>,
    %eq3A_49 = arith.constant 9 : i32
    %eq3A_50 = arith.cmpi eq, %arg0, %eq3A_49 : i32
    %convert_element_type3A_51 = arith.extui %eq3A_50 : i1 to i32
    %cond3A_52 = arith.constant 0 : i32
    %cond3A_53 = arith.cmpi ne, %convert_element_type3A_51, %cond3A_52 : i32
    scf.if %cond3A_53 {
      %get3A_54 = arith.constant 0 : index
      %get3A_55 = arith.constant 0 : index
      %get3A_56 = vector.load %arg11[%get3A_54, %get3A_55] : memref<64x128xf32, #tpu.memory_space<vmem>>, vector<64x128xf32>
      %get3A_57 = arith.constant 0 : index
      %get3A_58 = arith.constant 0 : index
      %get3A_59 = vector.load %arg12[%get3A_57, %get3A_58] : memref<64x1xf32, #tpu.memory_space<vmem>>, vector<64x1xf32>
      %max3A_60 = arith.constant 1.000000e+00 : f32
      %max3A_61 = vector.broadcast %max3A_60 : f32 to vector<64x1xf32>
      %max3A_62 = arith.maximumf %get3A_59, %max3A_61 : vector<64x1xf32>
      %div3A = vector.broadcast %max3A_62 : vector<64x1xf32> to vector<64x128xf32>
      %div3A_63 = arith.divf %get3A_56, %div3A : vector<64x128xf32>
      %get3A_64 = arith.constant 0 : index
      %get3A_65 = arith.constant 0 : index
      %get3A_66 = vector.load %arg6[%get3A_64, %get3A_65] : memref<128x128xf32, #tpu.memory_space<vmem>>, vector<128x128xf32>
      %dot_general3A_67 = arith.constant dense<0.000000e+00> : vector<64x128xf32>
      %dot_general3A_68 = tpu.matmul %div3A_63, %get3A_66, %dot_general3A_67 {dimension_numbers = #tpu.dot_dimension_numbers<[1], [0], [0], [1], [0, 0, 1, 1], [], []>, transpose_lhs_hint = false} : vector<64x128xf32>, vector<128x128xf32>, vector<64x128xf32> -> vector<64x128xf32>
      %get3A_69 = arith.constant 0 : index
      %get3A_70 = arith.constant 0 : index
      %get3A_71 = vector.load %arg7[%get3A_69, %get3A_70] : memref<1x128xf32, #tpu.memory_space<vmem>>, vector<1x128xf32>
      %add3A_72 = vector.broadcast %get3A_71 : vector<1x128xf32> to vector<64x128xf32>
      %add3A_73 = arith.addf %dot_general3A_68, %add3A_72 : vector<64x128xf32>
      %max3A_74 = arith.constant 0.000000e+00 : f32
      %max3A_75 = vector.broadcast %max3A_74 : f32 to vector<64x128xf32>
      %max3A_76 = arith.maximumf %add3A_73, %max3A_75 : vector<64x128xf32>
      %get3A_77 = arith.constant 0 : index
      %get3A_78 = arith.constant 0 : index
      %get3A_79 = vector.load %arg8[%get3A_77, %get3A_78] : memref<128x10xf32, #tpu.memory_space<vmem>>, vector<128x10xf32>
      %dot_general3A_80 = arith.constant dense<0.000000e+00> : vector<64x10xf32>
      %dot_general3A_81 = tpu.matmul %max3A_76, %get3A_79, %dot_general3A_80 {dimension_numbers = #tpu.dot_dimension_numbers<[1], [0], [0], [1], [0, 0, 1, 1], [], []>, transpose_lhs_hint = false} : vector<64x128xf32>, vector<128x10xf32>, vector<64x10xf32> -> vector<64x10xf32>
      %get3A_82 = arith.constant 0 : index
      %get3A_83 = arith.constant 0 : index
      %get3A_84 = vector.load %arg9[%get3A_82, %get3A_83] : memref<1x10xf32, #tpu.memory_space<vmem>>, vector<1x10xf32>
      %add3A_85 = vector.broadcast %get3A_84 : vector<1x10xf32> to vector<64x10xf32>
      %add3A_86 = arith.addf %dot_general3A_81, %add3A_85 : vector<64x10xf32>
      %reduce_max3A = arith.constant dense<0xFF800000> : vector<64xf32>
      %reduce_max3A_87 = vector.multi_reduction <maximumf>, %add3A_86, %reduce_max3A [1] : vector<64x10xf32> to vector<64xf32>
      %broadcast_in_dim3A_88 = vector.shape_cast %reduce_max3A_87 : vector<64xf32> to vector<64x1xf32>
      %sub3A = vector.broadcast %broadcast_in_dim3A_88 : vector<64x1xf32> to vector<64x10xf32>
      %sub3A_89 = arith.subf %add3A_86, %sub3A : vector<64x10xf32>
      %exp3A = math.exp %sub3A_89 : vector<64x10xf32>
      %reduce_sum3A_90 = arith.constant dense<0.000000e+00> : vector<64xf32>
      %reduce_sum3A_91 = vector.multi_reduction <add>, %exp3A, %reduce_sum3A_90 [1] : vector<64x10xf32> to vector<64xf32>
      %broadcast_in_dim3A_92 = vector.shape_cast %reduce_sum3A_91 : vector<64xf32> to vector<64x1xf32>
      %log3A = math.log %broadcast_in_dim3A_92 : vector<64x1xf32>
      %sub3A_93 = vector.broadcast %log3A : vector<64x1xf32> to vector<64x10xf32>
      %sub3A_94 = arith.subf %sub3A_89, %sub3A_93 : vector<64x10xf32>
      %swap3A_95 = arith.constant 0 : index
      %swap3A_96 = arith.constant 0 : index
      %swap3A_97 = vector.load %arg10[%swap3A_95, %swap3A_96] : memref<64x10xf32, #tpu.memory_space<vmem>>, vector<64x10xf32>
      tpu.vector_store %arg10[%swap3A_95, %swap3A_96], %sub3A_94 {strides = array<i32>} : memref<64x10xf32, #tpu.memory_space<vmem>>, vector<64x10xf32>,
    } else {
    }
    return
  }
  func.func @transform_0(%arg0: i32) -> (i32, i32, i32) {
    %c0_i32 = arith.constant 0 : i32
    %c0_i32_0 = arith.constant 0 : i32
    %c0_i32_1 = arith.constant 0 : i32
    return %c0_i32, %arg0, %c0_i32_0 : i32, i32, i32
  }
  func.func @transform_1(%arg0: i32) -> (i32, i32) {
    %c0_i32 = arith.constant 0 : i32
    %c0_i32_0 = arith.constant 0 : i32
    return %arg0, %c0_i32 : i32, i32
  }
  func.func @transform_2(%arg0: i32) -> (i32, i32) {
    %c0_i32 = arith.constant 0 : i32
    %c0_i32_0 = arith.constant 0 : i32
    return %arg0, %c0_i32 : i32, i32
  }
  func.func @transform_3(%arg0: i32) -> (i32, i32) {
    %c0_i32 = arith.constant 0 : i32
    %c0_i32_0 = arith.constant 0 : i32
    %c0_i32_1 = arith.constant 0 : i32
    return %c0_i32, %c0_i32_0 : i32, i32
  }
  func.func @transform_4(%arg0: i32) -> (i32, i32) {
    %c0_i32 = arith.constant 0 : i32
    %c0_i32_0 = arith.constant 0 : i32
    return %c0_i32, %arg0 : i32, i32
  }
  func.func @transform_5(%arg0: i32) -> (i32, i32) {
    %c0_i32 = arith.constant 0 : i32
    %c0_i32_0 = arith.constant 0 : i32
    %c0_i32_1 = arith.constant 0 : i32
    return %c0_i32, %c0_i32_0 : i32, i32
  }
  func.func @transform_6(%arg0: i32) -> (i32, i32) {
    %c0_i32 = arith.constant 0 : i32
    %c0_i32_0 = arith.constant 0 : i32
    %c0_i32_1 = arith.constant 0 : i32
    return %c0_i32, %c0_i32_0 : i32, i32
  }
  func.func @transform_7(%arg0: i32) -> (i32, i32) {
    %c0_i32 = arith.constant 0 : i32
    %c0_i32_0 = arith.constant 0 : i32
    %c0_i32_1 = arith.constant 0 : i32
    return %c0_i32, %c0_i32_0 : i32, i32
  }
  func.func @transform_8(%arg0: i32) -> (i32, i32) {
    %c0_i32 = arith.constant 0 : i32
    %c0_i32_0 = arith.constant 0 : i32
    %c0_i32_1 = arith.constant 0 : i32
    return %c0_i32, %c0_i32_0 : i32, i32
  }
  func.func @transform_9(%arg0: i32) -> (i32, i32) {
    %c0_i32 = arith.constant 0 : i32
    %c0_i32_0 = arith.constant 0 : i32
    %c0_i32_1 = arith.constant 0 : i32
    return %c0_i32, %c0_i32_0 : i32, i32
  }
}

</mosaic_0001>

<sc_bundles>
// kernel: kernel.11.cloned.1.call-start
scs
__scs_entry_jumppad:
0x0: {  	(pc) =	sbr.rel $0x88, $3  }
0x1: {  	(tag) =	ssettag $0x0;
	lr =	simm.s32 $0x1  }
0x2: {  	[smem:$0x3F96] =	sst lr;
	_ =	strace $0xD0000000  }
0x3: {  	_ = 	snop  }
0x4: {  	_ = 	snop  }
0x5: {  	_ = 	snop  }
0x6: {  	_ = 	snop  }
0x7: {  	_ = 	snop  }
__scs_overlays_trampoline_lowered:
0x8: {  	[smem:$0x3FA5] =	sst s0  }
0x9: {  	[smem:$0x3FA6] =	sst s1  }
0xa: {  	[smem:$0x3FA7] =	sst s2  }
0xb: {  	[smem:$0x3FA8] =	sst s3  }
0xc: {  	[smem:$0x3FA9] =	sst s4  }
0xd: {  	[smem:$0x3FAA] =	sst s5  }
0xe: {  	[smem:$0x3FAB] =	sst s6  }
0xf: {  	[smem:$0x3FAC] =	sst s7  }
0x10: {  	[smem:$0x3FAD] =	sst s8  }
0x11: {  	[smem:$0x3FAE] =	sst s9;
	s0 =	simm.s32 @!p0 $0x0  }
0x12: {  	s1 =	sld [smem:$0x3F94];
	s0 =	simm.s32 @p0 $0x1  }
0x13: {  	[smem:$0x3FAF] =	sst s0;
	s0 =	simm.s32 @!p1 $0x0  }
0x14: {  	s2 =	sld [smem:$0x3F93];
	s0 =	simm.s32 @p1 $0x1  }
0x15: {  	[smem:$0x3FB0] =	sst s0;
	s0 =	simm.s32 @!p2 $0x0  }
0x16: {  	s3 =	sld [smem:$0x3FDB];
	s0 =	simm.s32 @p2 $0x1  }
0x17: {  	s4 =	simm.s32 $0x1BF5;
	[smem:$0x3FB2] =	sst s0  }
0x18: {  	s0 =	sld [smem:$0x3F95];
	_ =	swait.ge [sflag:s4], $0x0  }
0x19: {  	s7 =	sld [smem:$0x3F96]  }
0x1a: {  	s8 =	sadd.s32 $0xFFFFE003, lr  }
0x1b: {  	s9 =	sadd.s32 $0xFFFFFEF7, lr;
	s5 =	simm.s32 $0xFFFFFFFF;
	p2 =	slt.u32 s8, $0xFFFFF086  }
0x1c: {  	p1 =	slt.u32 s9, $0xF7A;
	s5 =	simm.s32 @!p2 $0x0  }
0x1d: {  	s5 =	simm.s32 @p1 $0x1;
	p0 =	seq.s32 s7, s2  }
0x1e: {  	s7 =	smul.u32 @!p0 $0xF7A, s2;
	p2 =	seq.s32 @!p0 s5, $0x0  }
0x1f: {  	s9 =	smul.u32 $0xF7A, s1;
	s8 =	simm.s32 @!p0 $0x1BF5;
	p2 =	por !p2, p0  }
0x20: {  	[sflag:s8] =	ssyncset.s32 @!p0 $0xFFFFF086;
	s6 =	sadd.s32 @!p0 s3, s7;
	s7 =	simm.s32 @!p0 $0x108  }
0x21: {  	s3 =	sadd.s32 s3, s9;
	s6 =	sadd.s32 @!p0 $0x88, s6;
	s7 =	simm.s32 @p2 $0x1082  }
0x22: {  	[simem:s7], [sflag:s8] =	dma.local @!p0 [hbm:s6], $0xF7A  }
0x23: {  	s9 =	sor.u32 $0xD0000000, s2;
	s6 =	simm.s32 $0x108;
	_ =	swait.ge @!p0 [sflag:s8], $0x0  }
0x24: {  	s3 =	sadd.s32 $0x88, s3;
	s6 =	simm.s32 @!p1 $0x1082;
	[sflag:s4] =	ssyncset.s32 $0xFFFFF086  }
0x25: {  	[simem:s6], [sflag:s4] =	dma.local [hbm:s3], $0xF7A  }
0x26: {  	[smem:$0x3F96] =	sst s1;
	(tag) =	ssettag s2;
	_ =	strace s9  }
0x27: {  	s1 =	sld [smem:$0x3FA6]  }
0x28: {  	s2 =	sld [smem:$0x3FA7]  }
0x29: {  	s4 =	sld [smem:$0x3FA9]  }
0x2a: {  	p0 =	seq.s32 s5, $0x0;
	s5 =	sld [smem:$0x3FAA]  }
0x2b: {  	s6 =	sld [smem:$0x3FAB]  }
0x2c: {  	s7 =	sld [smem:$0x3FAC]  }
0x2d: {  	s3 =	simm.s32 $0x108;
	s8 =	sld [smem:$0x3FAD]  }
0x2e: {  	s3 =	simm.s32 @!p0 $0x1082;
	s9 =	sld [smem:$0x3FAE]  }
0x2f: {  	lr =	sadd.s32 s0, s3;
	s0 =	sld [smem:$0x3FA5]  }
0x30: {  	s3 =	sld [smem:$0x3FA8]  }
0x31: {  	[smem:$0x3FB1] =	sst s10  }
0x32: {  	s10 =	sld [smem:$0x3FAF];
	_ =	sdelay $0x3  }
0x33: {  	p0 =	seq.s32 s10, $0x1;
	s10 =	sld [smem:$0x3FB1];
	_ =	sdelay $0x3  }
0x34: {  	[smem:$0x3FB1] =	sst s10  }
0x35: {  	s10 =	sld [smem:$0x3FB0];
	_ =	sdelay $0x3  }
0x36: {  	p1 =	seq.s32 s10, $0x1;
	s10 =	sld [smem:$0x3FB1];
	_ =	sdelay $0x3  }
0x37: {  	[smem:$0x3FB1] =	sst s10  }
0x38: {  	s10 =	sld [smem:$0x3FB2]  }
0x39: {  	_ = 	snop;
	(pc) =	sbr.ind lr, $3  }
0x3a: {  	_ = 	snop  }
0x3b: {  	_ = 	snop  }
0x3c: {  	p2 =	seq.s32 s10, $0x1;
	s10 =	sld [smem:$0x3FB1]  }
0x3d: {  	_ =	shalt  }
0x3e: {  	_ =	shalt  }
0x3f: {  	_ =	shalt  }
0x40: {  	_ =	shalt  }
0x41: {  	_ =	shalt  }
0x42: {  	_ =	shalt  }
0x43: {  	_ =	shalt  }
0x44: {  	_ =	shalt  }
0x45: {  	_ =	shalt  }
0x46: {  	_ =	shalt  }
0x47: {  	_ =	shalt  }
0x48: {  	_ =	shalt  }
0x49: {  	_ =	shalt  }
0x4a: {  	_ =	shalt  }
0x4b: {  	_ =	shalt  }
0x4c: {  	_ =	shalt  }
0x4d: {  	_ =	shalt  }
0x4e: {  	_ =	shalt  }
0x4f: {  	_ =	shalt  }
0x50: {  	_ =	shalt  }
0x51: {  	_ =	shalt  }
0x52: {  	_ =	shalt  }
0x53: {  	_ =	shalt  }
0x54: {  	_ =	shalt  }
0x55: {  	_ =	shalt  }
0x56: {  	_ =	shalt  }
0x57: {  	_ =	shalt  }
0x58: {  	_ =	shalt  }
0x59: {  	_ =	shalt  }
0x5a: {  	_ =	shalt  }
0x5b: {  	_ =	shalt  }
0x5c: {  	_ =	shalt  }
0x5d: {  	_ =	shalt  }
0x5e: {  	_ =	shalt  }
0x5f: {  	_ =	shalt  }
0x60: {  	_ =	shalt  }
0x61: {  	_ =	shalt  }
0x62: {  	_ =	shalt  }
0x63: {  	_ =	shalt  }
0x64: {  	_ =	shalt  }
0x65: {  	_ =	shalt  }
0x66: {  	_ =	shalt  }
0x67: {  	_ =	shalt  }
0x68: {  	_ =	shalt  }
0x69: {  	_ =	shalt  }
0x6a: {  	_ =	shalt  }
0x6b: {  	_ =	shalt  }
0x6c: {  	_ =	shalt  }
0x6d: {  	_ =	shalt  }
0x6e: {  	_ =	shalt  }
0x6f: {  	_ =	shalt  }
0x70: {  	_ =	shalt  }
0x71: {  	_ =	shalt  }
0x72: {  	_ =	shalt  }
0x73: {  	_ =	shalt  }
0x74: {  	_ =	shalt  }
0x75: {  	_ =	shalt  }
0x76: {  	_ =	shalt  }
0x77: {  	_ =	shalt  }
0x78: {  	_ =	shalt  }
0x79: {  	_ =	shalt  }
0x7a: {  	_ =	shalt  }
0x7b: {  	_ =	shalt  }
0x7c: {  	_ =	shalt  }
0x7d: {  	_ =	shalt  }
0x7e: {  	_ =	shalt  }
0x7f: {  	_ =	shalt  }
0x80: {  	_ =	shalt  }
0x81: {  	_ =	shalt  }
0x82: {  	_ =	shalt  }
0x83: {  	_ =	shalt  }
0x84: {  	_ =	shalt  }
0x85: {  	_ =	shalt  }
0x86: {  	_ =	shalt  }
0x87: {  	_ =	shalt  }
.Lfunc_end0:
.L_simem_size_0:
called_computation.1_lowered:
.L_overlay_start_0:
0x88: {  	s2 =	sld [smem:$0x3FD9]  }
0x89: {  	s3 =	sld [smem:$0x3FFE];
	_ =	sdelay $0x1  }
0x8a: {  	s1 =	srdreg.scid  }
0x8b: {  	s0 =	sand.u32 $0x1, s1  }
0x8c: {  	s16 =	sshll.u32 s0, $0xA;
	s2 =	sadd.s32 s3, s2  }
0x8d: {  	s2 =	sadd.s32 s2, s16  }
0x8e: {  	[smem:$0x3FBD] =	sst s2  }
0x8f: {  	_ = 	snop  }
0x90: {  	(tm) =	ssettm $0x1  }
0x91: {  	s17 =	sld [smem:$0x3FFB];
	_ =	sdelay $0x3  }
0x92: {  	_ =	strace s17  }
0x93: {  	s2 =	sld [smem:$0x3FFC];
	_ =	sdelay $0x3  }
0x94: {  	_ =	strace s2  }
0x95: {  	s2 =	sld [smem:$0x3FFD];
	_ =	sdelay $0x3  }
0x96: {  	_ =	strace s2  }
0x97: {  	_ =	strace $0x8FFFFFFF  }
0x98: {  	s18 =	sld [smem:$0x3FDB];
	_ =	sdelay $0x1  }
0x99: {  	s19 =	simm.s32 $_scs_section_size  }
0x9a: {  	s4 =	simm.s32 $_size__tile_overlayer_lowered;
	s5 =	simm.s32 $_tile_overlayer_lowered  }
0x9b: {  	s22 =	simm.s32 $0x1BFF;
	s21 =	sshll.u32 s5, $0x1;
	s2 =	sadd.s32 s19, s18  }
0x9c: {  	s6 =	simm.s32 $0x0;
	s20 =	sshll.u32 s4, $0x1;
	s4 =	sadd.s32 s21, s2  }
0x9d: {  	[timem:s6], [sflag:s22] =	dma.local [hbm:s4], s20  }
0x9e: {  	_ =	swait.ge [sflag:s22], s20  }
0x9f: {  	s3 =	ssub.s32 $0x0, s20;
	[sflag:s22] =	ssyncset.done $0x0  }
0xa0: {  	[sflag:s22] =	ssyncadd.s32 s3;
	_ =	sdelay $0x1  }
0xa1: {  	s23 =	simm.s32 $0x1B8B  }
0xa2: {  	_ =	swait.ge [sflag:s23], $0x1  }
0xa3: {  	[sflag:s23] =	ssyncset.done $0x0  }
0xa4: {  	s25 =	simm.s32 $0x1B8E;
	s24 =	sld [smem:$0x3FFE];
	[sflag:s23] =	ssyncadd.s32 $0xFFFFFFFF  }
0xa5: {  	s26 =	simm.s32 $execute0_lowered;
	[smem:$0x3FD2] =	sst s25  }
0xa6: {  	s4 =	sshll.u32 s26, $0x1;
	_ =	strace $0x80000049;
	[dreg:$0x1] =	wrdreg $0xFFFFFFFF  }
0xa7: {  	s28 =	simm.s32 $_size_execute0_lowered;
	s2 =	sadd.s32 s2, s4;
	[dreg:$0x0] =	wrdreg $0x0  }
0xa8: {  	s4 =	sshll.u32 s28, $0x1;
	[dreg:$0x2] =	wrdreg s2  }
0xa9: {  	[dreg:$0x3] =	wrdreg s4  }
0xaa: {  	[dreg:$0x4] =	wrdreg $0xC0  }
0xab: {  	_ =	task [dreg:s6], $0x5FFFF  }
0xac: {  	[dreg:$0x1] =	wrdreg $0xFFFFFFFF  }
0xad: {  	[dreg:$0x0] =	wrdreg $0x60  }
0xae: {  	[dreg:$0x2] =	wrdreg s24  }
0xaf: {  	[dreg:$0x3] =	wrdreg $0x82000  }
0xb0: {  	[dreg:$0x4] =	wrdreg $0x9  }
0xb1: {  	_ =	task.clear_ibuf [dreg:s6], $0x5FFFF;
	_ =	strace $0x90000049  }
0xb2: {  	s29 =	simm.s32 $0x9;
	_ =	strace $0x8000004B  }
0xb3: {  	_ =	swait.ge [sflag:s29], $0x1  }
0xb4: {  	[sflag:s29] =	ssyncadd.s32 $0xFFFFFFFF  }
0xb5: {  	_ =	strace $0x9000004B  }
0xb6: {  	_ =	sfence  }
0xb7: {  	s30 =	sld [smem:$0x0];
	_ =	sdelay $0x2  }
0xb8: {  	s31 =	sshll.u32 s1, $0xD;
	s1 =	sshrl.u32 s1, $0x2  }
0xb9: {  	s3 =	sand.u32 $0x4000, s31;
	s1 =	sadd.s32 s1, s30  }
0xba: {  	s0 =	sor.u32 s3, s0;
	s1 =	sshll.u32 s1, $0x11  }
0xbb: {  	s0 =	sor.u32 s1, s0  }
0xbc: {  	s0 =	sadd.s32 $0x8F2B, s0  }
0xbd: {  	[sflag:s0] =	ssyncadd.remote.s32 $0x1  }
0xbe: {  	_ =	sfence.sel $0xFFFF  }
0xbf: {  	[dreg:$0x0] =	wrdreg $0xFFFFFFFF;
	(pc) =	sbr.abs _section_cstart, $3  }
0xc0: {  	[dreg:$0x1] =	wrdreg $0xFFFFFFFF  }
0xc1: {  	_ =	task.clear_ibuf [dreg:s6], $0x2FFFF;
	_ =	strace $0x9FFFFFFF  }
0xc2: {  	(tm) =	ssettm $0x7FFFFFFF  }
0xc3: {  	_ =	shalt  }
tec
execute0_lowered:
.L_overlay_start_1:
0x0: {  	(tag) =	ssettag $0x1  }
0x1: {  	s0 =	rddreg [dreg:$0x0];
	s8 =	stileid.u32  }
0x2: {  	s1 =	srdreg.scid;
	s6 =	smul.u32 $0x2800, s8  }
0x3: {  	s2 =	rddreg [dreg:$0x1];
	s15 =	smul.u32 $0x280, s8  }
0x4: {  	s3 =	simm.s32 $0x0;
	s1 =	sand.u32 $0x1, s1;
	s17 =	smul.u32 $0x14000, s8  }
0x5: {  	[smem:$0x7FF] =	sst s3;
	s4 =	sadd.s32 $0x17200, s0;
	s10 =	smul.u32 $0x50000, s8  }
0x6: {  	s5 =	smul.u32 $0x28000, s1;
	_ =	strace $0x8000004A;
	s16 =	ssub.s32 $0x2, s1  }
0x7: {  	s1 =	smul.u32 $0x140000, s1;
	s7 =	sshrl.u32 s16, $0x1;
	s18 =	sor.u32 $0x10, s15  }
0x8: {  	s19 =	sadd.s32 $0x90, s15;
	s20 =	sor.u32 $0x20, s15;
	s21 =	sadd.s32 $0xA0, s15  }
0x9: {  	s22 =	sor.u32 $0x30, s15;
	s23 =	sadd.s32 $0xB0, s15;
	s26 =	sshll.u32 s15, $0x7  }
0xa: {  	s28 =	sadd.s32 $0xD0, s15;
	s29 =	sor.u32 $0x60, s15;
	s30 =	sadd.s32 $0xE0, s15  }
0xb: {  	s31 =	sor.u32 $0x70, s15;
	s5 =	sadd.s32 s6, s5;
	s6 =	ssub.s32 s16, s7  }
0xc: {  	s16 =	sadd.s32 $0x80, s15;
	s7 =	sadd.s32 s1, s17;
	s13 =	sadd.s32 $0x8000, s26  }
0xd: {  	v15 =	vlaneseq.u32;
	s14 =	sadd.s32 $0xC000, s26;
	s17 =	sadd.s32 $0x10000, s26;
	s26 =	sadd.s32 $0xC0, s15  }
0xe: {  	v6 =	vor.u32 s22, v15;
	v7 =	vor.u32 s23, v15;
	s22 =	simm.s32 $0x200;
	s23 =	simm.s32 $0x5;
	v11 =	vor.u32 s28, v15;
	s28 =	simm.s32 $0x3  }
0xf: {  	v12 =	vor.u32 s29, v15;
	v13 =	vor.u32 s30, v15;
	s29 =	simm.s32 $0x4;
	s30 =	simm.s32 $0x100;
	v14 =	vor.u32 s31, v15;
	s31 =	simm.s32 $0x1  }
0x10: {  	s5 =	sshrl.u32 s5, $0x3;
	s12 =	sshll.u32 s16, $0x7;
	s7 =	sshrl.u32 s7, $0x3  }
0x11: {  	s11 =	sadd.s32 s1, s13;
	s9 =	sadd.s32 s1, s14;
	s13 =	sadd.s32 s13, s2  }
0x12: {  	s14 =	sadd.s32 s14, s2;
	v9 =	vor.u32 s26, v15;
	s26 =	simm.s32 $0x4200;
	s5 =	sadd.s32 s5, s0  }
0x13: {  	s0 =	sadd.s32 $0x3F200, s0;
	s24 =	sadd.s32 s1, s12;
	s1 =	sadd.s32 s1, s17  }
0x14: {  	s12 =	sadd.s32 s12, s2;
	s7 =	sadd.s32 s0, s7;
	s25 =	sshrl.u32 s24, $0x3  }
0x15: {  	v1 =	vor.u32 s16, v15;
	s24 =	sshrl.u32 s9, $0x3;
	s1 =	sshrl.u32 s1, $0x3;
	s16 =	sadd.s32 $0x3200, s5  }
0x16: {  	[dreg:$0x3] =	wrdreg s7;
	s7 =	sadd.s32 s0, s25;
	s8 =	sadd.s32 s0, s24  }
0x17: {  	s9 =	sadd.s32 s0, s1;
	s24 =	sor.u32 $0x40, s15;
	s25 =	sshrl.u32 s10, $0x2  }
0x18: {  	s1 =	simm.s32 $0x0;
	[dreg:$0x4] =	wrdreg s7;
	s7 =	sshrl.u32 s11, $0x3  }
0x19: {  	s10 =	sadd.s32 s25, s2;
	s11 =	smax.u32 s6, $0x1;
	v8 =	vor.u32 s24, v15;
	s24 =	simm.s32 $0x80  }
0x1a: {  	s25 =	simm.s32 $0x180;
	s7 =	sadd.s32 s0, s7;
	s0 =	sor.u32 $0x50, s15  }
0x1b: {  	v2 =	vor.u32 s18, v15;
	v3 =	vor.u32 s19, v15;
	v4 =	vor.u32 s20, v15;
	s18 =	sadd.s32 $0x4000, s10;
	s19 =	sadd.s32 $0x8000, s10;
	s20 =	sadd.s32 $0xC000, s10  }
0x1c: {  	v16 =	vimm.f32 $0.0e+00;
	v5 =	vor.u32 s21, v15;
	s21 =	sadd.s32 $0x10000, s10;
	[dreg:$0x5] =	wrdreg s7;
	s7 =	sadd.s32 $0xF0, s15  }
0x1d: {  	v0 =	vor.u32 s15, v15;
	s15 =	sadd.s32 s17, s2;
	s17 =	sadd.s32 $0xD200, s5;
	v10 =	vor.u32 s0, v15;
	s0 =	simm.s32 $0x2;
	v15 =	vor.u32 s7, v15  }
.LBB2_1:
0x1e: {  	s5 =	simm.s32 $0x0;
	s6 =	simm.s32 $0x200  }
.LBB2_2:
0x1f: {  	p0 =	sne.s32 s6, $0xFE00;
	[tilespmem:s5+$0x4270] =	vst v16  }
0x20: {  	[tilespmem:s5+$0x200] =	vst v16  }
0x21: {  	[tilespmem:s5+$0x4200] =	vst v16  }
0x22: {  	[tilespmem:s5+$0x210] =	vst v16  }
0x23: {  	[tilespmem:s5+$0x4210] =	vst v16  }
0x24: {  	[tilespmem:s5+$0x220] =	vst v16  }
0x25: {  	[tilespmem:s5+$0x4220] =	vst v16  }
0x26: {  	[tilespmem:s5+$0x230] =	vst v16  }
0x27: {  	[tilespmem:s5+$0x4230] =	vst v16  }
0x28: {  	[tilespmem:s5+$0x240] =	vst v16  }
0x29: {  	[tilespmem:s5+$0x4240] =	vst v16  }
.Ltmp0:
0x2a: {  	[tilespmem:s5+$0x250] =	vst v16;
	(pc) =	sbr.rel @p0 .LBB2_2-.Ltmp0, $4  }
0x2b: {  	[tilespmem:s5+$0x4250] =	vst v16  }
0x2c: {  	[tilespmem:s5+$0x260] =	vst v16  }
0x2d: {  	[tilespmem:s5+$0x4260] =	vst v16  }
0x2e: {  	[tilespmem:s5+$0x270] =	vst v16;
	s5 =	sshra.s32 s6, $0x2;
	s6 =	sadd.s32 $0x200, s6  }
0x2f: {  	[tilespmem:s5+$0x4270] =	vst v16  }
0x30: {  	[tilespmem:s5+$0x200] =	vst v16  }
0x31: {  	[tilespmem:s5+$0x4200] =	vst v16  }
0x32: {  	[tilespmem:s5+$0x210] =	vst v16  }
0x33: {  	[tilespmem:s5+$0x4210] =	vst v16  }
0x34: {  	[tilespmem:s5+$0x220] =	vst v16  }
0x35: {  	[tilespmem:s5+$0x4220] =	vst v16  }
0x36: {  	[tilespmem:s5+$0x230] =	vst v16  }
0x37: {  	[tilespmem:s5+$0x4230] =	vst v16  }
0x38: {  	[tilespmem:s5+$0x240] =	vst v16  }
0x39: {  	[tilespmem:s5+$0x4240] =	vst v16  }
0x3a: {  	[tilespmem:s5+$0x250] =	vst v16  }
0x3b: {  	[tilespmem:s5+$0x4250] =	vst v16  }
0x3c: {  	[tilespmem:s5+$0x260] =	vst v16  }
0x3d: {  	[tilespmem:s5+$0x4260] =	vst v16  }
0x3e: {  	[tilespmem:s5+$0x270] =	vst v16  }
0x3f: {  	[tilespmem:$0x80] =	vst v0  }
0x40: {  	[tilespmem:$0x180] =	vst v1  }
0x41: {  	[tilespmem:$0x90] =	vst v2  }
0x42: {  	[tilespmem:$0x190] =	vst v3  }
0x43: {  	[tilespmem:$0xA0] =	vst v4  }
0x44: {  	[tilespmem:$0x1A0] =	vst v5  }
0x45: {  	[tilespmem:$0xB0] =	vst v6  }
0x46: {  	[tilespmem:$0x1B0] =	vst v7  }
0x47: {  	[tilespmem:$0xC0] =	vst v8  }
0x48: {  	[tilespmem:$0x1C0] =	vst v9  }
0x49: {  	[tilespmem:$0xD0] =	vst v10  }
0x4a: {  	[tilespmem:$0x1D0] =	vst v11  }
0x4b: {  	[tilespmem:$0xE0] =	vst v12  }
0x4c: {  	[tilespmem:$0x1E0] =	vst v13  }
0x4d: {  	[tilespmem:$0xF0] =	vst v14  }
0x4e: {  	[tilespmem:$0x1F0] =	vst v15  }
0x4f: {  	[spmem:s10] =	stream.linear.scatter [tilespmem:s22], [sflag:$0x5], $0x4000, $0x38;
	[tilespmem:$0x1C200] =	vst v63  }
0x50: {  	_ =	swait.ge [sflag:s23], $0x4000  }
0x51: {  	[sflag:s23] =	ssyncset.done $0x0  }
0x52: {  	[sflag:s23] =	ssyncadd.s32 $0xFFFFC000  }
0x53: {  	[spmem:s18] =	stream.linear.scatter [tilespmem:s22], [sflag:$0x5], $0x4000, $0x38;
	[tilespmem:$0x1C200] =	vst v63  }
0x54: {  	_ =	swait.ge [sflag:s23], $0x4000  }
0x55: {  	[sflag:s23] =	ssyncset.done $0x0  }
0x56: {  	[sflag:s23] =	ssyncadd.s32 $0xFFFFC000  }
0x57: {  	[spmem:s19] =	stream.linear.scatter [tilespmem:s22], [sflag:$0x5], $0x4000, $0x38;
	[tilespmem:$0x1C200] =	vst v63  }
0x58: {  	_ =	swait.ge [sflag:s23], $0x4000  }
0x59: {  	[sflag:s23] =	ssyncset.done $0x0  }
0x5a: {  	[sflag:s23] =	ssyncadd.s32 $0xFFFFC000  }
0x5b: {  	[spmem:s20] =	stream.linear.scatter [tilespmem:s22], [sflag:$0x5], $0x4000, $0x38;
	[tilespmem:$0x1C200] =	vst v63  }
0x5c: {  	_ =	swait.ge [sflag:s23], $0x4000  }
0x5d: {  	[sflag:s23] =	ssyncset.done $0x0  }
0x5e: {  	[sflag:s23] =	ssyncadd.s32 $0xFFFFC000  }
0x5f: {  	[spmem:s21] =	stream.linear.scatter [tilespmem:s22], [sflag:$0x5], $0x4000, $0x38;
	[tilespmem:$0x1C200] =	vst v63  }
0x60: {  	_ =	swait.ge [sflag:s23], $0x4000  }
0x61: {  	[sflag:s23] =	ssyncset.done $0x0  }
0x62: {  	[sflag:s23] =	ssyncadd.s32 $0xFFFFC000  }
0x63: {  	[bflag:$0x0] =	sbarrier.arrive $0xFFFF  }
0x64: {  	[spmem:s2] =	stream.indirect.scatter.add.f32 [tilespmem:s22], [sflag:$0x3], $0x80, s24, s24, $0xb8;
	[tilespmem:$0x1C200] =	vst v63  }
0x65: {  	_ = 	snop  }
0x66: {  	[spmem:s2] =	stream.indirect.scatter.add.f32 [tilespmem:s26], [sflag:$0x4], $0x80, s25, s24, $0xb8;
	[tilespmem:$0x1C200] =	vst v63  }
0x67: {  	_ =	swait.ge [sflag:s28], $0x4000  }
0x68: {  	[sflag:s28] =	ssyncset.done $0x0  }
0x69: {  	s7 =	sadd.s32 $0x0, s16;
	[sflag:s28] =	ssyncadd.s32 $0xFFFFC000  }
0x6a: {  	[tilespmem:s3], [sflag:$0x5] =	stream.linear.gather [hbm4b:s7+s3], $0x80, $0x38;
	[tilespmem:$0x1C200] =	vst v63  }
0x6b: {  	_ =	swait.ge [sflag:s23], $0x80  }
0x6c: {  	[sflag:s23] =	ssyncset.done $0x0  }
0x6d: {  	s6 =	sadd.s32 $0x0, s17;
	[sflag:s23] =	ssyncadd.s32 $0xFFFFFF80  }
0x6e: {  	[tilespmem:s24], [sflag:$0x5] =	stream.linear.gather [hbm4b:s6+s3], $0x80, $0x38;
	[tilespmem:$0x1C200] =	vst v63  }
0x6f: {  	_ =	swait.ge [sflag:s23], $0x80  }
0x70: {  	[sflag:s23] =	ssyncset.done $0x0  }
0x71: {  	[sflag:s23] =	ssyncadd.s32 $0xFFFFFF80  }
0x72: {  	[tilespmem:s22], [sflag:$0x1] =	stream.indirect.gather [hbm4b:s4+s24], $0x80, s3, s24, $0xb8;
	[tilespmem:$0x1C200] =	vst v63  }
0x73: {  	_ =	swait.ge [sflag:s29], $0x4000  }
0x74: {  	[sflag:s29] =	ssyncset.done $0x0  }
0x75: {  	s5 =	sadd.s32 $0x10, s7;
	[sflag:s29] =	ssyncadd.s32 $0xFFFFC000  }
0x76: {  	[tilespmem:s30], [sflag:$0x5] =	stream.linear.gather [hbm4b:s5+s3], $0x80, $0x38;
	[tilespmem:$0x1C200] =	vst v63  }
0x77: {  	_ =	swait.ge [sflag:s23], $0x80  }
0x78: {  	[sflag:s23] =	ssyncset.done $0x0  }
0x79: {  	s7 =	sadd.s32 $0x10, s6;
	[sflag:s23] =	ssyncadd.s32 $0xFFFFFF80  }
0x7a: {  	[tilespmem:s25], [sflag:$0x5] =	stream.linear.gather [hbm4b:s7+s3], $0x80, $0x38;
	[tilespmem:$0x1C200] =	vst v63  }
0x7b: {  	_ =	swait.ge [sflag:s23], $0x80  }
0x7c: {  	[sflag:s23] =	ssyncset.done $0x0  }
0x7d: {  	[sflag:s23] =	ssyncadd.s32 $0xFFFFFF80  }
0x7e: {  	[tilespmem:s26], [sflag:$0x2] =	stream.indirect.gather [hbm4b:s4+s24], $0x80, s30, s24, $0xb8;
	[tilespmem:$0x1C200] =	vst v63  }
0x7f: {  	_ =	swait.ge [sflag:s31], $0x4000  }
0x80: {  	[sflag:s31] =	ssyncset.done $0x0  }
0x81: {  	[sflag:s31] =	ssyncadd.s32 $0xFFFFC000  }
0x82: {  	[spmem:s2] =	stream.indirect.scatter.add.f32 [tilespmem:s22], [sflag:$0x3], $0x80, s24, s24, $0xb8;
	[tilespmem:$0x1C200] =	vst v63  }
0x83: {  	_ =	swait.ge [sflag:s0], $0x4000  }
0x84: {  	[sflag:s0] =	ssyncset.done $0x0  }
0x85: {  	s5 =	simm.s32 $0x20;
	[sflag:s0] =	ssyncadd.s32 $0xFFFFC000  }
.LBB2_4:
0x86: {  	[spmem:s2] =	stream.indirect.scatter.add.f32 [tilespmem:s26], [sflag:$0x4], $0x80, s25, s24, $0xb8;
	[tilespmem:$0x1C200] =	vst v63  }
0x87: {  	s6 =	smov.u32 s5  }
0x88: {  	p0 =	sne.s32 s5, $0x4E0;
	s5 =	sadd.s32 $0x20, s5;
	_ =	swait.ge [sflag:s28], $0x4000  }
0x89: {  	[sflag:s28] =	ssyncset.done $0x0  }
0x8a: {  	s7 =	sadd.s32 s6, s16;
	[sflag:s28] =	ssyncadd.s32 $0xFFFFC000  }
0x8b: {  	[tilespmem:s3], [sflag:$0x5] =	stream.linear.gather [hbm4b:s7+s3], $0x80, $0x38;
	[tilespmem:$0x1C200] =	vst v63  }
0x8c: {  	_ =	swait.ge [sflag:s23], $0x80  }
0x8d: {  	[sflag:s23] =	ssyncset.done $0x0  }
0x8e: {  	s6 =	sadd.s32 s6, s17;
	[sflag:s23] =	ssyncadd.s32 $0xFFFFFF80  }
0x8f: {  	[tilespmem:s24], [sflag:$0x5] =	stream.linear.gather [hbm4b:s6+s3], $0x80, $0x38;
	[tilespmem:$0x1C200] =	vst v63  }
0x90: {  	_ =	swait.ge [sflag:s23], $0x80  }
0x91: {  	[sflag:s23] =	ssyncset.done $0x0  }
0x92: {  	[sflag:s23] =	ssyncadd.s32 $0xFFFFFF80  }
0x93: {  	[tilespmem:s22], [sflag:$0x1] =	stream.indirect.gather [hbm4b:s4+s24], $0x80, s3, s24, $0xb8;
	[tilespmem:$0x1C200] =	vst v63  }
0x94: {  	_ =	swait.ge [sflag:s29], $0x4000  }
0x95: {  	[sflag:s29] =	ssyncset.done $0x0  }
0x96: {  	s7 =	sadd.s32 $0x10, s7;
	[sflag:s29] =	ssyncadd.s32 $0xFFFFC000  }
0x97: {  	[tilespmem:s30], [sflag:$0x5] =	stream.linear.gather [hbm4b:s7+s3], $0x80, $0x38;
	[tilespmem:$0x1C200] =	vst v63  }
0x98: {  	_ =	swait.ge [sflag:s23], $0x80  }
0x99: {  	[sflag:s23] =	ssyncset.done $0x0  }
0x9a: {  	s6 =	sadd.s32 $0x10, s6;
	[sflag:s23] =	ssyncadd.s32 $0xFFFFFF80  }
0x9b: {  	[tilespmem:s25], [sflag:$0x5] =	stream.linear.gather [hbm4b:s6+s3], $0x80, $0x38;
	[tilespmem:$0x1C200] =	vst v63  }
0x9c: {  	_ =	swait.ge [sflag:s23], $0x80  }
0x9d: {  	[sflag:s23] =	ssyncset.done $0x0  }
0x9e: {  	[sflag:s23] =	ssyncadd.s32 $0xFFFFFF80  }
0x9f: {  	[tilespmem:s26], [sflag:$0x2] =	stream.indirect.gather [hbm4b:s4+s24], $0x80, s30, s24, $0xb8;
	[tilespmem:$0x1C200] =	vst v63  }
0xa0: {  	_ =	swait.ge [sflag:s31], $0x4000  }
0xa1: {  	[sflag:s31] =	ssyncset.done $0x0  }
.Ltmp1:
0xa2: {  	[sflag:s31] =	ssyncadd.s32 $0xFFFFC000;
	(pc) =	sbr.rel @p0 .LBB2_4-.Ltmp1, $4  }
0xa3: {  	[spmem:s2] =	stream.indirect.scatter.add.f32 [tilespmem:s22], [sflag:$0x3], $0x80, s24, s24, $0xb8;
	[tilespmem:$0x1C200] =	vst v63  }
0xa4: {  	_ =	swait.ge [sflag:s0], $0x4000  }
0xa5: {  	[sflag:s0] =	ssyncset.done $0x0  }
0xa6: {  	[sflag:s0] =	ssyncadd.s32 $0xFFFFC000  }
0xa7: {  	[spmem:s2] =	stream.indirect.scatter.add.f32 [tilespmem:s26], [sflag:$0x4], $0x80, s25, s24, $0xb8;
	[tilespmem:$0x1C200] =	vst v63  }
0xa8: {  	_ =	swait.ge [sflag:s28], $0x4000  }
0xa9: {  	[sflag:s28] =	ssyncset.done $0x0  }
0xaa: {  	[sflag:s28] =	ssyncadd.s32 $0xFFFFC000  }
0xab: {  	_ =	swait.ge [sflag:s29], $0x4000  }
0xac: {  	[sflag:s29] =	ssyncset.done $0x0  }
0xad: {  	[sflag:s29] =	ssyncadd.s32 $0xFFFFC000  }
0xae: {  	[bflag:$0x0] =	sbarrier.arrive $0xFFFF  }
0xaf: {  	[tilespmem:s22], [sflag:$0x5] =	stream.linear.gather [spmem:s10], $0x4000, $0x38;
	[tilespmem:$0x1C200] =	vst v63  }
0xb0: {  	_ =	swait.ge [sflag:s23], $0x4000  }
0xb1: {  	[sflag:s23] =	ssyncset.done $0x0  }
0xb2: {  	s5 =	rddreg [dreg:$0x3];
	[sflag:s23] =	ssyncadd.s32 $0xFFFFC000  }
0xb3: {  	[hbm4b:s5+s3] =	stream.linear.scatter [tilespmem:s22], [sflag:$0x5], $0x4000, $0x38;
	[tilespmem:$0x1C200] =	vst v63  }
0xb4: {  	_ =	swait.ge [sflag:s23], $0x4000  }
0xb5: {  	[sflag:s23] =	ssyncset.done $0x0  }
0xb6: {  	[sflag:s23] =	ssyncadd.s32 $0xFFFFC000  }
0xb7: {  	[tilespmem:s22], [sflag:$0x5] =	stream.linear.gather [spmem:s12], $0x4000, $0x38;
	[tilespmem:$0x1C200] =	vst v63  }
0xb8: {  	_ =	swait.ge [sflag:s23], $0x4000  }
0xb9: {  	[sflag:s23] =	ssyncset.done $0x0  }
0xba: {  	s6 =	rddreg [dreg:$0x4];
	[sflag:s23] =	ssyncadd.s32 $0xFFFFC000  }
0xbb: {  	[hbm4b:s6+s3] =	stream.linear.scatter [tilespmem:s22], [sflag:$0x5], $0x4000, $0x38;
	[tilespmem:$0x1C200] =	vst v63  }
0xbc: {  	_ =	swait.ge [sflag:s23], $0x4000  }
0xbd: {  	[sflag:s23] =	ssyncset.done $0x0  }
0xbe: {  	[sflag:s23] =	ssyncadd.s32 $0xFFFFC000  }
0xbf: {  	[tilespmem:s22], [sflag:$0x5] =	stream.linear.gather [spmem:s13], $0x4000, $0x38;
	[tilespmem:$0x1C200] =	vst v63  }
0xc0: {  	_ =	swait.ge [sflag:s23], $0x4000  }
0xc1: {  	[sflag:s23] =	ssyncset.done $0x0  }
0xc2: {  	s7 =	rddreg [dreg:$0x5];
	[sflag:s23] =	ssyncadd.s32 $0xFFFFC000  }
0xc3: {  	[hbm4b:s7+s3] =	stream.linear.scatter [tilespmem:s22], [sflag:$0x5], $0x4000, $0x38;
	[tilespmem:$0x1C200] =	vst v63  }
0xc4: {  	_ =	swait.ge [sflag:s23], $0x4000  }
0xc5: {  	[sflag:s23] =	ssyncset.done $0x0  }
0xc6: {  	[sflag:s23] =	ssyncadd.s32 $0xFFFFC000  }
0xc7: {  	[tilespmem:s22], [sflag:$0x5] =	stream.linear.gather [spmem:s14], $0x4000, $0x38;
	[tilespmem:$0x1C200] =	vst v63  }
0xc8: {  	_ =	swait.ge [sflag:s23], $0x4000  }
0xc9: {  	[sflag:s23] =	ssyncset.done $0x0  }
0xca: {  	[sflag:s23] =	ssyncadd.s32 $0xFFFFC000  }
0xcb: {  	[hbm4b:s8+s3] =	stream.linear.scatter [tilespmem:s22], [sflag:$0x5], $0x4000, $0x38;
	[tilespmem:$0x1C200] =	vst v63  }
0xcc: {  	_ =	swait.ge [sflag:s23], $0x4000  }
0xcd: {  	[sflag:s23] =	ssyncset.done $0x0  }
0xce: {  	[sflag:s23] =	ssyncadd.s32 $0xFFFFC000  }
0xcf: {  	[tilespmem:s22], [sflag:$0x5] =	stream.linear.gather [spmem:s15], $0x4000, $0x38;
	[tilespmem:$0x1C200] =	vst v63  }
0xd0: {  	s1 =	sadd.s32 $0x1, s1;
	_ =	swait.ge [sflag:s23], $0x4000  }
0xd1: {  	p0 =	sne.s32 s1, s11;
	[sflag:s23] =	ssyncset.done $0x0  }
.Ltmp2:
0xd2: {  	[sflag:s23] =	ssyncadd.s32 $0xFFFFC000;
	(pc) =	sbr.rel @p0 .LBB2_1-.Ltmp2, $4  }
0xd3: {  	[hbm4b:s9+s3] =	stream.linear.scatter [tilespmem:s22], [sflag:$0x5], $0x4000, $0x38;
	[tilespmem:$0x1C200] =	vst v63  }
0xd4: {  	_ =	swait.ge [sflag:s23], $0x4000  }
0xd5: {  	[sflag:s23] =	ssyncset.done $0x0  }
0xd6: {  	[sflag:s23] =	ssyncadd.s32 $0xFFFFC000  }
0xd7: {  	_ =	sfence.sel $0x180000  }
0xd8: {  	[bflag:$0x0] =	sbarrier.arrive $0xFFFF  }
0xd9: {  	_ =	strace $0x9000004A  }
0xda: {  	s0 =	stileid.u32;
	[bflag:$0x2] =	sbarrier.arrive $0xFFFF  }
0xdb: {  	p0 =	sne.s32 s0, $0x0;
	s0 =	rddreg [dreg:$0x2]  }
0xdc: {  	s0 =	sadd.s32 @!p0 $0x100000, s0  }
0xdd: {  	[sflag:s0] =	ssyncadd.tile.s32 @!p0 $0x1;
	_ =	shalt  }
.Lfunc_end2:
_tile_overlayer_lowered:
.L_overlay_start_2:
0xde: {  	(tag) =	ssettag $0x2  }
0xdf: {  	s0 =	rddreg [dreg:$0x0];
	s2 =	stileid.u32  }
0xe0: {  	s1 =	rddreg [dreg:$0x1];
	p0 =	sne.s32 s2, $0x0  }
0xe1: {  	s3 =	rddreg [dreg:$0x2];
	[bflag:$0x3] =	sbarrier.arrive $0xFFFF;
	s2 =	simm.s32 @!p0 $0x1C05  }
0xe2: {  	[timem:s3], [sflag:s2] =	dma.local @!p0 [hbm:s0], s1  }
0xe3: {  	s0 =	simm.s32 @!p0 $0x5  }
0xe4: {  	_ =	swait.ge @!p0 [sflag:s0], s1  }
0xe5: {  	s1 =	ssub.s32 @!p0 $0x0, s1;
	[sflag:s0] =	ssyncset.done @!p0 $0x0  }
0xe6: {  	[sflag:s0] =	ssyncadd.s32 @!p0 s1  }
0xe7: {  	[bflag:$0x3] =	sbarrier.arrive $0xFFFF  }
0xe8: {  	_ =	shalt  }

// kernel: kernel.14.cloned.1.call-start
scs
__scs_entry_jumppad:
0x0: {  	(pc) =	sbr.rel $0x88, $3  }
0x1: {  	(tag) =	ssettag $0x0;
	lr =	simm.s32 $0x1  }
0x2: {  	[smem:$0x3F96] =	sst lr;
	_ =	strace $0xD0000000  }
0x3: {  	_ = 	snop  }
0x4: {  	_ = 	snop  }
0x5: {  	_ = 	snop  }
0x6: {  	_ = 	snop  }
0x7: {  	_ = 	snop  }
__scs_overlays_trampoline_lowered:
0x8: {  	[smem:$0x3FA5] =	sst s0  }
0x9: {  	[smem:$0x3FA6] =	sst s1  }
0xa: {  	[smem:$0x3FA7] =	sst s2  }
0xb: {  	[smem:$0x3FA8] =	sst s3  }
0xc: {  	[smem:$0x3FA9] =	sst s4  }
0xd: {  	[smem:$0x3FAA] =	sst s5  }
0xe: {  	[smem:$0x3FAB] =	sst s6  }
0xf: {  	[smem:$0x3FAC] =	sst s7  }
0x10: {  	[smem:$0x3FAD] =	sst s8  }
0x11: {  	[smem:$0x3FAE] =	sst s9;
	s0 =	simm.s32 @!p0 $0x0  }
0x12: {  	s1 =	sld [smem:$0x3F94];
	s0 =	simm.s32 @p0 $0x1  }
0x13: {  	[smem:$0x3FAF] =	sst s0;
	s0 =	simm.s32 @!p1 $0x0  }
0x14: {  	s2 =	sld [smem:$0x3F93];
	s0 =	simm.s32 @p1 $0x1  }
0x15: {  	[smem:$0x3FB0] =	sst s0;
	s0 =	simm.s32 @!p2 $0x0  }
0x16: {  	s3 =	sld [smem:$0x3FDB];
	s0 =	simm.s32 @p2 $0x1  }
0x17: {  	s4 =	simm.s32 $0x1BF5;
	[smem:$0x3FB2] =	sst s0  }
0x18: {  	s0 =	sld [smem:$0x3F95];
	_ =	swait.ge [sflag:s4], $0x0  }
0x19: {  	s7 =	sld [smem:$0x3F96]  }
0x1a: {  	s8 =	sadd.s32 $0xFFFFE003, lr  }
0x1b: {  	s9 =	sadd.s32 $0xFFFFFEF7, lr;
	s5 =	simm.s32 $0xFFFFFFFF;
	p2 =	slt.u32 s8, $0xFFFFF086  }
0x1c: {  	p1 =	slt.u32 s9, $0xF7A;
	s5 =	simm.s32 @!p2 $0x0  }
0x1d: {  	s5 =	simm.s32 @p1 $0x1;
	p0 =	seq.s32 s7, s2  }
0x1e: {  	s7 =	smul.u32 @!p0 $0xF7A, s2;
	p2 =	seq.s32 @!p0 s5, $0x0  }
0x1f: {  	s9 =	smul.u32 $0xF7A, s1;
	s8 =	simm.s32 @!p0 $0x1BF5;
	p2 =	por !p2, p0  }
0x20: {  	[sflag:s8] =	ssyncset.s32 @!p0 $0xFFFFF086;
	s6 =	sadd.s32 @!p0 s3, s7;
	s7 =	simm.s32 @!p0 $0x108  }
0x21: {  	s3 =	sadd.s32 s3, s9;
	s6 =	sadd.s32 @!p0 $0x88, s6;
	s7 =	simm.s32 @p2 $0x1082  }
0x22: {  	[simem:s7], [sflag:s8] =	dma.local @!p0 [hbm:s6], $0xF7A  }
0x23: {  	s9 =	sor.u32 $0xD0000000, s2;
	s6 =	simm.s32 $0x108;
	_ =	swait.ge @!p0 [sflag:s8], $0x0  }
0x24: {  	s3 =	sadd.s32 $0x88, s3;
	s6 =	simm.s32 @!p1 $0x1082;
	[sflag:s4] =	ssyncset.s32 $0xFFFFF086  }
0x25: {  	[simem:s6], [sflag:s4] =	dma.local [hbm:s3], $0xF7A  }
0x26: {  	[smem:$0x3F96] =	sst s1;
	(tag) =	ssettag s2;
	_ =	strace s9  }
0x27: {  	s1 =	sld [smem:$0x3FA6]  }
0x28: {  	s2 =	sld [smem:$0x3FA7]  }
0x29: {  	s4 =	sld [smem:$0x3FA9]  }
0x2a: {  	p0 =	seq.s32 s5, $0x0;
	s5 =	sld [smem:$0x3FAA]  }
0x2b: {  	s6 =	sld [smem:$0x3FAB]  }
0x2c: {  	s7 =	sld [smem:$0x3FAC]  }
0x2d: {  	s3 =	simm.s32 $0x108;
	s8 =	sld [smem:$0x3FAD]  }
0x2e: {  	s3 =	simm.s32 @!p0 $0x1082;
	s9 =	sld [smem:$0x3FAE]  }
0x2f: {  	lr =	sadd.s32 s0, s3;
	s0 =	sld [smem:$0x3FA5]  }
0x30: {  	s3 =	sld [smem:$0x3FA8]  }
0x31: {  	[smem:$0x3FB1] =	sst s10  }
0x32: {  	s10 =	sld [smem:$0x3FAF];
	_ =	sdelay $0x3  }
0x33: {  	p0 =	seq.s32 s10, $0x1;
	s10 =	sld [smem:$0x3FB1];
	_ =	sdelay $0x3  }
0x34: {  	[smem:$0x3FB1] =	sst s10  }
0x35: {  	s10 =	sld [smem:$0x3FB0];
	_ =	sdelay $0x3  }
0x36: {  	p1 =	seq.s32 s10, $0x1;
	s10 =	sld [smem:$0x3FB1];
	_ =	sdelay $0x3  }
0x37: {  	[smem:$0x3FB1] =	sst s10  }
0x38: {  	s10 =	sld [smem:$0x3FB2]  }
0x39: {  	_ = 	snop;
	(pc) =	sbr.ind lr, $3  }
0x3a: {  	_ = 	snop  }
0x3b: {  	_ = 	snop  }
0x3c: {  	p2 =	seq.s32 s10, $0x1;
	s10 =	sld [smem:$0x3FB1]  }
0x3d: {  	_ =	shalt  }
0x3e: {  	_ =	shalt  }
0x3f: {  	_ =	shalt  }
0x40: {  	_ =	shalt  }
0x41: {  	_ =	shalt  }
0x42: {  	_ =	shalt  }
0x43: {  	_ =	shalt  }
0x44: {  	_ =	shalt  }
0x45: {  	_ =	shalt  }
0x46: {  	_ =	shalt  }
0x47: {  	_ =	shalt  }
0x48: {  	_ =	shalt  }
0x49: {  	_ =	shalt  }
0x4a: {  	_ =	shalt  }
0x4b: {  	_ =	shalt  }
0x4c: {  	_ =	shalt  }
0x4d: {  	_ =	shalt  }
0x4e: {  	_ =	shalt  }
0x4f: {  	_ =	shalt  }
0x50: {  	_ =	shalt  }
0x51: {  	_ =	shalt  }
0x52: {  	_ =	shalt  }
0x53: {  	_ =	shalt  }
0x54: {  	_ =	shalt  }
0x55: {  	_ =	shalt  }
0x56: {  	_ =	shalt  }
0x57: {  	_ =	shalt  }
0x58: {  	_ =	shalt  }
0x59: {  	_ =	shalt  }
0x5a: {  	_ =	shalt  }
0x5b: {  	_ =	shalt  }
0x5c: {  	_ =	shalt  }
0x5d: {  	_ =	shalt  }
0x5e: {  	_ =	shalt  }
0x5f: {  	_ =	shalt  }
0x60: {  	_ =	shalt  }
0x61: {  	_ =	shalt  }
0x62: {  	_ =	shalt  }
0x63: {  	_ =	shalt  }
0x64: {  	_ =	shalt  }
0x65: {  	_ =	shalt  }
0x66: {  	_ =	shalt  }
0x67: {  	_ =	shalt  }
0x68: {  	_ =	shalt  }
0x69: {  	_ =	shalt  }
0x6a: {  	_ =	shalt  }
0x6b: {  	_ =	shalt  }
0x6c: {  	_ =	shalt  }
0x6d: {  	_ =	shalt  }
0x6e: {  	_ =	shalt  }
0x6f: {  	_ =	shalt  }
0x70: {  	_ =	shalt  }
0x71: {  	_ =	shalt  }
0x72: {  	_ =	shalt  }
0x73: {  	_ =	shalt  }
0x74: {  	_ =	shalt  }
0x75: {  	_ =	shalt  }
0x76: {  	_ =	shalt  }
0x77: {  	_ =	shalt  }
0x78: {  	_ =	shalt  }
0x79: {  	_ =	shalt  }
0x7a: {  	_ =	shalt  }
0x7b: {  	_ =	shalt  }
0x7c: {  	_ =	shalt  }
0x7d: {  	_ =	shalt  }
0x7e: {  	_ =	shalt  }
0x7f: {  	_ =	shalt  }
0x80: {  	_ =	shalt  }
0x81: {  	_ =	shalt  }
0x82: {  	_ =	shalt  }
0x83: {  	_ =	shalt  }
0x84: {  	_ =	shalt  }
0x85: {  	_ =	shalt  }
0x86: {  	_ =	shalt  }
0x87: {  	_ =	shalt  }
.Lfunc_end0:
.L_simem_size_0:
called_computation.2_lowered:
.L_overlay_start_0:
0x88: {  	s2 =	sld [smem:$0x3FD9]  }
0x89: {  	s3 =	sld [smem:$0x3FFE];
	_ =	sdelay $0x1  }
0x8a: {  	s1 =	srdreg.scid  }
0x8b: {  	s0 =	sand.u32 $0x1, s1  }
0x8c: {  	s16 =	sshll.u32 s0, $0xA;
	s2 =	sadd.s32 s3, s2  }
0x8d: {  	s2 =	sadd.s32 s2, s16  }
0x8e: {  	[smem:$0x3FBD] =	sst s2  }
0x8f: {  	_ = 	snop  }
0x90: {  	(tm) =	ssettm $0x1  }
0x91: {  	s17 =	sld [smem:$0x3FFB];
	_ =	sdelay $0x3  }
0x92: {  	_ =	strace s17  }
0x93: {  	s2 =	sld [smem:$0x3FFC];
	_ =	sdelay $0x3  }
0x94: {  	_ =	strace s2  }
0x95: {  	s2 =	sld [smem:$0x3FFD];
	_ =	sdelay $0x3  }
0x96: {  	_ =	strace s2  }
0x97: {  	_ =	strace $0x8FFFFFFF  }
0x98: {  	s18 =	sld [smem:$0x3FDB];
	_ =	sdelay $0x1  }
0x99: {  	s19 =	simm.s32 $_scs_section_size  }
0x9a: {  	s4 =	simm.s32 $_size__tile_overlayer_lowered;
	s5 =	simm.s32 $_tile_overlayer_lowered  }
0x9b: {  	s22 =	simm.s32 $0x1BFF;
	s21 =	sshll.u32 s5, $0x1;
	s2 =	sadd.s32 s19, s18  }
0x9c: {  	s6 =	simm.s32 $0x0;
	s20 =	sshll.u32 s4, $0x1;
	s4 =	sadd.s32 s21, s2  }
0x9d: {  	[timem:s6], [sflag:s22] =	dma.local [hbm:s4], s20  }
0x9e: {  	_ =	swait.ge [sflag:s22], s20  }
0x9f: {  	s3 =	ssub.s32 $0x0, s20;
	[sflag:s22] =	ssyncset.done $0x0  }
0xa0: {  	[sflag:s22] =	ssyncadd.s32 s3;
	_ =	sdelay $0x1  }
0xa1: {  	s23 =	simm.s32 $0x1B8B  }
0xa2: {  	_ =	swait.ge [sflag:s23], $0x1  }
0xa3: {  	[sflag:s23] =	ssyncset.done $0x0  }
0xa4: {  	s25 =	simm.s32 $0x1B8E;
	s24 =	sld [smem:$0x3FFE];
	[sflag:s23] =	ssyncadd.s32 $0xFFFFFFFF  }
0xa5: {  	s26 =	simm.s32 $execute0_lowered;
	[smem:$0x3FD2] =	sst s25  }
0xa6: {  	s4 =	sshll.u32 s26, $0x1;
	_ =	strace $0x8000004C;
	[dreg:$0x1] =	wrdreg $0xFFFFFFFF  }
0xa7: {  	s28 =	simm.s32 $_size_execute0_lowered;
	s2 =	sadd.s32 s2, s4;
	[dreg:$0x0] =	wrdreg $0x0  }
0xa8: {  	s4 =	sshll.u32 s28, $0x1;
	[dreg:$0x2] =	wrdreg s2  }
0xa9: {  	[dreg:$0x3] =	wrdreg s4  }
0xaa: {  	[dreg:$0x4] =	wrdreg $0xC0  }
0xab: {  	_ =	task [dreg:s6], $0x5FFFF  }
0xac: {  	[dreg:$0x1] =	wrdreg $0xFFFFFFFF  }
0xad: {  	[dreg:$0x0] =	wrdreg $0x60  }
0xae: {  	[dreg:$0x2] =	wrdreg s24  }
0xaf: {  	[dreg:$0x3] =	wrdreg $0x82000  }
0xb0: {  	[dreg:$0x4] =	wrdreg $0x9  }
0xb1: {  	_ =	task.clear_ibuf [dreg:s6], $0x5FFFF;
	_ =	strace $0x9000004C  }
0xb2: {  	s29 =	simm.s32 $0x9;
	_ =	strace $0x8000004E  }
0xb3: {  	_ =	swait.ge [sflag:s29], $0x1  }
0xb4: {  	[sflag:s29] =	ssyncadd.s32 $0xFFFFFFFF  }
0xb5: {  	_ =	strace $0x9000004E  }
0xb6: {  	_ =	sfence  }
0xb7: {  	s30 =	sld [smem:$0x0];
	_ =	sdelay $0x2  }
0xb8: {  	s31 =	sshll.u32 s1, $0xD;
	s1 =	sshrl.u32 s1, $0x2  }
0xb9: {  	s3 =	sand.u32 $0x4000, s31;
	s1 =	sadd.s32 s1, s30  }
0xba: {  	s0 =	sor.u32 s3, s0;
	s1 =	sshll.u32 s1, $0x11  }
0xbb: {  	s0 =	sor.u32 s1, s0  }
0xbc: {  	s0 =	sadd.s32 $0x8F2B, s0  }
0xbd: {  	[sflag:s0] =	ssyncadd.remote.s32 $0x1  }
0xbe: {  	_ =	sfence.sel $0xFFFF  }
0xbf: {  	[dreg:$0x0] =	wrdreg $0xFFFFFFFF;
	(pc) =	sbr.abs _section_cstart, $3  }
0xc0: {  	[dreg:$0x1] =	wrdreg $0xFFFFFFFF  }
0xc1: {  	_ =	task.clear_ibuf [dreg:s6], $0x2FFFF;
	_ =	strace $0x9FFFFFFF  }
0xc2: {  	(tm) =	ssettm $0x7FFFFFFF  }
0xc3: {  	_ =	shalt  }
tec
execute0_lowered:
.L_overlay_start_1:
0x0: {  	(tag) =	ssettag $0x1  }
0x1: {  	s0 =	rddreg [dreg:$0x0];
	s8 =	stileid.u32  }
0x2: {  	s1 =	srdreg.scid;
	s6 =	smul.u32 $0x2800, s8  }
0x3: {  	s2 =	rddreg [dreg:$0x1];
	s15 =	smul.u32 $0x280, s8  }
0x4: {  	s3 =	simm.s32 $0x0;
	s1 =	sand.u32 $0x1, s1;
	s17 =	smul.u32 $0x14000, s8  }
0x5: {  	[smem:$0x7FF] =	sst s3;
	s4 =	sadd.s32 $0x17200, s0;
	s10 =	smul.u32 $0x50000, s8  }
0x6: {  	s5 =	smul.u32 $0x28000, s1;
	_ =	strace $0x8000004D;
	s16 =	ssub.s32 $0x2, s1  }
0x7: {  	s1 =	smul.u32 $0x140000, s1;
	s7 =	sshrl.u32 s16, $0x1;
	s18 =	sor.u32 $0x10, s15  }
0x8: {  	s19 =	sadd.s32 $0x90, s15;
	s20 =	sor.u32 $0x20, s15;
	s21 =	sadd.s32 $0xA0, s15  }
0x9: {  	s22 =	sor.u32 $0x30, s15;
	s23 =	sadd.s32 $0xB0, s15;
	s26 =	sshll.u32 s15, $0x7  }
0xa: {  	s28 =	sadd.s32 $0xD0, s15;
	s29 =	sor.u32 $0x60, s15;
	s30 =	sadd.s32 $0xE0, s15  }
0xb: {  	s31 =	sor.u32 $0x70, s15;
	s5 =	sadd.s32 s6, s5;
	s6 =	ssub.s32 s16, s7  }
0xc: {  	s16 =	sadd.s32 $0x80, s15;
	s7 =	sadd.s32 s1, s17;
	s13 =	sadd.s32 $0x8000, s26  }
0xd: {  	v15 =	vlaneseq.u32;
	s14 =	sadd.s32 $0xC000, s26;
	s17 =	sadd.s32 $0x10000, s26;
	s26 =	sadd.s32 $0xC0, s15  }
0xe: {  	v6 =	vor.u32 s22, v15;
	v7 =	vor.u32 s23, v15;
	s22 =	simm.s32 $0x200;
	s23 =	simm.s32 $0x5;
	v11 =	vor.u32 s28, v15;
	s28 =	simm.s32 $0x3  }
0xf: {  	v12 =	vor.u32 s29, v15;
	v13 =	vor.u32 s30, v15;
	s29 =	simm.s32 $0x4;
	s30 =	simm.s32 $0x100;
	v14 =	vor.u32 s31, v15;
	s31 =	simm.s32 $0x1  }
0x10: {  	s5 =	sshrl.u32 s5, $0x3;
	s12 =	sshll.u32 s16, $0x7;
	s7 =	sshrl.u32 s7, $0x3  }
0x11: {  	s11 =	sadd.s32 s1, s13;
	s9 =	sadd.s32 s1, s14;
	s13 =	sadd.s32 s13, s2  }
0x12: {  	s14 =	sadd.s32 s14, s2;
	v9 =	vor.u32 s26, v15;
	s26 =	simm.s32 $0x4200;
	s5 =	sadd.s32 s5, s0  }
0x13: {  	s0 =	sadd.s32 $0x3F200, s0;
	s24 =	sadd.s32 s1, s12;
	s1 =	sadd.s32 s1, s17  }
0x14: {  	s12 =	sadd.s32 s12, s2;
	s7 =	sadd.s32 s0, s7;
	s25 =	sshrl.u32 s24, $0x3  }
0x15: {  	v1 =	vor.u32 s16, v15;
	s24 =	sshrl.u32 s9, $0x3;
	s1 =	sshrl.u32 s1, $0x3;
	s16 =	sadd.s32 $0x3200, s5  }
0x16: {  	[dreg:$0x3] =	wrdreg s7;
	s7 =	sadd.s32 s0, s25;
	s8 =	sadd.s32 s0, s24  }
0x17: {  	s9 =	sadd.s32 s0, s1;
	s24 =	sor.u32 $0x40, s15;
	s25 =	sshrl.u32 s10, $0x2  }
0x18: {  	s1 =	simm.s32 $0x0;
	[dreg:$0x4] =	wrdreg s7;
	s7 =	sshrl.u32 s11, $0x3  }
0x19: {  	s10 =	sadd.s32 s25, s2;
	s11 =	smax.u32 s6, $0x1;
	v8 =	vor.u32 s24, v15;
	s24 =	simm.s32 $0x80  }
0x1a: {  	s25 =	simm.s32 $0x180;
	s7 =	sadd.s32 s0, s7;
	s0 =	sor.u32 $0x50, s15  }
0x1b: {  	v2 =	vor.u32 s18, v15;
	v3 =	vor.u32 s19, v15;
	v4 =	vor.u32 s20, v15;
	s18 =	sadd.s32 $0x4000, s10;
	s19 =	sadd.s32 $0x8000, s10;
	s20 =	sadd.s32 $0xC000, s10  }
0x1c: {  	v16 =	vimm.f32 $0.0e+00;
	v5 =	vor.u32 s21, v15;
	s21 =	sadd.s32 $0x10000, s10;
	[dreg:$0x5] =	wrdreg s7;
	s7 =	sadd.s32 $0xF0, s15  }
0x1d: {  	v0 =	vor.u32 s15, v15;
	s15 =	sadd.s32 s17, s2;
	s17 =	sadd.s32 $0xD200, s5;
	v10 =	vor.u32 s0, v15;
	s0 =	simm.s32 $0x2;
	v15 =	vor.u32 s7, v15  }
.LBB2_1:
0x1e: {  	s5 =	simm.s32 $0x0;
	s6 =	simm.s32 $0x200  }
.LBB2_2:
0x1f: {  	p0 =	sne.s32 s6, $0xFE00;
	[tilespmem:s5+$0x4270] =	vst v16  }
0x20: {  	[tilespmem:s5+$0x200] =	vst v16  }
0x21: {  	[tilespmem:s5+$0x4200] =	vst v16  }
0x22: {  	[tilespmem:s5+$0x210] =	vst v16  }
0x23: {  	[tilespmem:s5+$0x4210] =	vst v16  }
0x24: {  	[tilespmem:s5+$0x220] =	vst v16  }
0x25: {  	[tilespmem:s5+$0x4220] =	vst v16  }
0x26: {  	[tilespmem:s5+$0x230] =	vst v16  }
0x27: {  	[tilespmem:s5+$0x4230] =	vst v16  }
0x28: {  	[tilespmem:s5+$0x240] =	vst v16  }
0x29: {  	[tilespmem:s5+$0x4240] =	vst v16  }
.Ltmp0:
0x2a: {  	[tilespmem:s5+$0x250] =	vst v16;
	(pc) =	sbr.rel @p0 .LBB2_2-.Ltmp0, $4  }
0x2b: {  	[tilespmem:s5+$0x4250] =	vst v16  }
0x2c: {  	[tilespmem:s5+$0x260] =	vst v16  }
0x2d: {  	[tilespmem:s5+$0x4260] =	vst v16  }
0x2e: {  	[tilespmem:s5+$0x270] =	vst v16;
	s5 =	sshra.s32 s6, $0x2;
	s6 =	sadd.s32 $0x200, s6  }
0x2f: {  	[tilespmem:s5+$0x4270] =	vst v16  }
0x30: {  	[tilespmem:s5+$0x200] =	vst v16  }
0x31: {  	[tilespmem:s5+$0x4200] =	vst v16  }
0x32: {  	[tilespmem:s5+$0x210] =	vst v16  }
0x33: {  	[tilespmem:s5+$0x4210] =	vst v16  }
0x34: {  	[tilespmem:s5+$0x220] =	vst v16  }
0x35: {  	[tilespmem:s5+$0x4220] =	vst v16  }
0x36: {  	[tilespmem:s5+$0x230] =	vst v16  }
0x37: {  	[tilespmem:s5+$0x4230] =	vst v16  }
0x38: {  	[tilespmem:s5+$0x240] =	vst v16  }
0x39: {  	[tilespmem:s5+$0x4240] =	vst v16  }
0x3a: {  	[tilespmem:s5+$0x250] =	vst v16  }
0x3b: {  	[tilespmem:s5+$0x4250] =	vst v16  }
0x3c: {  	[tilespmem:s5+$0x260] =	vst v16  }
0x3d: {  	[tilespmem:s5+$0x4260] =	vst v16  }
0x3e: {  	[tilespmem:s5+$0x270] =	vst v16  }
0x3f: {  	[tilespmem:$0x80] =	vst v0  }
0x40: {  	[tilespmem:$0x180] =	vst v1  }
0x41: {  	[tilespmem:$0x90] =	vst v2  }
0x42: {  	[tilespmem:$0x190] =	vst v3  }
0x43: {  	[tilespmem:$0xA0] =	vst v4  }
0x44: {  	[tilespmem:$0x1A0] =	vst v5  }
0x45: {  	[tilespmem:$0xB0] =	vst v6  }
0x46: {  	[tilespmem:$0x1B0] =	vst v7  }
0x47: {  	[tilespmem:$0xC0] =	vst v8  }
0x48: {  	[tilespmem:$0x1C0] =	vst v9  }
0x49: {  	[tilespmem:$0xD0] =	vst v10  }
0x4a: {  	[tilespmem:$0x1D0] =	vst v11  }
0x4b: {  	[tilespmem:$0xE0] =	vst v12  }
0x4c: {  	[tilespmem:$0x1E0] =	vst v13  }
0x4d: {  	[tilespmem:$0xF0] =	vst v14  }
0x4e: {  	[tilespmem:$0x1F0] =	vst v15  }
0x4f: {  	[spmem:s10] =	stream.linear.scatter [tilespmem:s22], [sflag:$0x5], $0x4000, $0x38;
	[tilespmem:$0x1C200] =	vst v63  }
0x50: {  	_ =	swait.ge [sflag:s23], $0x4000  }
0x51: {  	[sflag:s23] =	ssyncset.done $0x0  }
0x52: {  	[sflag:s23] =	ssyncadd.s32 $0xFFFFC000  }
0x53: {  	[spmem:s18] =	stream.linear.scatter [tilespmem:s22], [sflag:$0x5], $0x4000, $0x38;
	[tilespmem:$0x1C200] =	vst v63  }
0x54: {  	_ =	swait.ge [sflag:s23], $0x4000  }
0x55: {  	[sflag:s23] =	ssyncset.done $0x0  }
0x56: {  	[sflag:s23] =	ssyncadd.s32 $0xFFFFC000  }
0x57: {  	[spmem:s19] =	stream.linear.scatter [tilespmem:s22], [sflag:$0x5], $0x4000, $0x38;
	[tilespmem:$0x1C200] =	vst v63  }
0x58: {  	_ =	swait.ge [sflag:s23], $0x4000  }
0x59: {  	[sflag:s23] =	ssyncset.done $0x0  }
0x5a: {  	[sflag:s23] =	ssyncadd.s32 $0xFFFFC000  }
0x5b: {  	[spmem:s20] =	stream.linear.scatter [tilespmem:s22], [sflag:$0x5], $0x4000, $0x38;
	[tilespmem:$0x1C200] =	vst v63  }
0x5c: {  	_ =	swait.ge [sflag:s23], $0x4000  }
0x5d: {  	[sflag:s23] =	ssyncset.done $0x0  }
0x5e: {  	[sflag:s23] =	ssyncadd.s32 $0xFFFFC000  }
0x5f: {  	[spmem:s21] =	stream.linear.scatter [tilespmem:s22], [sflag:$0x5], $0x4000, $0x38;
	[tilespmem:$0x1C200] =	vst v63  }
0x60: {  	_ =	swait.ge [sflag:s23], $0x4000  }
0x61: {  	[sflag:s23] =	ssyncset.done $0x0  }
0x62: {  	[sflag:s23] =	ssyncadd.s32 $0xFFFFC000  }
0x63: {  	[bflag:$0x0] =	sbarrier.arrive $0xFFFF  }
0x64: {  	[spmem:s2] =	stream.indirect.scatter.add.f32 [tilespmem:s22], [sflag:$0x3], $0x80, s24, s24, $0xb8;
	[tilespmem:$0x1C200] =	vst v63  }
0x65: {  	_ = 	snop  }
0x66: {  	[spmem:s2] =	stream.indirect.scatter.add.f32 [tilespmem:s26], [sflag:$0x4], $0x80, s25, s24, $0xb8;
	[tilespmem:$0x1C200] =	vst v63  }
0x67: {  	_ =	swait.ge [sflag:s28], $0x4000  }
0x68: {  	[sflag:s28] =	ssyncset.done $0x0  }
0x69: {  	s7 =	sadd.s32 $0x0, s16;
	[sflag:s28] =	ssyncadd.s32 $0xFFFFC000  }
0x6a: {  	[tilespmem:s3], [sflag:$0x5] =	stream.linear.gather [hbm4b:s7+s3], $0x80, $0x38;
	[tilespmem:$0x1C200] =	vst v63  }
0x6b: {  	_ =	swait.ge [sflag:s23], $0x80  }
0x6c: {  	[sflag:s23] =	ssyncset.done $0x0  }
0x6d: {  	s6 =	sadd.s32 $0x0, s17;
	[sflag:s23] =	ssyncadd.s32 $0xFFFFFF80  }
0x6e: {  	[tilespmem:s24], [sflag:$0x5] =	stream.linear.gather [hbm4b:s6+s3], $0x80, $0x38;
	[tilespmem:$0x1C200] =	vst v63  }
0x6f: {  	_ =	swait.ge [sflag:s23], $0x80  }
0x70: {  	[sflag:s23] =	ssyncset.done $0x0  }
0x71: {  	[sflag:s23] =	ssyncadd.s32 $0xFFFFFF80  }
0x72: {  	[tilespmem:s22], [sflag:$0x1] =	stream.indirect.gather [hbm4b:s4+s24], $0x80, s3, s24, $0xb8;
	[tilespmem:$0x1C200] =	vst v63  }
0x73: {  	_ =	swait.ge [sflag:s29], $0x4000  }
0x74: {  	[sflag:s29] =	ssyncset.done $0x0  }
0x75: {  	s5 =	sadd.s32 $0x10, s7;
	[sflag:s29] =	ssyncadd.s32 $0xFFFFC000  }
0x76: {  	[tilespmem:s30], [sflag:$0x5] =	stream.linear.gather [hbm4b:s5+s3], $0x80, $0x38;
	[tilespmem:$0x1C200] =	vst v63  }
0x77: {  	_ =	swait.ge [sflag:s23], $0x80  }
0x78: {  	[sflag:s23] =	ssyncset.done $0x0  }
0x79: {  	s7 =	sadd.s32 $0x10, s6;
	[sflag:s23] =	ssyncadd.s32 $0xFFFFFF80  }
0x7a: {  	[tilespmem:s25], [sflag:$0x5] =	stream.linear.gather [hbm4b:s7+s3], $0x80, $0x38;
	[tilespmem:$0x1C200] =	vst v63  }
0x7b: {  	_ =	swait.ge [sflag:s23], $0x80  }
0x7c: {  	[sflag:s23] =	ssyncset.done $0x0  }
0x7d: {  	[sflag:s23] =	ssyncadd.s32 $0xFFFFFF80  }
0x7e: {  	[tilespmem:s26], [sflag:$0x2] =	stream.indirect.gather [hbm4b:s4+s24], $0x80, s30, s24, $0xb8;
	[tilespmem:$0x1C200] =	vst v63  }
0x7f: {  	_ =	swait.ge [sflag:s31], $0x4000  }
0x80: {  	[sflag:s31] =	ssyncset.done $0x0  }
0x81: {  	[sflag:s31] =	ssyncadd.s32 $0xFFFFC000  }
0x82: {  	[spmem:s2] =	stream.indirect.scatter.add.f32 [tilespmem:s22], [sflag:$0x3], $0x80, s24, s24, $0xb8;
	[tilespmem:$0x1C200] =	vst v63  }
0x83: {  	_ =	swait.ge [sflag:s0], $0x4000  }
0x84: {  	[sflag:s0] =	ssyncset.done $0x0  }
0x85: {  	s5 =	simm.s32 $0x20;
	[sflag:s0] =	ssyncadd.s32 $0xFFFFC000  }
.LBB2_4:
0x86: {  	[spmem:s2] =	stream.indirect.scatter.add.f32 [tilespmem:s26], [sflag:$0x4], $0x80, s25, s24, $0xb8;
	[tilespmem:$0x1C200] =	vst v63  }
0x87: {  	s6 =	smov.u32 s5  }
0x88: {  	p0 =	sne.s32 s5, $0x4E0;
	s5 =	sadd.s32 $0x20, s5;
	_ =	swait.ge [sflag:s28], $0x4000  }
0x89: {  	[sflag:s28] =	ssyncset.done $0x0  }
0x8a: {  	s7 =	sadd.s32 s6, s16;
	[sflag:s28] =	ssyncadd.s32 $0xFFFFC000  }
0x8b: {  	[tilespmem:s3], [sflag:$0x5] =	stream.linear.gather [hbm4b:s7+s3], $0x80, $0x38;
	[tilespmem:$0x1C200] =	vst v63  }
0x8c: {  	_ =	swait.ge [sflag:s23], $0x80  }
0x8d: {  	[sflag:s23] =	ssyncset.done $0x0  }
0x8e: {  	s6 =	sadd.s32 s6, s17;
	[sflag:s23] =	ssyncadd.s32 $0xFFFFFF80  }
0x8f: {  	[tilespmem:s24], [sflag:$0x5] =	stream.linear.gather [hbm4b:s6+s3], $0x80, $0x38;
	[tilespmem:$0x1C200] =	vst v63  }
0x90: {  	_ =	swait.ge [sflag:s23], $0x80  }
0x91: {  	[sflag:s23] =	ssyncset.done $0x0  }
0x92: {  	[sflag:s23] =	ssyncadd.s32 $0xFFFFFF80  }
0x93: {  	[tilespmem:s22], [sflag:$0x1] =	stream.indirect.gather [hbm4b:s4+s24], $0x80, s3, s24, $0xb8;
	[tilespmem:$0x1C200] =	vst v63  }
0x94: {  	_ =	swait.ge [sflag:s29], $0x4000  }
0x95: {  	[sflag:s29] =	ssyncset.done $0x0  }
0x96: {  	s7 =	sadd.s32 $0x10, s7;
	[sflag:s29] =	ssyncadd.s32 $0xFFFFC000  }
0x97: {  	[tilespmem:s30], [sflag:$0x5] =	stream.linear.gather [hbm4b:s7+s3], $0x80, $0x38;
	[tilespmem:$0x1C200] =	vst v63  }
0x98: {  	_ =	swait.ge [sflag:s23], $0x80  }
0x99: {  	[sflag:s23] =	ssyncset.done $0x0  }
0x9a: {  	s6 =	sadd.s32 $0x10, s6;
	[sflag:s23] =	ssyncadd.s32 $0xFFFFFF80  }
0x9b: {  	[tilespmem:s25], [sflag:$0x5] =	stream.linear.gather [hbm4b:s6+s3], $0x80, $0x38;
	[tilespmem:$0x1C200] =	vst v63  }
0x9c: {  	_ =	swait.ge [sflag:s23], $0x80  }
0x9d: {  	[sflag:s23] =	ssyncset.done $0x0  }
0x9e: {  	[sflag:s23] =	ssyncadd.s32 $0xFFFFFF80  }
0x9f: {  	[tilespmem:s26], [sflag:$0x2] =	stream.indirect.gather [hbm4b:s4+s24], $0x80, s30, s24, $0xb8;
	[tilespmem:$0x1C200] =	vst v63  }
0xa0: {  	_ =	swait.ge [sflag:s31], $0x4000  }
0xa1: {  	[sflag:s31] =	ssyncset.done $0x0  }
.Ltmp1:
0xa2: {  	[sflag:s31] =	ssyncadd.s32 $0xFFFFC000;
	(pc) =	sbr.rel @p0 .LBB2_4-.Ltmp1, $4  }
0xa3: {  	[spmem:s2] =	stream.indirect.scatter.add.f32 [tilespmem:s22], [sflag:$0x3], $0x80, s24, s24, $0xb8;
	[tilespmem:$0x1C200] =	vst v63  }
0xa4: {  	_ =	swait.ge [sflag:s0], $0x4000  }
0xa5: {  	[sflag:s0] =	ssyncset.done $0x0  }
0xa6: {  	[sflag:s0] =	ssyncadd.s32 $0xFFFFC000  }
0xa7: {  	[spmem:s2] =	stream.indirect.scatter.add.f32 [tilespmem:s26], [sflag:$0x4], $0x80, s25, s24, $0xb8;
	[tilespmem:$0x1C200] =	vst v63  }
0xa8: {  	_ =	swait.ge [sflag:s28], $0x4000  }
0xa9: {  	[sflag:s28] =	ssyncset.done $0x0  }
0xaa: {  	[sflag:s28] =	ssyncadd.s32 $0xFFFFC000  }
0xab: {  	_ =	swait.ge [sflag:s29], $0x4000  }
0xac: {  	[sflag:s29] =	ssyncset.done $0x0  }
0xad: {  	[sflag:s29] =	ssyncadd.s32 $0xFFFFC000  }
0xae: {  	[bflag:$0x0] =	sbarrier.arrive $0xFFFF  }
0xaf: {  	[tilespmem:s22], [sflag:$0x5] =	stream.linear.gather [spmem:s10], $0x4000, $0x38;
	[tilespmem:$0x1C200] =	vst v63  }
0xb0: {  	_ =	swait.ge [sflag:s23], $0x4000  }
0xb1: {  	[sflag:s23] =	ssyncset.done $0x0  }
0xb2: {  	s5 =	rddreg [dreg:$0x3];
	[sflag:s23] =	ssyncadd.s32 $0xFFFFC000  }
0xb3: {  	[hbm4b:s5+s3] =	stream.linear.scatter [tilespmem:s22], [sflag:$0x5], $0x4000, $0x38;
	[tilespmem:$0x1C200] =	vst v63  }
0xb4: {  	_ =	swait.ge [sflag:s23], $0x4000  }
0xb5: {  	[sflag:s23] =	ssyncset.done $0x0  }
0xb6: {  	[sflag:s23] =	ssyncadd.s32 $0xFFFFC000  }
0xb7: {  	[tilespmem:s22], [sflag:$0x5] =	stream.linear.gather [spmem:s12], $0x4000, $0x38;
	[tilespmem:$0x1C200] =	vst v63  }
0xb8: {  	_ =	swait.ge [sflag:s23], $0x4000  }
0xb9: {  	[sflag:s23] =	ssyncset.done $0x0  }
0xba: {  	s6 =	rddreg [dreg:$0x4];
	[sflag:s23] =	ssyncadd.s32 $0xFFFFC000  }
0xbb: {  	[hbm4b:s6+s3] =	stream.linear.scatter [tilespmem:s22], [sflag:$0x5], $0x4000, $0x38;
	[tilespmem:$0x1C200] =	vst v63  }
0xbc: {  	_ =	swait.ge [sflag:s23], $0x4000  }
0xbd: {  	[sflag:s23] =	ssyncset.done $0x0  }
0xbe: {  	[sflag:s23] =	ssyncadd.s32 $0xFFFFC000  }
0xbf: {  	[tilespmem:s22], [sflag:$0x5] =	stream.linear.gather [spmem:s13], $0x4000, $0x38;
	[tilespmem:$0x1C200] =	vst v63  }
0xc0: {  	_ =	swait.ge [sflag:s23], $0x4000  }
0xc1: {  	[sflag:s23] =	ssyncset.done $0x0  }
0xc2: {  	s7 =	rddreg [dreg:$0x5];
	[sflag:s23] =	ssyncadd.s32 $0xFFFFC000  }
0xc3: {  	[hbm4b:s7+s3] =	stream.linear.scatter [tilespmem:s22], [sflag:$0x5], $0x4000, $0x38;
	[tilespmem:$0x1C200] =	vst v63  }
0xc4: {  	_ =	swait.ge [sflag:s23], $0x4000  }
0xc5: {  	[sflag:s23] =	ssyncset.done $0x0  }
0xc6: {  	[sflag:s23] =	ssyncadd.s32 $0xFFFFC000  }
0xc7: {  	[tilespmem:s22], [sflag:$0x5] =	stream.linear.gather [spmem:s14], $0x4000, $0x38;
	[tilespmem:$0x1C200] =	vst v63  }
0xc8: {  	_ =	swait.ge [sflag:s23], $0x4000  }
0xc9: {  	[sflag:s23] =	ssyncset.done $0x0  }
0xca: {  	[sflag:s23] =	ssyncadd.s32 $0xFFFFC000  }
0xcb: {  	[hbm4b:s8+s3] =	stream.linear.scatter [tilespmem:s22], [sflag:$0x5], $0x4000, $0x38;
	[tilespmem:$0x1C200] =	vst v63  }
0xcc: {  	_ =	swait.ge [sflag:s23], $0x4000  }
0xcd: {  	[sflag:s23] =	ssyncset.done $0x0  }
0xce: {  	[sflag:s23] =	ssyncadd.s32 $0xFFFFC000  }
0xcf: {  	[tilespmem:s22], [sflag:$0x5] =	stream.linear.gather [spmem:s15], $0x4000, $0x38;
	[tilespmem:$0x1C200] =	vst v63  }
0xd0: {  	s1 =	sadd.s32 $0x1, s1;
	_ =	swait.ge [sflag:s23], $0x4000  }
0xd1: {  	p0 =	sne.s32 s1, s11;
	[sflag:s23] =	ssyncset.done $0x0  }
.Ltmp2:
0xd2: {  	[sflag:s23] =	ssyncadd.s32 $0xFFFFC000;
	(pc) =	sbr.rel @p0 .LBB2_1-.Ltmp2, $4  }
0xd3: {  	[hbm4b:s9+s3] =	stream.linear.scatter [tilespmem:s22], [sflag:$0x5], $0x4000, $0x38;
	[tilespmem:$0x1C200] =	vst v63  }
0xd4: {  	_ =	swait.ge [sflag:s23], $0x4000  }
0xd5: {  	[sflag:s23] =	ssyncset.done $0x0  }
0xd6: {  	[sflag:s23] =	ssyncadd.s32 $0xFFFFC000  }
0xd7: {  	_ =	sfence.sel $0x180000  }
0xd8: {  	[bflag:$0x0] =	sbarrier.arrive $0xFFFF  }
0xd9: {  	_ =	strace $0x9000004D  }
0xda: {  	s0 =	stileid.u32;
	[bflag:$0x2] =	sbarrier.arrive $0xFFFF  }
0xdb: {  	p0 =	sne.s32 s0, $0x0;
	s0 =	rddreg [dreg:$0x2]  }
0xdc: {  	s0 =	sadd.s32 @!p0 $0x100000, s0  }
0xdd: {  	[sflag:s0] =	ssyncadd.tile.s32 @!p0 $0x1;
	_ =	shalt  }
.Lfunc_end2:
_tile_overlayer_lowered:
.L_overlay_start_2:
0xde: {  	(tag) =	ssettag $0x2  }
0xdf: {  	s0 =	rddreg [dreg:$0x0];
	s2 =	stileid.u32  }
0xe0: {  	s1 =	rddreg [dreg:$0x1];
	p0 =	sne.s32 s2, $0x0  }
0xe1: {  	s3 =	rddreg [dreg:$0x2];
	[bflag:$0x3] =	sbarrier.arrive $0xFFFF;
	s2 =	simm.s32 @!p0 $0x1C05  }
0xe2: {  	[timem:s3], [sflag:s2] =	dma.local @!p0 [hbm:s0], s1  }
0xe3: {  	s0 =	simm.s32 @!p0 $0x5  }
0xe4: {  	_ =	swait.ge @!p0 [sflag:s0], s1  }
0xe5: {  	s1 =	ssub.s32 @!p0 $0x0, s1;
	[sflag:s0] =	ssyncset.done @!p0 $0x0  }
0xe6: {  	[sflag:s0] =	ssyncadd.s32 @!p0 s1  }
0xe7: {  	[bflag:$0x3] =	sbarrier.arrive $0xFFFF  }
0xe8: {  	_ =	shalt  }

// kernel: kernel.8.cloned.1.call-start
scs
__scs_entry_jumppad:
0x0: {  	(pc) =	sbr.rel $0x88, $3  }
0x1: {  	(tag) =	ssettag $0x0;
	lr =	simm.s32 $0x1  }
0x2: {  	[smem:$0x3F96] =	sst lr;
	_ =	strace $0xD0000000  }
0x3: {  	_ = 	snop  }
0x4: {  	_ = 	snop  }
0x5: {  	_ = 	snop  }
0x6: {  	_ = 	snop  }
0x7: {  	_ = 	snop  }
__scs_overlays_trampoline_lowered:
0x8: {  	[smem:$0x3FA5] =	sst s0  }
0x9: {  	[smem:$0x3FA6] =	sst s1  }
0xa: {  	[smem:$0x3FA7] =	sst s2  }
0xb: {  	[smem:$0x3FA8] =	sst s3  }
0xc: {  	[smem:$0x3FA9] =	sst s4  }
0xd: {  	[smem:$0x3FAA] =	sst s5  }
0xe: {  	[smem:$0x3FAB] =	sst s6  }
0xf: {  	[smem:$0x3FAC] =	sst s7  }
0x10: {  	[smem:$0x3FAD] =	sst s8  }
0x11: {  	[smem:$0x3FAE] =	sst s9;
	s0 =	simm.s32 @!p0 $0x0  }
0x12: {  	s1 =	sld [smem:$0x3F94];
	s0 =	simm.s32 @p0 $0x1  }
0x13: {  	[smem:$0x3FAF] =	sst s0;
	s0 =	simm.s32 @!p1 $0x0  }
0x14: {  	s2 =	sld [smem:$0x3F93];
	s0 =	simm.s32 @p1 $0x1  }
0x15: {  	[smem:$0x3FB0] =	sst s0;
	s0 =	simm.s32 @!p2 $0x0  }
0x16: {  	s3 =	sld [smem:$0x3FDB];
	s0 =	simm.s32 @p2 $0x1  }
0x17: {  	s4 =	simm.s32 $0x1BF5;
	[smem:$0x3FB2] =	sst s0  }
0x18: {  	s0 =	sld [smem:$0x3F95];
	_ =	swait.ge [sflag:s4], $0x0  }
0x19: {  	s7 =	sld [smem:$0x3F96]  }
0x1a: {  	s8 =	sadd.s32 $0xFFFFE003, lr  }
0x1b: {  	s9 =	sadd.s32 $0xFFFFFEF7, lr;
	s5 =	simm.s32 $0xFFFFFFFF;
	p2 =	slt.u32 s8, $0xFFFFF086  }
0x1c: {  	p1 =	slt.u32 s9, $0xF7A;
	s5 =	simm.s32 @!p2 $0x0  }
0x1d: {  	s5 =	simm.s32 @p1 $0x1;
	p0 =	seq.s32 s7, s2  }
0x1e: {  	s7 =	smul.u32 @!p0 $0xF7A, s2;
	p2 =	seq.s32 @!p0 s5, $0x0  }
0x1f: {  	s9 =	smul.u32 $0xF7A, s1;
	s8 =	simm.s32 @!p0 $0x1BF5;
	p2 =	por !p2, p0  }
0x20: {  	[sflag:s8] =	ssyncset.s32 @!p0 $0xFFFFF086;
	s6 =	sadd.s32 @!p0 s3, s7;
	s7 =	simm.s32 @!p0 $0x108  }
0x21: {  	s3 =	sadd.s32 s3, s9;
	s6 =	sadd.s32 @!p0 $0x88, s6;
	s7 =	simm.s32 @p2 $0x1082  }
0x22: {  	[simem:s7], [sflag:s8] =	dma.local @!p0 [hbm:s6], $0xF7A  }
0x23: {  	s9 =	sor.u32 $0xD0000000, s2;
	s6 =	simm.s32 $0x108;
	_ =	swait.ge @!p0 [sflag:s8], $0x0  }
0x24: {  	s3 =	sadd.s32 $0x88, s3;
	s6 =	simm.s32 @!p1 $0x1082;
	[sflag:s4] =	ssyncset.s32 $0xFFFFF086  }
0x25: {  	[simem:s6], [sflag:s4] =	dma.local [hbm:s3], $0xF7A  }
0x26: {  	[smem:$0x3F96] =	sst s1;
	(tag) =	ssettag s2;
	_ =	strace s9  }
0x27: {  	s1 =	sld [smem:$0x3FA6]  }
0x28: {  	s2 =	sld [smem:$0x3FA7]  }
0x29: {  	s4 =	sld [smem:$0x3FA9]  }
0x2a: {  	p0 =	seq.s32 s5, $0x0;
	s5 =	sld [smem:$0x3FAA]  }
0x2b: {  	s6 =	sld [smem:$0x3FAB]  }
0x2c: {  	s7 =	sld [smem:$0x3FAC]  }
0x2d: {  	s3 =	simm.s32 $0x108;
	s8 =	sld [smem:$0x3FAD]  }
0x2e: {  	s3 =	simm.s32 @!p0 $0x1082;
	s9 =	sld [smem:$0x3FAE]  }
0x2f: {  	lr =	sadd.s32 s0, s3;
	s0 =	sld [smem:$0x3FA5]  }
0x30: {  	s3 =	sld [smem:$0x3FA8]  }
0x31: {  	[smem:$0x3FB1] =	sst s10  }
0x32: {  	s10 =	sld [smem:$0x3FAF];
	_ =	sdelay $0x3  }
0x33: {  	p0 =	seq.s32 s10, $0x1;
	s10 =	sld [smem:$0x3FB1];
	_ =	sdelay $0x3  }
0x34: {  	[smem:$0x3FB1] =	sst s10  }
0x35: {  	s10 =	sld [smem:$0x3FB0];
	_ =	sdelay $0x3  }
0x36: {  	p1 =	seq.s32 s10, $0x1;
	s10 =	sld [smem:$0x3FB1];
	_ =	sdelay $0x3  }
0x37: {  	[smem:$0x3FB1] =	sst s10  }
0x38: {  	s10 =	sld [smem:$0x3FB2]  }
0x39: {  	_ = 	snop;
	(pc) =	sbr.ind lr, $3  }
0x3a: {  	_ = 	snop  }
0x3b: {  	_ = 	snop  }
0x3c: {  	p2 =	seq.s32 s10, $0x1;
	s10 =	sld [smem:$0x3FB1]  }
0x3d: {  	_ =	shalt  }
0x3e: {  	_ =	shalt  }
0x3f: {  	_ =	shalt  }
0x40: {  	_ =	shalt  }
0x41: {  	_ =	shalt  }
0x42: {  	_ =	shalt  }
0x43: {  	_ =	shalt  }
0x44: {  	_ =	shalt  }
0x45: {  	_ =	shalt  }
0x46: {  	_ =	shalt  }
0x47: {  	_ =	shalt  }
0x48: {  	_ =	shalt  }
0x49: {  	_ =	shalt  }
0x4a: {  	_ =	shalt  }
0x4b: {  	_ =	shalt  }
0x4c: {  	_ =	shalt  }
0x4d: {  	_ =	shalt  }
0x4e: {  	_ =	shalt  }
0x4f: {  	_ =	shalt  }
0x50: {  	_ =	shalt  }
0x51: {  	_ =	shalt  }
0x52: {  	_ =	shalt  }
0x53: {  	_ =	shalt  }
0x54: {  	_ =	shalt  }
0x55: {  	_ =	shalt  }
0x56: {  	_ =	shalt  }
0x57: {  	_ =	shalt  }
0x58: {  	_ =	shalt  }
0x59: {  	_ =	shalt  }
0x5a: {  	_ =	shalt  }
0x5b: {  	_ =	shalt  }
0x5c: {  	_ =	shalt  }
0x5d: {  	_ =	shalt  }
0x5e: {  	_ =	shalt  }
0x5f: {  	_ =	shalt  }
0x60: {  	_ =	shalt  }
0x61: {  	_ =	shalt  }
0x62: {  	_ =	shalt  }
0x63: {  	_ =	shalt  }
0x64: {  	_ =	shalt  }
0x65: {  	_ =	shalt  }
0x66: {  	_ =	shalt  }
0x67: {  	_ =	shalt  }
0x68: {  	_ =	shalt  }
0x69: {  	_ =	shalt  }
0x6a: {  	_ =	shalt  }
0x6b: {  	_ =	shalt  }
0x6c: {  	_ =	shalt  }
0x6d: {  	_ =	shalt  }
0x6e: {  	_ =	shalt  }
0x6f: {  	_ =	shalt  }
0x70: {  	_ =	shalt  }
0x71: {  	_ =	shalt  }
0x72: {  	_ =	shalt  }
0x73: {  	_ =	shalt  }
0x74: {  	_ =	shalt  }
0x75: {  	_ =	shalt  }
0x76: {  	_ =	shalt  }
0x77: {  	_ =	shalt  }
0x78: {  	_ =	shalt  }
0x79: {  	_ =	shalt  }
0x7a: {  	_ =	shalt  }
0x7b: {  	_ =	shalt  }
0x7c: {  	_ =	shalt  }
0x7d: {  	_ =	shalt  }
0x7e: {  	_ =	shalt  }
0x7f: {  	_ =	shalt  }
0x80: {  	_ =	shalt  }
0x81: {  	_ =	shalt  }
0x82: {  	_ =	shalt  }
0x83: {  	_ =	shalt  }
0x84: {  	_ =	shalt  }
0x85: {  	_ =	shalt  }
0x86: {  	_ =	shalt  }
0x87: {  	_ =	shalt  }
.Lfunc_end0:
.L_simem_size_0:
called_computation_lowered:
.L_overlay_start_0:
0x88: {  	s2 =	sld [smem:$0x3FD9]  }
0x89: {  	s3 =	sld [smem:$0x3FFE];
	_ =	sdelay $0x1  }
0x8a: {  	s1 =	srdreg.scid  }
0x8b: {  	s0 =	sand.u32 $0x1, s1  }
0x8c: {  	s16 =	sshll.u32 s0, $0xA;
	s2 =	sadd.s32 s3, s2  }
0x8d: {  	s2 =	sadd.s32 s2, s16  }
0x8e: {  	[smem:$0x3FBD] =	sst s2  }
0x8f: {  	_ = 	snop  }
0x90: {  	(tm) =	ssettm $0x1  }
0x91: {  	s17 =	sld [smem:$0x3FFB];
	_ =	sdelay $0x3  }
0x92: {  	_ =	strace s17  }
0x93: {  	s2 =	sld [smem:$0x3FFC];
	_ =	sdelay $0x3  }
0x94: {  	_ =	strace s2  }
0x95: {  	s2 =	sld [smem:$0x3FFD];
	_ =	sdelay $0x3  }
0x96: {  	_ =	strace s2  }
0x97: {  	_ =	strace $0x8FFFFFFF  }
0x98: {  	s18 =	sld [smem:$0x3FDB];
	_ =	sdelay $0x1  }
0x99: {  	s19 =	simm.s32 $_scs_section_size  }
0x9a: {  	s4 =	simm.s32 $_size__tile_overlayer_lowered;
	s5 =	simm.s32 $_tile_overlayer_lowered  }
0x9b: {  	s22 =	simm.s32 $0x1BFF;
	s21 =	sshll.u32 s5, $0x1;
	s2 =	sadd.s32 s19, s18  }
0x9c: {  	s6 =	simm.s32 $0x0;
	s20 =	sshll.u32 s4, $0x1;
	s4 =	sadd.s32 s21, s2  }
0x9d: {  	[timem:s6], [sflag:s22] =	dma.local [hbm:s4], s20  }
0x9e: {  	_ =	swait.ge [sflag:s22], s20  }
0x9f: {  	s3 =	ssub.s32 $0x0, s20;
	[sflag:s22] =	ssyncset.done $0x0  }
0xa0: {  	[sflag:s22] =	ssyncadd.s32 s3;
	_ =	sdelay $0x1  }
0xa1: {  	s23 =	simm.s32 $0x1B8B  }
0xa2: {  	_ =	swait.ge [sflag:s23], $0x1  }
0xa3: {  	[sflag:s23] =	ssyncset.done $0x0  }
0xa4: {  	s25 =	simm.s32 $0x1B8E;
	s24 =	sld [smem:$0x3FFE];
	[sflag:s23] =	ssyncadd.s32 $0xFFFFFFFF  }
0xa5: {  	s26 =	simm.s32 $execute0_lowered;
	[smem:$0x3FD2] =	sst s25  }
0xa6: {  	s4 =	sshll.u32 s26, $0x1;
	_ =	strace $0x80000046;
	[dreg:$0x1] =	wrdreg $0xFFFFFFFF  }
0xa7: {  	s28 =	simm.s32 $_size_execute0_lowered;
	s2 =	sadd.s32 s2, s4;
	[dreg:$0x0] =	wrdreg $0x0  }
0xa8: {  	s4 =	sshll.u32 s28, $0x1;
	[dreg:$0x2] =	wrdreg s2  }
0xa9: {  	[dreg:$0x3] =	wrdreg s4  }
0xaa: {  	[dreg:$0x4] =	wrdreg $0xC0  }
0xab: {  	_ =	task [dreg:s6], $0x5FFFF  }
0xac: {  	[dreg:$0x1] =	wrdreg $0xFFFFFFFF  }
0xad: {  	[dreg:$0x0] =	wrdreg $0x60  }
0xae: {  	[dreg:$0x2] =	wrdreg s24  }
0xaf: {  	[dreg:$0x3] =	wrdreg $0x81000  }
0xb0: {  	[dreg:$0x4] =	wrdreg $0x9  }
0xb1: {  	_ =	task.clear_ibuf [dreg:s6], $0x5FFFF;
	_ =	strace $0x90000046  }
0xb2: {  	s29 =	simm.s32 $0x9;
	_ =	strace $0x80000048  }
0xb3: {  	_ =	swait.ge [sflag:s29], $0x1  }
0xb4: {  	[sflag:s29] =	ssyncadd.s32 $0xFFFFFFFF  }
0xb5: {  	_ =	strace $0x90000048  }
0xb6: {  	_ =	sfence  }
0xb7: {  	s30 =	sld [smem:$0x0];
	_ =	sdelay $0x2  }
0xb8: {  	s31 =	sshll.u32 s1, $0xD;
	s1 =	sshrl.u32 s1, $0x2  }
0xb9: {  	s3 =	sand.u32 $0x4000, s31;
	s1 =	sadd.s32 s1, s30  }
0xba: {  	s0 =	sor.u32 s3, s0;
	s1 =	sshll.u32 s1, $0x11  }
0xbb: {  	s0 =	sor.u32 s1, s0  }
0xbc: {  	s0 =	sadd.s32 $0x8F2B, s0  }
0xbd: {  	[sflag:s0] =	ssyncadd.remote.s32 $0x1  }
0xbe: {  	_ =	sfence.sel $0xFFFF  }
0xbf: {  	[dreg:$0x0] =	wrdreg $0xFFFFFFFF;
	(pc) =	sbr.abs _section_cstart, $3  }
0xc0: {  	[dreg:$0x1] =	wrdreg $0xFFFFFFFF  }
0xc1: {  	_ =	task.clear_ibuf [dreg:s6], $0x2FFFF;
	_ =	strace $0x9FFFFFFF  }
0xc2: {  	(tm) =	ssettm $0x7FFFFFFF  }
0xc3: {  	_ =	shalt  }
tec
execute0_lowered:
.L_overlay_start_1:
0x0: {  	(tag) =	ssettag $0x1  }
0x1: {  	s4 =	rddreg [dreg:$0x0]  }
0x2: {  	s0 =	srdreg.scid;
	s30 =	stileid.u32  }
0x3: {  	s2 =	rddreg [dreg:$0x1];
	s3 =	simm.s32 $0x0;
	s7 =	smul.u32 $0x2800, s30  }
0x4: {  	s5 =	sand.u32 $0x1, s0;
	[smem:$0x7FF] =	sst s3;
	s11 =	smul.u32 $0x280, s30  }
0x5: {  	s18 =	sadd.s32 $0x17200, s4;
	s6 =	smul.u32 $0x28000, s5;
	s31 =	ssub.s32 $0x2, s5  }
0x6: {  	_ =	strace $0x80000047;
	s16 =	smul.u32 $0x140000, s5;
	s8 =	sshrl.u32 s31, $0x1  }
0x7: {  	s12 =	sadd.s32 $0x80, s11;
	s13 =	sor.u32 $0x10, s11;
	s14 =	sadd.s32 $0x90, s11  }
0x8: {  	s15 =	sor.u32 $0x20, s11;
	s17 =	sadd.s32 $0xA0, s11;
	s20 =	sor.u32 $0x30, s11  }
0x9: {  	s21 =	sadd.s32 $0xB0, s11;
	s22 =	sor.u32 $0x40, s11;
	s23 =	sshll.u32 s11, $0x7  }
0xa: {  	s26 =	sadd.s32 $0xC0, s11;
	s28 =	sor.u32 $0x50, s11;
	s29 =	sadd.s32 $0xD0, s11  }
0xb: {  	s0 =	sor.u32 $0x70, s11;
	s6 =	sadd.s32 s7, s6;
	s7 =	smul.u32 $0x50000, s30  }
0xc: {  	v15 =	vlaneseq.u32;
	s1 =	ssub.s32 s31, s8;
	s8 =	smul.u32 $0x14000, s30;
	s10 =	sshll.u32 s12, $0x7  }
0xd: {  	s30 =	sor.u32 $0x60, s11;
	s31 =	sadd.s32 $0xE0, s11;
	v6 =	vor.u32 s20, v15;
	s20 =	simm.s32 $0x4100  }
0xe: {  	v7 =	vor.u32 s21, v15;
	v8 =	vor.u32 s22, v15;
	v9 =	vor.u32 s26, v15;
	s21 =	simm.s32 $0x3;
	s22 =	simm.s32 $0x80;
	s26 =	simm.s32 $0x0  }
0xf: {  	s6 =	sshrl.u32 s6, $0x3;
	s5 =	smax.u32 s1, $0x1;
	s24 =	sadd.s32 s16, s10  }
0x10: {  	s1 =	sadd.s32 $0xF0, s11;
	s19 =	sadd.s32 s6, s4;
	s4 =	sshrl.u32 s7, $0x2  }
0x11: {  	s9 =	sadd.s32 s16, s8;
	s7 =	sadd.s32 s10, s2;
	s8 =	sshrl.u32 s24, $0x3  }
0x12: {  	s24 =	sadd.s32 $0xC000, s23;
	s4 =	sadd.s32 s4, s2;
	s6 =	sshrl.u32 s9, $0x3  }
0x13: {  	s9 =	sadd.s32 $0x8000, s23;
	s8 =	sadd.s32 s18, s8;
	s25 =	sadd.s32 s16, s24  }
0x14: {  	v0 =	vor.u32 s11, v15;
	s23 =	sadd.s32 $0x10000, s23;
	s11 =	sadd.s32 s24, s2;
	s19 =	sadd.s32 $0xD200, s19  }
0x15: {  	s24 =	simm.s32 $0x100;
	s6 =	sadd.s32 s18, s6;
	s10 =	sadd.s32 s16, s9  }
0x16: {  	v16 =	vimm.f32 $0.0e+00;
	s9 =	sadd.s32 s9, s2;
	s25 =	sshrl.u32 s25, $0x3;
	s16 =	sadd.s32 s16, s23  }
0x17: {  	v2 =	vor.u32 s13, v15;
	v3 =	vor.u32 s14, v15;
	v4 =	vor.u32 s15, v15;
	s13 =	sadd.s32 s23, s2;
	s14 =	sadd.s32 $0x4000, s4;
	s15 =	sadd.s32 $0x8000, s4  }
0x18: {  	v17 =	vimm.f32 $1.000000000e+00;
	v1 =	vor.u32 s12, v15;
	v5 =	vor.u32 s17, v15;
	s17 =	sadd.s32 $0x10000, s4;
	s23 =	simm.s32 $0x1;
	s10 =	sshrl.u32 s10, $0x3  }
0x19: {  	v10 =	vor.u32 s28, v15;
	v11 =	vor.u32 s29, v15;
	v14 =	vor.u32 s0, v15;
	s12 =	sadd.s32 s18, s25;
	s25 =	sshrl.u32 s16, $0x3;
	s16 =	sadd.s32 $0xC000, s4  }
0x1a: {  	v12 =	vor.u32 s30, v15;
	v13 =	vor.u32 s31, v15;
	v15 =	vor.u32 s1, v15;
	s10 =	sadd.s32 s18, s10;
	s18 =	sadd.s32 s18, s25;
	s25 =	simm.s32 $0x2  }
.LBB2_1:
0x1b: {  	s28 =	simm.s32 $0x200;
	s29 =	simm.s32 $0x0  }
.LBB2_2:
0x1c: {  	p0 =	sne.s32 s28, $0xFE00;
	[tilespmem:s29+$0x4100] =	vst v16;
	s0 =	smov.u32 s28;
	s28 =	sadd.s32 $0x200, s28  }
.Ltmp0:
0x1d: {  	[tilespmem:s29+$0x100] =	vst v17;
	(pc) =	sbr.rel @p0 .LBB2_2-.Ltmp0, $2  }
0x1e: {  	_ =	sdelay $0x2  }
0x1f: {  	s29 =	sshra.s32 s0, $0x2  }
0x20: {  	[tilespmem:s29+$0x4100] =	vst v16  }
0x21: {  	[tilespmem:s29+$0x100] =	vst v17  }
0x22: {  	[tilespmem:$0x0] =	vst v0  }
0x23: {  	[tilespmem:$0x80] =	vst v1  }
0x24: {  	[tilespmem:$0x10] =	vst v2  }
0x25: {  	[tilespmem:$0x90] =	vst v3  }
0x26: {  	[tilespmem:$0x20] =	vst v4  }
0x27: {  	[tilespmem:$0xA0] =	vst v5  }
0x28: {  	[tilespmem:$0x30] =	vst v6  }
0x29: {  	[tilespmem:$0xB0] =	vst v7  }
0x2a: {  	[tilespmem:$0x40] =	vst v8  }
0x2b: {  	[tilespmem:$0xC0] =	vst v9  }
0x2c: {  	[tilespmem:$0x50] =	vst v10  }
0x2d: {  	[tilespmem:$0xD0] =	vst v11  }
0x2e: {  	[tilespmem:$0x60] =	vst v12  }
0x2f: {  	[tilespmem:$0xE0] =	vst v13  }
0x30: {  	[tilespmem:$0x70] =	vst v14  }
0x31: {  	[tilespmem:$0xF0] =	vst v15  }
0x32: {  	[spmem:s4] =	stream.linear.scatter [tilespmem:s20], [sflag:$0x3], $0x4000, $0x38;
	[tilespmem:$0xA900] =	vst v63  }
0x33: {  	_ =	swait.ge [sflag:s21], $0x4000  }
0x34: {  	[sflag:s21] =	ssyncset.done $0x0  }
0x35: {  	[sflag:s21] =	ssyncadd.s32 $0xFFFFC000  }
0x36: {  	[spmem:s14] =	stream.linear.scatter [tilespmem:s20], [sflag:$0x3], $0x4000, $0x38;
	[tilespmem:$0xA900] =	vst v63  }
0x37: {  	_ =	swait.ge [sflag:s21], $0x4000  }
0x38: {  	[sflag:s21] =	ssyncset.done $0x0  }
0x39: {  	[sflag:s21] =	ssyncadd.s32 $0xFFFFC000  }
0x3a: {  	[spmem:s15] =	stream.linear.scatter [tilespmem:s20], [sflag:$0x3], $0x4000, $0x38;
	[tilespmem:$0xA900] =	vst v63  }
0x3b: {  	_ =	swait.ge [sflag:s21], $0x4000  }
0x3c: {  	[sflag:s21] =	ssyncset.done $0x0  }
0x3d: {  	[sflag:s21] =	ssyncadd.s32 $0xFFFFC000  }
0x3e: {  	[spmem:s16] =	stream.linear.scatter [tilespmem:s20], [sflag:$0x3], $0x4000, $0x38;
	[tilespmem:$0xA900] =	vst v63  }
0x3f: {  	_ =	swait.ge [sflag:s21], $0x4000  }
0x40: {  	[sflag:s21] =	ssyncset.done $0x0  }
0x41: {  	[sflag:s21] =	ssyncadd.s32 $0xFFFFC000  }
0x42: {  	[spmem:s17] =	stream.linear.scatter [tilespmem:s20], [sflag:$0x3], $0x4000, $0x38;
	[tilespmem:$0xA900] =	vst v63  }
0x43: {  	_ =	swait.ge [sflag:s21], $0x4000  }
0x44: {  	[sflag:s21] =	ssyncset.done $0x0  }
0x45: {  	[sflag:s21] =	ssyncadd.s32 $0xFFFFC000  }
0x46: {  	s0 =	simm.s32 $0x0;
	[bflag:$0x0] =	sbarrier.arrive $0xFFFF  }
0x47: {  	[spmem:s2] =	stream.indirect.scatter.add.f32 [tilespmem:s20], [sflag:$0x1], $0x10, s0, s22, $0xb8;
	[tilespmem:$0xA900] =	vst v63  }
0x48: {  	_ = 	snop  }
0x49: {  	[spmem:s2] =	stream.indirect.scatter.add.f32 [tilespmem:s20], [sflag:$0x2], $0x10, s22, s22, $0xb8;
	[tilespmem:$0xA900] =	vst v63  }
0x4a: {  	_ =	swait.ge [sflag:s23], $0x800  }
0x4b: {  	[sflag:s23] =	ssyncset.done $0x0  }
0x4c: {  	s31 =	sadd.s32 $0x0, s19;
	[sflag:s23] =	ssyncadd.s32 $0xFFFFF800  }
0x4d: {  	[tilespmem:s3], [sflag:$0x3] =	stream.linear.gather [hbm4b:s31+s3], $0x80, $0x38;
	[tilespmem:$0xA900] =	vst v63  }
0x4e: {  	_ =	swait.ge [sflag:s21], $0x80  }
0x4f: {  	[sflag:s21] =	ssyncset.done $0x0  }
0x50: {  	[sflag:s21] =	ssyncadd.s32 $0xFFFFFF80  }
0x51: {  	[spmem:s2] =	stream.indirect.scatter.add.f32 [tilespmem:s24], [sflag:$0x1], $0x10, s3, s22, $0xb8;
	[tilespmem:$0xA900] =	vst v63  }
0x52: {  	_ =	swait.ge [sflag:s25], $0x800  }
0x53: {  	[sflag:s25] =	ssyncset.done $0x0  }
0x54: {  	s0 =	sadd.s32 $0x10, s31;
	[sflag:s25] =	ssyncadd.s32 $0xFFFFF800  }
0x55: {  	[tilespmem:s22], [sflag:$0x3] =	stream.linear.gather [hbm4b:s0+s3], $0x80, $0x38;
	[tilespmem:$0xA900] =	vst v63  }
0x56: {  	_ =	swait.ge [sflag:s21], $0x80  }
0x57: {  	[sflag:s21] =	ssyncset.done $0x0  }
0x58: {  	s28 =	simm.s32 $0x20;
	[sflag:s21] =	ssyncadd.s32 $0xFFFFFF80  }
.LBB2_4:
0x59: {  	[spmem:s2] =	stream.indirect.scatter.add.f32 [tilespmem:s24], [sflag:$0x2], $0x10, s22, s22, $0xb8;
	[tilespmem:$0xA900] =	vst v63  }
0x5a: {  	s0 =	smov.u32 s28  }
0x5b: {  	p0 =	sne.s32 s28, $0x4E0;
	s28 =	sadd.s32 $0x20, s28;
	_ =	swait.ge [sflag:s23], $0x800  }
0x5c: {  	[sflag:s23] =	ssyncset.done $0x0  }
0x5d: {  	s0 =	sadd.s32 s0, s19;
	[sflag:s23] =	ssyncadd.s32 $0xFFFFF800  }
0x5e: {  	[tilespmem:s3], [sflag:$0x3] =	stream.linear.gather [hbm4b:s0+s3], $0x80, $0x38;
	[tilespmem:$0xA900] =	vst v63  }
0x5f: {  	_ =	swait.ge [sflag:s21], $0x80  }
0x60: {  	[sflag:s21] =	ssyncset.done $0x0  }
0x61: {  	[sflag:s21] =	ssyncadd.s32 $0xFFFFFF80  }
0x62: {  	[spmem:s2] =	stream.indirect.scatter.add.f32 [tilespmem:s24], [sflag:$0x1], $0x10, s3, s22, $0xb8;
	[tilespmem:$0xA900] =	vst v63  }
0x63: {  	_ =	swait.ge [sflag:s25], $0x800  }
0x64: {  	[sflag:s25] =	ssyncset.done $0x0  }
.Ltmp1:
0x65: {  	s0 =	sadd.s32 $0x10, s0;
	[sflag:s25] =	ssyncadd.s32 $0xFFFFF800;
	(pc) =	sbr.rel @p0 .LBB2_4-.Ltmp1, $4  }
0x66: {  	[tilespmem:s22], [sflag:$0x3] =	stream.linear.gather [hbm4b:s0+s3], $0x80, $0x38;
	[tilespmem:$0xA900] =	vst v63  }
0x67: {  	_ =	swait.ge [sflag:s21], $0x80  }
0x68: {  	[sflag:s21] =	ssyncset.done $0x0  }
0x69: {  	[sflag:s21] =	ssyncadd.s32 $0xFFFFFF80  }
0x6a: {  	[spmem:s2] =	stream.indirect.scatter.add.f32 [tilespmem:s24], [sflag:$0x2], $0x10, s22, s22, $0xb8;
	[tilespmem:$0xA900] =	vst v63  }
0x6b: {  	_ =	swait.ge [sflag:s23], $0x800  }
0x6c: {  	[sflag:s23] =	ssyncset.done $0x0  }
0x6d: {  	[sflag:s23] =	ssyncadd.s32 $0xFFFFF800  }
0x6e: {  	_ =	swait.ge [sflag:s25], $0x800  }
0x6f: {  	[sflag:s25] =	ssyncset.done $0x0  }
0x70: {  	[sflag:s25] =	ssyncadd.s32 $0xFFFFF800  }
0x71: {  	[bflag:$0x0] =	sbarrier.arrive $0xFFFF  }
0x72: {  	[tilespmem:s20], [sflag:$0x3] =	stream.linear.gather [spmem:s4], $0x4000, $0x38;
	[tilespmem:$0xA900] =	vst v63  }
0x73: {  	_ =	swait.ge [sflag:s21], $0x4000  }
0x74: {  	[sflag:s21] =	ssyncset.done $0x0  }
0x75: {  	[sflag:s21] =	ssyncadd.s32 $0xFFFFC000  }
0x76: {  	[hbm4b:s6+s3] =	stream.linear.scatter [tilespmem:s20], [sflag:$0x3], $0x4000, $0x38;
	[tilespmem:$0xA900] =	vst v63  }
0x77: {  	_ =	swait.ge [sflag:s21], $0x4000  }
0x78: {  	[sflag:s21] =	ssyncset.done $0x0  }
0x79: {  	[sflag:s21] =	ssyncadd.s32 $0xFFFFC000  }
0x7a: {  	[tilespmem:s20], [sflag:$0x3] =	stream.linear.gather [spmem:s7], $0x4000, $0x38;
	[tilespmem:$0xA900] =	vst v63  }
0x7b: {  	_ =	swait.ge [sflag:s21], $0x4000  }
0x7c: {  	[sflag:s21] =	ssyncset.done $0x0  }
0x7d: {  	[sflag:s21] =	ssyncadd.s32 $0xFFFFC000  }
0x7e: {  	[hbm4b:s8+s3] =	stream.linear.scatter [tilespmem:s20], [sflag:$0x3], $0x4000, $0x38;
	[tilespmem:$0xA900] =	vst v63  }
0x7f: {  	_ =	swait.ge [sflag:s21], $0x4000  }
0x80: {  	[sflag:s21] =	ssyncset.done $0x0  }
0x81: {  	[sflag:s21] =	ssyncadd.s32 $0xFFFFC000  }
0x82: {  	[tilespmem:s20], [sflag:$0x3] =	stream.linear.gather [spmem:s9], $0x4000, $0x38;
	[tilespmem:$0xA900] =	vst v63  }
0x83: {  	_ =	swait.ge [sflag:s21], $0x4000  }
0x84: {  	[sflag:s21] =	ssyncset.done $0x0  }
0x85: {  	[sflag:s21] =	ssyncadd.s32 $0xFFFFC000  }
0x86: {  	[hbm4b:s10+s3] =	stream.linear.scatter [tilespmem:s20], [sflag:$0x3], $0x4000, $0x38;
	[tilespmem:$0xA900] =	vst v63  }
0x87: {  	_ =	swait.ge [sflag:s21], $0x4000  }
0x88: {  	[sflag:s21] =	ssyncset.done $0x0  }
0x89: {  	[sflag:s21] =	ssyncadd.s32 $0xFFFFC000  }
0x8a: {  	[tilespmem:s20], [sflag:$0x3] =	stream.linear.gather [spmem:s11], $0x4000, $0x38;
	[tilespmem:$0xA900] =	vst v63  }
0x8b: {  	_ =	swait.ge [sflag:s21], $0x4000  }
0x8c: {  	[sflag:s21] =	ssyncset.done $0x0  }
0x8d: {  	[sflag:s21] =	ssyncadd.s32 $0xFFFFC000  }
0x8e: {  	[hbm4b:s12+s3] =	stream.linear.scatter [tilespmem:s20], [sflag:$0x3], $0x4000, $0x38;
	[tilespmem:$0xA900] =	vst v63  }
0x8f: {  	_ =	swait.ge [sflag:s21], $0x4000  }
0x90: {  	[sflag:s21] =	ssyncset.done $0x0  }
0x91: {  	[sflag:s21] =	ssyncadd.s32 $0xFFFFC000  }
0x92: {  	[tilespmem:s20], [sflag:$0x3] =	stream.linear.gather [spmem:s13], $0x4000, $0x38;
	[tilespmem:$0xA900] =	vst v63  }
0x93: {  	s26 =	sadd.s32 $0x1, s26;
	_ =	swait.ge [sflag:s21], $0x4000  }
0x94: {  	p0 =	sne.s32 s26, s5;
	[sflag:s21] =	ssyncset.done $0x0  }
.Ltmp2:
0x95: {  	[sflag:s21] =	ssyncadd.s32 $0xFFFFC000;
	(pc) =	sbr.rel @p0 .LBB2_1-.Ltmp2, $4  }
0x96: {  	[hbm4b:s18+s3] =	stream.linear.scatter [tilespmem:s20], [sflag:$0x3], $0x4000, $0x38;
	[tilespmem:$0xA900] =	vst v63  }
0x97: {  	_ =	swait.ge [sflag:s21], $0x4000  }
0x98: {  	[sflag:s21] =	ssyncset.done $0x0  }
0x99: {  	[sflag:s21] =	ssyncadd.s32 $0xFFFFC000  }
0x9a: {  	_ =	sfence.sel $0x180000  }
0x9b: {  	[bflag:$0x0] =	sbarrier.arrive $0xFFFF  }
0x9c: {  	_ =	strace $0x90000047  }
0x9d: {  	s0 =	stileid.u32;
	[bflag:$0x2] =	sbarrier.arrive $0xFFFF  }
0x9e: {  	p0 =	sne.s32 s0, $0x0;
	s0 =	rddreg [dreg:$0x2]  }
0x9f: {  	s0 =	sadd.s32 @!p0 $0x100000, s0  }
0xa0: {  	[sflag:s0] =	ssyncadd.tile.s32 @!p0 $0x1;
	_ =	shalt  }
.Lfunc_end2:
_tile_overlayer_lowered:
.L_overlay_start_2:
0xa1: {  	(tag) =	ssettag $0x2  }
0xa2: {  	s0 =	rddreg [dreg:$0x0];
	s2 =	stileid.u32  }
0xa3: {  	s1 =	rddreg [dreg:$0x1];
	p0 =	sne.s32 s2, $0x0  }
0xa4: {  	s3 =	rddreg [dreg:$0x2];
	[bflag:$0x3] =	sbarrier.arrive $0xFFFF;
	s2 =	simm.s32 @!p0 $0x1C03  }
0xa5: {  	[timem:s3], [sflag:s2] =	dma.local @!p0 [hbm:s0], s1  }
0xa6: {  	s0 =	simm.s32 @!p0 $0x3  }
0xa7: {  	_ =	swait.ge @!p0 [sflag:s0], s1  }
0xa8: {  	s1 =	ssub.s32 @!p0 $0x0, s1;
	[sflag:s0] =	ssyncset.done @!p0 $0x0  }
0xa9: {  	[sflag:s0] =	ssyncadd.s32 @!p0 s1  }
0xaa: {  	[bflag:$0x3] =	sbarrier.arrive $0xFFFF  }
0xab: {  	_ =	shalt  }

</sc_bundles>
